<compile_context>
chip_gen: v7x
topology: tpu7x:2x2x1
jax: 0.10.2.dev20260603
libtpu: 0.0.44.dev20260713+nightly
codegen_flags: <defaults>
</compile_context>

<pallas_src>
import functools

import jax
import jax.numpy as jnp
from jax import lax
from jax.experimental import pallas as pl
from jax.experimental.pallas import tpu as pltpu
from jax.experimental.pallas import tpu_sc as plsc

N = 10000
E = 320000
D_IN = 128
H = 64
B = 64

NC = 2
NS = 16
NW = NC * NS
EPW = E // NW
CH = 80
NCHUNK = EPW // CH
RPT = N // NS

_mesh = plsc.VectorSubcoreMesh(
    core_axis_name="c", subcore_axis_name="s", num_cores=NC, num_subcores=NS)
_sc_params = pltpu.CompilerParams(use_tc_tiling_on_sc=False)



@functools.partial(
    pl.kernel,
    out_type=jax.ShapeDtypeStruct((NC, NS, RPT, 16), jnp.float32),
    mesh=_mesh,
    scratch_types=[
        pltpu.VMEM_SHARED((N, 16), jnp.float32),
        pltpu.VMEM((125, 16), jnp.float32),
        pltpu.VMEM((CH, 16), jnp.float32),
        pltpu.VMEM((CH,), jnp.int32),
    ],
    compiler_params=_sc_params,
)
def _sc_degree(dst_hbm, out_hbm, deg_sh, zbuf, ones_v, idx_v):
    c = lax.axis_index("c")
    s = lax.axis_index("s")
    base = (c * NS + s) * EPW
    row0 = s * RPT

    def _zb(i, _):
        zbuf[i, :] = jnp.zeros((16,), jnp.float32)
        return 0
    lax.fori_loop(0, 125, _zb, 0)

    def _ob(i, _):
        ones_v[i, :] = jnp.full((16,), 1.0, jnp.float32)
        return 0
    lax.fori_loop(0, CH, _ob, 0)

    for k in range(RPT // 125):
        pltpu.sync_copy(zbuf, deg_sh.at[pl.ds(row0 + k * 125, 125)])
    plsc.subcore_barrier()

    def _chunk(i, _):
        pltpu.sync_copy(dst_hbm.at[pl.ds(base + i * CH, CH)], idx_v)
        pltpu.sync_copy(ones_v, deg_sh.at[idx_v], add=True)
        return 0
    lax.fori_loop(0, NCHUNK, _chunk, 0)

    plsc.subcore_barrier()
    pltpu.sync_copy(deg_sh.at[pl.ds(row0, RPT)], out_hbm.at[c, s])


@functools.partial(
    pl.kernel,
    out_type=jax.ShapeDtypeStruct((NC, NS, RPT, H), jnp.float32),
    mesh=_mesh,
    scratch_types=[
        pltpu.VMEM_SHARED((N, H), jnp.float32),
        pltpu.VMEM((125, H), jnp.float32),
        pltpu.VMEM((CH,), jnp.int32),
        pltpu.VMEM((CH,), jnp.int32),
        pltpu.VMEM((CH,), jnp.int32),
        pltpu.VMEM((CH,), jnp.int32),
        pltpu.VMEM((CH, H), jnp.float32),
        pltpu.VMEM((CH, H), jnp.float32),
        pltpu.SemaphoreType.DMA,
        pltpu.SemaphoreType.DMA,
    ],
    compiler_params=_sc_params,
)
def _sc_scatter(y_hbm, src_hbm, dst_hbm, out_hbm, acc_sh, zbuf,
                is0, is1, id0, id1, r0, r1, sm0, sm1):
    c = lax.axis_index("c")
    s = lax.axis_index("s")
    base = (c * NS + s) * EPW
    row0 = s * RPT
    IS = (is0, is1)
    ID = (id0, id1)
    R = (r0, r1)
    SM = (sm0, sm1)

    def _zb(i, _):
        for j in range(H // 16):
            zbuf[i, pl.ds(j * 16, 16)] = jnp.zeros((16,), jnp.float32)
        return 0
    lax.fori_loop(0, 125, _zb, 0)
    for k in range(RPT // 125):
        pltpu.sync_copy(zbuf, acc_sh.at[pl.ds(row0 + k * 125, 125)])
    plsc.subcore_barrier()

    def _fire(i, b):
        pltpu.sync_copy(src_hbm.at[pl.ds(base + i * CH, CH)], IS[b])
        pltpu.sync_copy(dst_hbm.at[pl.ds(base + i * CH, CH)], ID[b])
        pltpu.async_copy(y_hbm.at[IS[b]], R[b], SM[b])

    _fire(0, 0)
    _fire(1, 1)

    def _body(g, _):
        for b in range(2):
            i = 2 * g + b

            @pl.when(i < NCHUNK)
            def _():
                pltpu.make_async_copy(y_hbm.at[IS[b]], R[b], SM[b]).wait()
                pltpu.sync_copy(R[b], acc_sh.at[ID[b]], add=True)

                @pl.when(i + 2 < NCHUNK)
                def _():
                    _fire(i + 2, b)
        return 0
    lax.fori_loop(0, (NCHUNK + 1) // 2, _body, 0)

    plsc.subcore_barrier()
    pltpu.sync_copy(acc_sh.at[pl.ds(row0, RPT)], out_hbm.at[c, s])



RB = 1000
NRB = N // RB


def _prep_body(x_ref, w_ref, d_ref, y_ref, dv_ref):
    d = d_ref[...]
    deg = (d[0] + d[1])[:, 0:1] + 1.0
    dinv = lax.rsqrt(jnp.maximum(deg, 1.0))
    dv_ref[...] = dinv
    xw = jnp.dot(x_ref[...], w_ref[...], preferred_element_type=jnp.float32)
    y_ref[...] = xw * dinv


_tc_prep = pl.pallas_call(
    _prep_body,
    grid=(NRB,),
    in_specs=[
        pl.BlockSpec((RB, D_IN), lambda i: (i, 0)),
        pl.BlockSpec((D_IN, H), lambda i: (0, 0)),
        pl.BlockSpec((NC, RB, 16), lambda i: (0, i, 0)),
    ],
    out_specs=[
        pl.BlockSpec((RB, H), lambda i: (i, 0)),
        pl.BlockSpec((RB, 1), lambda i: (i, 0)),
    ],
    out_shape=[
        jax.ShapeDtypeStruct((N, H), jnp.float32),
        jax.ShapeDtypeStruct((N, 1), jnp.float32),
    ],
)


def _combine_body(a_ref, y_ref, dv_ref, b_ref, w_ref, o_ref):
    a = a_ref[...]
    sm = a[0] + a[1] + y_ref[...]
    dv = dv_ref[...]
    h = jnp.maximum(sm * dv + b_ref[...], 0.0)
    o_ref[...] = jnp.dot(h, w_ref[...], preferred_element_type=jnp.float32) * dv


_tc_combine = pl.pallas_call(
    _combine_body,
    grid=(NRB,),
    in_specs=[
        pl.BlockSpec((NC, RB, H), lambda i: (0, i, 0)),
        pl.BlockSpec((RB, H), lambda i: (i, 0)),
        pl.BlockSpec((RB, 1), lambda i: (i, 0)),
        pl.BlockSpec((1, H), lambda i: (0, 0)),
        pl.BlockSpec((H, H), lambda i: (0, 0)),
    ],
    out_specs=pl.BlockSpec((RB, H), lambda i: (i, 0)),
    out_shape=jax.ShapeDtypeStruct((N, H), jnp.float32),
)


def _final_body(a_ref, y_ref, dv_ref, b_ref, bat_ref, wm1_ref, bm1_ref,
                wm2_ref, bm2_ref, o_ref, pool_ref):
    i = pl.program_id(0)

    @pl.when(i == 0)
    def _():
        pool_ref[...] = jnp.zeros((B, H + 1), jnp.float32)

    a = a_ref[...]
    sm = a[0] + a[1] + y_ref[...]
    h = jnp.maximum(sm * dv_ref[...] + b_ref[...], 0.0)
    he = jnp.concatenate([h, jnp.ones((RB, 1), jnp.float32)], axis=1)
    bid = lax.broadcasted_iota(jnp.int32, (RB, B), 1)
    oh = (bat_ref[...] == bid).astype(jnp.float32)
    pool_ref[...] += lax.dot_general(
        oh, he, (((0,), (0,)), ((), ())), preferred_element_type=jnp.float32)

    @pl.when(i == NRB - 1)
    def _():
        p = pool_ref[...]
        cnt = jnp.maximum(p[:, H:H + 1], 1.0)
        mean = p[:, 0:H] / cnt
        hid = jnp.maximum(
            jnp.dot(mean, wm1_ref[...], preferred_element_type=jnp.float32)
            + bm1_ref[...], 0.0)
        o_ref[...] = jnp.dot(
            hid, wm2_ref[...], preferred_element_type=jnp.float32) + bm2_ref[...]


_tc_final = pl.pallas_call(
    _final_body,
    grid=(NRB,),
    in_specs=[
        pl.BlockSpec((NC, RB, H), lambda i: (0, i, 0)),
        pl.BlockSpec((RB, H), lambda i: (i, 0)),
        pl.BlockSpec((RB, 1), lambda i: (i, 0)),
        pl.BlockSpec((1, H), lambda i: (0, 0)),
        pl.BlockSpec((RB, 1), lambda i: (i, 0)),
        pl.BlockSpec((H, H // 2), lambda i: (0, 0)),
        pl.BlockSpec((1, H // 2), lambda i: (0, 0)),
        pl.BlockSpec((H // 2, 1), lambda i: (0, 0)),
        pl.BlockSpec((1, 1), lambda i: (0, 0)),
    ],
    out_specs=pl.BlockSpec((B, 1), lambda i: (0, 0)),
    out_shape=jax.ShapeDtypeStruct((B, 1), jnp.float32),
    scratch_shapes=[pltpu.VMEM((B, H + 1), jnp.float32)],
)



def kernel(x, edge_index, batch, W1, b1, W2, b2, W3, b3, Wm1, bm1, Wm2, bm2):
    src = edge_index[0]
    dst = edge_index[1]

    degp = _sc_degree(dst).reshape(NC, N, 16)
    y1, dinv = _tc_prep(x, W1, degp)

    acc1 = _sc_scatter(y1, src, dst).reshape(NC, N, H)
    y2 = _tc_combine(acc1, y1, dinv, b1.reshape(1, H), W2)

    acc2 = _sc_scatter(y2, src, dst).reshape(NC, N, H)
    y3 = _tc_combine(acc2, y2, dinv, b2.reshape(1, H), W3)

    acc3 = _sc_scatter(y3, src, dst).reshape(NC, N, H)
    out = _tc_final(acc3, y3, dinv, b3.reshape(1, H),
                    batch.reshape(N, 1),
                    Wm1, bm1.reshape(1, H // 2), Wm2, bm2.reshape(1, 1))
    return out

# --- scband reference (transcript-rebuilt; emitter-appended) ---
"""Pipeline reference for scband-football-gcn-11072425689238 (READ-ONLY COPY).

The authoritative reference and input builder live on the scoring server;
editing this copy changes nothing except your own understanding.
"""

import jax, jax.numpy as jnp
import numpy as np

N = 10000
E = 320000
D_IN = 128
H = 64
OUT = 1
B = 64


def setup_inputs(seed: int = 0) -> dict:
    key = jax.random.key(seed)
    ks = jax.random.split(key, 16)
    x = jax.random.normal(ks[0], (N, D_IN), dtype=jnp.float32)
    edge_index = jax.random.randint(ks[1], (2, E), 0, N, dtype=jnp.int32)
    batch = jnp.sort(jax.random.randint(ks[2], (N,), 0, B, dtype=jnp.int32))
    # GCN layer weights (x @ W + b convention)
    W1 = jax.random.normal(ks[3], (D_IN, H), dtype=jnp.float32) * (1.0 / np.sqrt(D_IN))
    b1 = jnp.zeros((H,), dtype=jnp.float32)
    W2 = jax.random.normal(ks[4], (H, H), dtype=jnp.float32) * (1.0 / np.sqrt(H))
    b2 = jnp.zeros((H,), dtype=jnp.float32)
    W3 = jax.random.normal(ks[5], (H, H), dtype=jnp.float32) * (1.0 / np.sqrt(H))
    b3 = jnp.zeros((H,), dtype=jnp.float32)
    # MLP head: Linear(H, H//2) -> ReLU -> Linear(H//2, OUT)
    Wm1 = jax.random.normal(ks[6], (H, H // 2), dtype=jnp.float32) * (1.0 / np.sqrt(H))
    bm1 = jnp.zeros((H // 2,), dtype=jnp.float32)
    Wm2 = jax.random.normal(ks[7], (H // 2, OUT), dtype=jnp.float32) * (1.0 / np.sqrt(H // 2))
    bm2 = jnp.zeros((OUT,), dtype=jnp.float32)
    return {"x": x, "edge_index": edge_index, "batch": batch,
            "W1": W1, "b1": b1, "W2": W2, "b2": b2, "W3": W3, "b3": b3,
            "Wm1": Wm1, "bm1": bm1, "Wm2": Wm2, "bm2": bm2}


def _gcn_conv(x, edge_index, W, b):
    # PyG GCNConv: add self-loops, symmetric normalization D^-1/2 (A+I) D^-1/2 X W + b
    loop = jnp.arange(N, dtype=edge_index.dtype)
    src = jnp.concatenate([edge_index[0], loop])
    dst = jnp.concatenate([edge_index[1], loop])
    deg = jax.ops.segment_sum(jnp.ones_like(src, dtype=x.dtype), dst, num_segments=N)
    dinv = jax.lax.rsqrt(jnp.maximum(deg, 1.0))
    norm = dinv[src] * dinv[dst]
    xw = x @ W
    msg = xw[src] * norm[:, None]
    out = jax.ops.segment_sum(msg, dst, num_segments=N) + b
    return out


def _global_mean_pool(h, batch):
    sums = jax.ops.segment_sum(h, batch, num_segments=B)
    counts = jax.ops.segment_sum(jnp.ones((h.shape[0],), dtype=h.dtype), batch, num_segments=B)
    return sums / jnp.maximum(counts, 1.0)[:, None]


def reference(x, edge_index, batch, W1, b1, W2, b2, W3, b3, Wm1, bm1, Wm2, bm2):
    # eval mode: dropout is identity
    h = jax.nn.relu(_gcn_conv(x, edge_index, W1, b1))
    h = jax.nn.relu(_gcn_conv(h, edge_index, W2, b2))
    h = jax.nn.relu(_gcn_conv(h, edge_index, W3, b3))
    pooled = _global_mean_pool(h, batch)
    hid = jax.nn.relu(pooled @ Wm1 + bm1)
    out = hid @ Wm2 + bm2
    return out

if __name__ == "__main__":
    import jax
    _d = setup_inputs()
    print(jax.jit(kernel)(*tuple(_d.values())))

</pallas_src>

<mosaic_0001>
#map = affine_map<(d0, d1) -> (0, 0)>
#map1 = affine_map<(d0, d1) -> (0)>
#map2 = affine_map<(d0, d1) -> (0, 0, 0, 0)>
module attributes {stable_mosaic.version = 14 : i64} {
  func.func @_sc_scatter(%arg0: i32, %arg1: i32, %arg2: memref<10000x64xf32, #tpu.memory_space<hbm>>, %arg3: memref<320000xi32, #tpu.memory_space<hbm>>, %arg4: memref<320000xi32, #tpu.memory_space<hbm>>, %arg5: memref<2x16x625x64xf32, #tpu.memory_space<hbm>>, %arg6: memref<10000x64xf32, #tpu.memory_space<vmem_shared>>, %arg7: memref<125x64xf32, #tpu.memory_space<vmem>>, %arg8: memref<80xi32, #tpu.memory_space<vmem>>, %arg9: memref<80xi32, #tpu.memory_space<vmem>>, %arg10: memref<80xi32, #tpu.memory_space<vmem>>, %arg11: memref<80xi32, #tpu.memory_space<vmem>>, %arg12: memref<80x64xf32, #tpu.memory_space<vmem>>, %arg13: memref<80x64xf32, #tpu.memory_space<vmem>>, %arg14: memref<!tpu.dma_semaphore, #tpu.memory_space<semaphore_mem>>, %arg15: memref<!tpu.dma_semaphore, #tpu.memory_space<semaphore_mem>>) attributes {dimension_semantics = [#tpu.dimension_semantics<core_parallel>, #tpu.dimension_semantics<subcore_parallel>], iteration_bounds = array<i64: 2, 16>, scalar_prefetch = 0 : i64, scratch_operands = 10 : i64, tpu.core_type = #tpu.core_type<sc_vector_subcore>, window_params = [{transform_indices = #map}, {transform_indices = #map1}, {transform_indices = #map1}, {transform_indices = #map2}]} {
    %mul3A = arith.constant 16 : i32
    %mul3A_0 = arith.muli %arg0, %mul3A : i32
    %add3A = arith.addi %mul3A_0, %arg1 : i32
    %mul3A_1 = arith.constant 10000 : i32
    %mul3A_2 = arith.muli %add3A, %mul3A_1 : i32
    %mul3A_3 = arith.constant 625 : i32
    %mul3A_4 = arith.muli %arg1, %mul3A_3 : i32
    %scan3A = arith.constant 0 : i32
    %scan3A_5 = arith.constant 0 : i32
    %scan3A_6 = arith.constant 125 : i32
    %scan3A_7 = arith.addi %scan3A_5, %scan3A_6 : i32
    %scan3A_8 = arith.constant 1 : i32
    %scan3A_9 = scf.for %scan3A_42 = %scan3A_5 to %scan3A_7 step %scan3A_8 iter_args(%scan3A_43 = %scan3A) -> (i32)  : i32 {
      %broadcast_in_dim3A = arith.constant 0.000000e+00 : f32
      %broadcast_in_dim3A_44 = vector.broadcast %broadcast_in_dim3A : f32 to vector<16xf32>
      %swap3A = arith.index_cast %scan3A_42 : i32 to index
      %swap3A_45 = arith.constant 0 : index
      %swap3A_46 = tpu.vector_load %arg7[%swap3A, %swap3A_45] {strides = array<i32>} : memref<125x64xf32, #tpu.memory_space<vmem>>, vector<1x16xf32>,
      %swap3A_47 = vector.shape_cast %swap3A_46 : vector<1x16xf32> to vector<16xf32>
      %swap3A_48 = vector.shape_cast %broadcast_in_dim3A_44 : vector<16xf32> to vector<1x16xf32>
      tpu.vector_store %arg7[%swap3A, %swap3A_45], %swap3A_48 {strides = array<i32>} : memref<125x64xf32, #tpu.memory_space<vmem>>, vector<1x16xf32>,
      %broadcast_in_dim3A_49 = arith.constant 0.000000e+00 : f32
      %broadcast_in_dim3A_50 = vector.broadcast %broadcast_in_dim3A_49 : f32 to vector<16xf32>
      %swap3A_51 = arith.index_cast %scan3A_42 : i32 to index
      %swap3A_52 = arith.constant 16 : index
      %swap3A_53 = tpu.vector_load %arg7[%swap3A_51, %swap3A_52] {strides = array<i32>} : memref<125x64xf32, #tpu.memory_space<vmem>>, vector<1x16xf32>,
      %swap3A_54 = vector.shape_cast %swap3A_53 : vector<1x16xf32> to vector<16xf32>
      %swap3A_55 = vector.shape_cast %broadcast_in_dim3A_50 : vector<16xf32> to vector<1x16xf32>
      tpu.vector_store %arg7[%swap3A_51, %swap3A_52], %swap3A_55 {strides = array<i32>} : memref<125x64xf32, #tpu.memory_space<vmem>>, vector<1x16xf32>,
      %broadcast_in_dim3A_56 = arith.constant 0.000000e+00 : f32
      %broadcast_in_dim3A_57 = vector.broadcast %broadcast_in_dim3A_56 : f32 to vector<16xf32>
      %swap3A_58 = arith.index_cast %scan3A_42 : i32 to index
      %swap3A_59 = arith.constant 32 : index
      %swap3A_60 = tpu.vector_load %arg7[%swap3A_58, %swap3A_59] {strides = array<i32>} : memref<125x64xf32, #tpu.memory_space<vmem>>, vector<1x16xf32>,
      %swap3A_61 = vector.shape_cast %swap3A_60 : vector<1x16xf32> to vector<16xf32>
      %swap3A_62 = vector.shape_cast %broadcast_in_dim3A_57 : vector<16xf32> to vector<1x16xf32>
      tpu.vector_store %arg7[%swap3A_58, %swap3A_59], %swap3A_62 {strides = array<i32>} : memref<125x64xf32, #tpu.memory_space<vmem>>, vector<1x16xf32>,
      %broadcast_in_dim3A_63 = arith.constant 0.000000e+00 : f32
      %broadcast_in_dim3A_64 = vector.broadcast %broadcast_in_dim3A_63 : f32 to vector<16xf32>
      %swap3A_65 = arith.index_cast %scan3A_42 : i32 to index
      %swap3A_66 = arith.constant 48 : index
      %swap3A_67 = tpu.vector_load %arg7[%swap3A_65, %swap3A_66] {strides = array<i32>} : memref<125x64xf32, #tpu.memory_space<vmem>>, vector<1x16xf32>,
      %swap3A_68 = vector.shape_cast %swap3A_67 : vector<1x16xf32> to vector<16xf32>
      %swap3A_69 = vector.shape_cast %broadcast_in_dim3A_64 : vector<16xf32> to vector<1x16xf32>
      tpu.vector_store %arg7[%swap3A_65, %swap3A_66], %swap3A_69 {strides = array<i32>} : memref<125x64xf32, #tpu.memory_space<vmem>>, vector<1x16xf32>,
      %scan3A_70 = arith.constant 0 : i32
      scf.yield %scan3A_70 : i32
    }
    %scan3A_10 = arith.constant 125 : i32
    %add3A_11 = arith.constant 0 : i32
    %add3A_12 = arith.addi %mul3A_4, %add3A_11 : i32
    "tpu.region"() ({
      %run_scoped3A = tpu.sem_alloc : memref<!tpu.dma_semaphore, #tpu.memory_space<semaphore_mem>>
      %dma_start3A_42 = arith.constant 0 : i32
      %dma_start3A_43 = tpu.memref_slice %arg6[%add3A_12, %dma_start3A_42] : memref<10000x64xf32, #tpu.memory_space<vmem_shared>> -> memref<125x64xf32, #tpu.memory_space<vmem_shared>>
      %dma_start3A_44 = arith.constant 0 : i32
      %dma_start3A_45 = tpu.memref_slice %arg6[%add3A_12, %dma_start3A_44] : memref<10000x64xf32, #tpu.memory_space<vmem_shared>> -> memref<125x64xf32, #tpu.memory_space<vmem_shared>>
      tpu.enqueue_dma source(%arg7 : memref<125x64xf32, #tpu.memory_space<vmem>>) target(%dma_start3A_45 : memref<125x64xf32, #tpu.memory_space<vmem_shared>>) target_semaphore(%run_scoped3A : memref<!tpu.dma_semaphore, #tpu.memory_space<semaphore_mem>>)
      %dma_wait3A = arith.constant 0 : i32
      %dma_wait3A_46 = tpu.memref_slice %arg6[%add3A_12, %dma_wait3A] : memref<10000x64xf32, #tpu.memory_space<vmem_shared>> -> memref<125x64xf32, #tpu.memory_space<vmem_shared>>
      %dma_wait3A_47 = arith.constant 0 : i32
      %dma_wait3A_48 = tpu.memref_slice %arg6[%add3A_12, %dma_wait3A_47] : memref<10000x64xf32, #tpu.memory_space<vmem_shared>> -> memref<125x64xf32, #tpu.memory_space<vmem_shared>>
      tpu.wait_dma2 semaphore(%run_scoped3A : memref<!tpu.dma_semaphore, #tpu.memory_space<semaphore_mem>>) src(%arg7 : memref<125x64xf32, #tpu.memory_space<vmem>>) dst(%dma_wait3A_48 : memref<125x64xf32, #tpu.memory_space<vmem_shared>>)
      tpu.yield
    }) : () -> ()
    %add3A_13 = arith.constant 125 : i32
    %add3A_14 = arith.addi %mul3A_4, %add3A_13 : i32
    "tpu.region"() ({
      %run_scoped3A = tpu.sem_alloc : memref<!tpu.dma_semaphore, #tpu.memory_space<semaphore_mem>>
      %dma_start3A_42 = arith.constant 0 : i32
      %dma_start3A_43 = tpu.memref_slice %arg6[%add3A_14, %dma_start3A_42] : memref<10000x64xf32, #tpu.memory_space<vmem_shared>> -> memref<125x64xf32, #tpu.memory_space<vmem_shared>>
      %dma_start3A_44 = arith.constant 0 : i32
      %dma_start3A_45 = tpu.memref_slice %arg6[%add3A_14, %dma_start3A_44] : memref<10000x64xf32, #tpu.memory_space<vmem_shared>> -> memref<125x64xf32, #tpu.memory_space<vmem_shared>>
      tpu.enqueue_dma source(%arg7 : memref<125x64xf32, #tpu.memory_space<vmem>>) target(%dma_start3A_45 : memref<125x64xf32, #tpu.memory_space<vmem_shared>>) target_semaphore(%run_scoped3A : memref<!tpu.dma_semaphore, #tpu.memory_space<semaphore_mem>>)
      %dma_wait3A = arith.constant 0 : i32
      %dma_wait3A_46 = tpu.memref_slice %arg6[%add3A_14, %dma_wait3A] : memref<10000x64xf32, #tpu.memory_space<vmem_shared>> -> memref<125x64xf32, #tpu.memory_space<vmem_shared>>
      %dma_wait3A_47 = arith.constant 0 : i32
      %dma_wait3A_48 = tpu.memref_slice %arg6[%add3A_14, %dma_wait3A_47] : memref<10000x64xf32, #tpu.memory_space<vmem_shared>> -> memref<125x64xf32, #tpu.memory_space<vmem_shared>>
      tpu.wait_dma2 semaphore(%run_scoped3A : memref<!tpu.dma_semaphore, #tpu.memory_space<semaphore_mem>>) src(%arg7 : memref<125x64xf32, #tpu.memory_space<vmem>>) dst(%dma_wait3A_48 : memref<125x64xf32, #tpu.memory_space<vmem_shared>>)
      tpu.yield
    }) : () -> ()
    %add3A_15 = arith.constant 250 : i32
    %add3A_16 = arith.addi %mul3A_4, %add3A_15 : i32
    "tpu.region"() ({
      %run_scoped3A = tpu.sem_alloc : memref<!tpu.dma_semaphore, #tpu.memory_space<semaphore_mem>>
      %dma_start3A_42 = arith.constant 0 : i32
      %dma_start3A_43 = tpu.memref_slice %arg6[%add3A_16, %dma_start3A_42] : memref<10000x64xf32, #tpu.memory_space<vmem_shared>> -> memref<125x64xf32, #tpu.memory_space<vmem_shared>>
      %dma_start3A_44 = arith.constant 0 : i32
      %dma_start3A_45 = tpu.memref_slice %arg6[%add3A_16, %dma_start3A_44] : memref<10000x64xf32, #tpu.memory_space<vmem_shared>> -> memref<125x64xf32, #tpu.memory_space<vmem_shared>>
      tpu.enqueue_dma source(%arg7 : memref<125x64xf32, #tpu.memory_space<vmem>>) target(%dma_start3A_45 : memref<125x64xf32, #tpu.memory_space<vmem_shared>>) target_semaphore(%run_scoped3A : memref<!tpu.dma_semaphore, #tpu.memory_space<semaphore_mem>>)
      %dma_wait3A = arith.constant 0 : i32
      %dma_wait3A_46 = tpu.memref_slice %arg6[%add3A_16, %dma_wait3A] : memref<10000x64xf32, #tpu.memory_space<vmem_shared>> -> memref<125x64xf32, #tpu.memory_space<vmem_shared>>
      %dma_wait3A_47 = arith.constant 0 : i32
      %dma_wait3A_48 = tpu.memref_slice %arg6[%add3A_16, %dma_wait3A_47] : memref<10000x64xf32, #tpu.memory_space<vmem_shared>> -> memref<125x64xf32, #tpu.memory_space<vmem_shared>>
      tpu.wait_dma2 semaphore(%run_scoped3A : memref<!tpu.dma_semaphore, #tpu.memory_space<semaphore_mem>>) src(%arg7 : memref<125x64xf32, #tpu.memory_space<vmem>>) dst(%dma_wait3A_48 : memref<125x64xf32, #tpu.memory_space<vmem_shared>>)
      tpu.yield
    }) : () -> ()
    %add3A_17 = arith.constant 375 : i32
    %add3A_18 = arith.addi %mul3A_4, %add3A_17 : i32
    "tpu.region"() ({
      %run_scoped3A = tpu.sem_alloc : memref<!tpu.dma_semaphore, #tpu.memory_space<semaphore_mem>>
      %dma_start3A_42 = arith.constant 0 : i32
      %dma_start3A_43 = tpu.memref_slice %arg6[%add3A_18, %dma_start3A_42] : memref<10000x64xf32, #tpu.memory_space<vmem_shared>> -> memref<125x64xf32, #tpu.memory_space<vmem_shared>>
      %dma_start3A_44 = arith.constant 0 : i32
      %dma_start3A_45 = tpu.memref_slice %arg6[%add3A_18, %dma_start3A_44] : memref<10000x64xf32, #tpu.memory_space<vmem_shared>> -> memref<125x64xf32, #tpu.memory_space<vmem_shared>>
      tpu.enqueue_dma source(%arg7 : memref<125x64xf32, #tpu.memory_space<vmem>>) target(%dma_start3A_45 : memref<125x64xf32, #tpu.memory_space<vmem_shared>>) target_semaphore(%run_scoped3A : memref<!tpu.dma_semaphore, #tpu.memory_space<semaphore_mem>>)
      %dma_wait3A = arith.constant 0 : i32
      %dma_wait3A_46 = tpu.memref_slice %arg6[%add3A_18, %dma_wait3A] : memref<10000x64xf32, #tpu.memory_space<vmem_shared>> -> memref<125x64xf32, #tpu.memory_space<vmem_shared>>
      %dma_wait3A_47 = arith.constant 0 : i32
      %dma_wait3A_48 = tpu.memref_slice %arg6[%add3A_18, %dma_wait3A_47] : memref<10000x64xf32, #tpu.memory_space<vmem_shared>> -> memref<125x64xf32, #tpu.memory_space<vmem_shared>>
      tpu.wait_dma2 semaphore(%run_scoped3A : memref<!tpu.dma_semaphore, #tpu.memory_space<semaphore_mem>>) src(%arg7 : memref<125x64xf32, #tpu.memory_space<vmem>>) dst(%dma_wait3A_48 : memref<125x64xf32, #tpu.memory_space<vmem_shared>>)
      tpu.yield
    }) : () -> ()
    %add3A_19 = arith.constant 500 : i32
    %add3A_20 = arith.addi %mul3A_4, %add3A_19 : i32
    "tpu.region"() ({
      %run_scoped3A = tpu.sem_alloc : memref<!tpu.dma_semaphore, #tpu.memory_space<semaphore_mem>>
      %dma_start3A_42 = arith.constant 0 : i32
      %dma_start3A_43 = tpu.memref_slice %arg6[%add3A_20, %dma_start3A_42] : memref<10000x64xf32, #tpu.memory_space<vmem_shared>> -> memref<125x64xf32, #tpu.memory_space<vmem_shared>>
      %dma_start3A_44 = arith.constant 0 : i32
      %dma_start3A_45 = tpu.memref_slice %arg6[%add3A_20, %dma_start3A_44] : memref<10000x64xf32, #tpu.memory_space<vmem_shared>> -> memref<125x64xf32, #tpu.memory_space<vmem_shared>>
      tpu.enqueue_dma source(%arg7 : memref<125x64xf32, #tpu.memory_space<vmem>>) target(%dma_start3A_45 : memref<125x64xf32, #tpu.memory_space<vmem_shared>>) target_semaphore(%run_scoped3A : memref<!tpu.dma_semaphore, #tpu.memory_space<semaphore_mem>>)
      %dma_wait3A = arith.constant 0 : i32
      %dma_wait3A_46 = tpu.memref_slice %arg6[%add3A_20, %dma_wait3A] : memref<10000x64xf32, #tpu.memory_space<vmem_shared>> -> memref<125x64xf32, #tpu.memory_space<vmem_shared>>
      %dma_wait3A_47 = arith.constant 0 : i32
      %dma_wait3A_48 = tpu.memref_slice %arg6[%add3A_20, %dma_wait3A_47] : memref<10000x64xf32, #tpu.memory_space<vmem_shared>> -> memref<125x64xf32, #tpu.memory_space<vmem_shared>>
      tpu.wait_dma2 semaphore(%run_scoped3A : memref<!tpu.dma_semaphore, #tpu.memory_space<semaphore_mem>>) src(%arg7 : memref<125x64xf32, #tpu.memory_space<vmem>>) dst(%dma_wait3A_48 : memref<125x64xf32, #tpu.memory_space<vmem_shared>>)
      tpu.yield
    }) : () -> ()
    %barrier3A = arith.constant 0 : index
    tpu.barrier barrier_id(%barrier3A)
    %add3A_21 = arith.constant 0 : i32
    %add3A_22 = arith.addi %mul3A_2, %add3A_21 : i32
    "tpu.region"() ({
      %run_scoped3A = tpu.sem_alloc : memref<!tpu.dma_semaphore, #tpu.memory_space<semaphore_mem>>
      %dma_start3A_42 = tpu.memref_slice %arg3[%add3A_22] : memref<320000xi32, #tpu.memory_space<hbm>> -> memref<80xi32, #tpu.memory_space<hbm>>
      %dma_start3A_43 = tpu.memref_slice %arg3[%add3A_22] : memref<320000xi32, #tpu.memory_space<hbm>> -> memref<80xi32, #tpu.memory_space<hbm>>
      tpu.enqueue_dma source(%dma_start3A_43 : memref<80xi32, #tpu.memory_space<hbm>>) target(%arg8 : memref<80xi32, #tpu.memory_space<vmem>>) target_semaphore(%run_scoped3A : memref<!tpu.dma_semaphore, #tpu.memory_space<semaphore_mem>>)
      %dma_wait3A = tpu.memref_slice %arg3[%add3A_22] : memref<320000xi32, #tpu.memory_space<hbm>> -> memref<80xi32, #tpu.memory_space<hbm>>
      %dma_wait3A_44 = tpu.memref_slice %arg3[%add3A_22] : memref<320000xi32, #tpu.memory_space<hbm>> -> memref<80xi32, #tpu.memory_space<hbm>>
      tpu.wait_dma2 semaphore(%run_scoped3A : memref<!tpu.dma_semaphore, #tpu.memory_space<semaphore_mem>>) src(%dma_wait3A_44 : memref<80xi32, #tpu.memory_space<hbm>>) dst(%arg8 : memref<80xi32, #tpu.memory_space<vmem>>)
      tpu.yield
    }) : () -> ()
    %add3A_23 = arith.constant 0 : i32
    %add3A_24 = arith.addi %mul3A_2, %add3A_23 : i32
    "tpu.region"() ({
      %run_scoped3A = tpu.sem_alloc : memref<!tpu.dma_semaphore, #tpu.memory_space<semaphore_mem>>
      %dma_start3A_42 = tpu.memref_slice %arg4[%add3A_24] : memref<320000xi32, #tpu.memory_space<hbm>> -> memref<80xi32, #tpu.memory_space<hbm>>
      %dma_start3A_43 = tpu.memref_slice %arg4[%add3A_24] : memref<320000xi32, #tpu.memory_space<hbm>> -> memref<80xi32, #tpu.memory_space<hbm>>
      tpu.enqueue_dma source(%dma_start3A_43 : memref<80xi32, #tpu.memory_space<hbm>>) target(%arg10 : memref<80xi32, #tpu.memory_space<vmem>>) target_semaphore(%run_scoped3A : memref<!tpu.dma_semaphore, #tpu.memory_space<semaphore_mem>>)
      %dma_wait3A = tpu.memref_slice %arg4[%add3A_24] : memref<320000xi32, #tpu.memory_space<hbm>> -> memref<80xi32, #tpu.memory_space<hbm>>
      %dma_wait3A_44 = tpu.memref_slice %arg4[%add3A_24] : memref<320000xi32, #tpu.memory_space<hbm>> -> memref<80xi32, #tpu.memory_space<hbm>>
      tpu.wait_dma2 semaphore(%run_scoped3A : memref<!tpu.dma_semaphore, #tpu.memory_space<semaphore_mem>>) src(%dma_wait3A_44 : memref<80xi32, #tpu.memory_space<hbm>>) dst(%arg10 : memref<80xi32, #tpu.memory_space<vmem>>)
      tpu.yield
    }) : () -> ()
    %dma_start3A = arith.constant 0 : i32
    %dma_start3A_25 = arith.constant 0 : i32
    %dma_start3A_26 = tpu.memref_slice %arg2[%dma_start3A, %dma_start3A_25] : memref<10000x64xf32, #tpu.memory_space<hbm>> -> memref<10000x64xf32, #tpu.memory_space<hbm>>
    tpu.enqueue_indirect_dma source(%dma_start3A_26 : memref<10000x64xf32, #tpu.memory_space<hbm>>) target(%arg12 : memref<80x64xf32, #tpu.memory_space<vmem>>) offsets(%arg8 : memref<80xi32, #tpu.memory_space<vmem>>) semaphore(%arg14 : memref<!tpu.dma_semaphore, #tpu.memory_space<semaphore_mem>>)
    %add3A_27 = arith.constant 80 : i32
    %add3A_28 = arith.addi %mul3A_2, %add3A_27 : i32
    "tpu.region"() ({
      %run_scoped3A = tpu.sem_alloc : memref<!tpu.dma_semaphore, #tpu.memory_space<semaphore_mem>>
      %dma_start3A_42 = tpu.memref_slice %arg3[%add3A_28] : memref<320000xi32, #tpu.memory_space<hbm>> -> memref<80xi32, #tpu.memory_space<hbm>>
      %dma_start3A_43 = tpu.memref_slice %arg3[%add3A_28] : memref<320000xi32, #tpu.memory_space<hbm>> -> memref<80xi32, #tpu.memory_space<hbm>>
      tpu.enqueue_dma source(%dma_start3A_43 : memref<80xi32, #tpu.memory_space<hbm>>) target(%arg9 : memref<80xi32, #tpu.memory_space<vmem>>) target_semaphore(%run_scoped3A : memref<!tpu.dma_semaphore, #tpu.memory_space<semaphore_mem>>)
      %dma_wait3A = tpu.memref_slice %arg3[%add3A_28] : memref<320000xi32, #tpu.memory_space<hbm>> -> memref<80xi32, #tpu.memory_space<hbm>>
      %dma_wait3A_44 = tpu.memref_slice %arg3[%add3A_28] : memref<320000xi32, #tpu.memory_space<hbm>> -> memref<80xi32, #tpu.memory_space<hbm>>
      tpu.wait_dma2 semaphore(%run_scoped3A : memref<!tpu.dma_semaphore, #tpu.memory_space<semaphore_mem>>) src(%dma_wait3A_44 : memref<80xi32, #tpu.memory_space<hbm>>) dst(%arg9 : memref<80xi32, #tpu.memory_space<vmem>>)
      tpu.yield
    }) : () -> ()
    %add3A_29 = arith.constant 80 : i32
    %add3A_30 = arith.addi %mul3A_2, %add3A_29 : i32
    "tpu.region"() ({
      %run_scoped3A = tpu.sem_alloc : memref<!tpu.dma_semaphore, #tpu.memory_space<semaphore_mem>>
      %dma_start3A_42 = tpu.memref_slice %arg4[%add3A_30] : memref<320000xi32, #tpu.memory_space<hbm>> -> memref<80xi32, #tpu.memory_space<hbm>>
      %dma_start3A_43 = tpu.memref_slice %arg4[%add3A_30] : memref<320000xi32, #tpu.memory_space<hbm>> -> memref<80xi32, #tpu.memory_space<hbm>>
      tpu.enqueue_dma source(%dma_start3A_43 : memref<80xi32, #tpu.memory_space<hbm>>) target(%arg11 : memref<80xi32, #tpu.memory_space<vmem>>) target_semaphore(%run_scoped3A : memref<!tpu.dma_semaphore, #tpu.memory_space<semaphore_mem>>)
      %dma_wait3A = tpu.memref_slice %arg4[%add3A_30] : memref<320000xi32, #tpu.memory_space<hbm>> -> memref<80xi32, #tpu.memory_space<hbm>>
      %dma_wait3A_44 = tpu.memref_slice %arg4[%add3A_30] : memref<320000xi32, #tpu.memory_space<hbm>> -> memref<80xi32, #tpu.memory_space<hbm>>
      tpu.wait_dma2 semaphore(%run_scoped3A : memref<!tpu.dma_semaphore, #tpu.memory_space<semaphore_mem>>) src(%dma_wait3A_44 : memref<80xi32, #tpu.memory_space<hbm>>) dst(%arg11 : memref<80xi32, #tpu.memory_space<vmem>>)
      tpu.yield
    }) : () -> ()
    %dma_start3A_31 = arith.constant 0 : i32
    %dma_start3A_32 = arith.constant 0 : i32
    %dma_start3A_33 = tpu.memref_slice %arg2[%dma_start3A_31, %dma_start3A_32] : memref<10000x64xf32, #tpu.memory_space<hbm>> -> memref<10000x64xf32, #tpu.memory_space<hbm>>
    tpu.enqueue_indirect_dma source(%dma_start3A_33 : memref<10000x64xf32, #tpu.memory_space<hbm>>) target(%arg13 : memref<80x64xf32, #tpu.memory_space<vmem>>) offsets(%arg9 : memref<80xi32, #tpu.memory_space<vmem>>) semaphore(%arg15 : memref<!tpu.dma_semaphore, #tpu.memory_space<semaphore_mem>>)
    %scan3A_34 = arith.constant 0 : i32
    %scan3A_35 = arith.constant 0 : i32
    %scan3A_36 = arith.constant 63 : i32
    %scan3A_37 = arith.addi %scan3A_35, %scan3A_36 : i32
    %scan3A_38 = arith.constant 1 : i32
    %scan3A_39 = scf.for %scan3A_42 = %scan3A_35 to %scan3A_37 step %scan3A_38 iter_args(%scan3A_43 = %scan3A_34) -> (i32)  : i32 {
      %mul3A_44 = arith.constant 2 : i32
      %mul3A_45 = arith.muli %mul3A_44, %scan3A_42 : i32
      %add3A_46 = arith.constant 0 : i32
      %add3A_47 = arith.addi %mul3A_45, %add3A_46 : i32
      %lt3A = arith.constant 125 : i32
      %lt3A_48 = arith.cmpi slt, %add3A_47, %lt3A : i32
      %convert_element_type3A = arith.extui %lt3A_48 : i1 to i32
      %cond3A = arith.constant 0 : i32
      %cond3A_49 = arith.cmpi ne, %convert_element_type3A, %cond3A : i32
      scf.if %cond3A_49 {
        %dma_wait3A = arith.constant 0 : i32
        %dma_wait3A_60 = arith.constant 0 : i32
        %dma_wait3A_61 = tpu.memref_slice %arg2[%dma_wait3A, %dma_wait3A_60] : memref<10000x64xf32, #tpu.memory_space<hbm>> -> memref<10000x64xf32, #tpu.memory_space<hbm>>
        tpu.wait_indirect_dma semaphore(%arg14 : memref<!tpu.dma_semaphore, #tpu.memory_space<semaphore_mem>>) src(%dma_wait3A_61 : memref<10000x64xf32, #tpu.memory_space<hbm>>) dst(%arg12 : memref<80x64xf32, #tpu.memory_space<vmem>>)
        "tpu.region"() ({
          %run_scoped3A = tpu.sem_alloc : memref<!tpu.dma_semaphore, #tpu.memory_space<semaphore_mem>>
          %dma_start3A_69 = arith.constant 0 : i32
          %dma_start3A_70 = arith.constant 0 : i32
          %dma_start3A_71 = tpu.memref_slice %arg6[%dma_start3A_69, %dma_start3A_70] : memref<10000x64xf32, #tpu.memory_space<vmem_shared>> -> memref<10000x64xf32, #tpu.memory_space<vmem_shared>>
          tpu.enqueue_indirect_dma source(%arg12 : memref<80x64xf32, #tpu.memory_space<vmem>>) target(%dma_start3A_71 : memref<10000x64xf32, #tpu.memory_space<vmem_shared>>) offsets(%arg10 : memref<80xi32, #tpu.memory_space<vmem>>) semaphore(%run_scoped3A : memref<!tpu.dma_semaphore, #tpu.memory_space<semaphore_mem>>) {add = true}
          %dma_wait3A_72 = arith.constant 0 : i32
          %dma_wait3A_73 = arith.constant 0 : i32
          %dma_wait3A_74 = tpu.memref_slice %arg6[%dma_wait3A_72, %dma_wait3A_73] : memref<10000x64xf32, #tpu.memory_space<vmem_shared>> -> memref<10000x64xf32, #tpu.memory_space<vmem_shared>>
          tpu.wait_indirect_dma semaphore(%run_scoped3A : memref<!tpu.dma_semaphore, #tpu.memory_space<semaphore_mem>>) src(%arg12 : memref<80x64xf32, #tpu.memory_space<vmem>>) dst(%dma_wait3A_74 : memref<10000x64xf32, #tpu.memory_space<vmem_shared>>)
          tpu.yield
        }) : () -> ()
        %add3A_62 = arith.constant 2 : i32
        %add3A_63 = arith.addi %add3A_47, %add3A_62 : i32
        %lt3A_64 = arith.constant 125 : i32
        %lt3A_65 = arith.cmpi slt, %add3A_63, %lt3A_64 : i32
        %convert_element_type3A_66 = arith.extui %lt3A_65 : i1 to i32
        %cond3A_67 = arith.constant 0 : i32
        %cond3A_68 = arith.cmpi ne, %convert_element_type3A_66, %cond3A_67 : i32
        scf.if %cond3A_68 {
          %add3A_69 = arith.constant 2 : i32
          %add3A_70 = arith.addi %add3A_47, %add3A_69 : i32
          %mul3A_71 = arith.constant 80 : i32
          %mul3A_72 = arith.muli %add3A_70, %mul3A_71 : i32
          %add3A_73 = arith.addi %mul3A_2, %mul3A_72 : i32
          "tpu.region"() ({
            %run_scoped3A = tpu.sem_alloc : memref<!tpu.dma_semaphore, #tpu.memory_space<semaphore_mem>>
            %dma_start3A_80 = tpu.memref_slice %arg3[%add3A_73] : memref<320000xi32, #tpu.memory_space<hbm>> -> memref<80xi32, #tpu.memory_space<hbm>>
            %dma_start3A_81 = tpu.memref_slice %arg3[%add3A_73] : memref<320000xi32, #tpu.memory_space<hbm>> -> memref<80xi32, #tpu.memory_space<hbm>>
            tpu.enqueue_dma source(%dma_start3A_81 : memref<80xi32, #tpu.memory_space<hbm>>) target(%arg8 : memref<80xi32, #tpu.memory_space<vmem>>) target_semaphore(%run_scoped3A : memref<!tpu.dma_semaphore, #tpu.memory_space<semaphore_mem>>)
            %dma_wait3A_82 = tpu.memref_slice %arg3[%add3A_73] : memref<320000xi32, #tpu.memory_space<hbm>> -> memref<80xi32, #tpu.memory_space<hbm>>
            %dma_wait3A_83 = tpu.memref_slice %arg3[%add3A_73] : memref<320000xi32, #tpu.memory_space<hbm>> -> memref<80xi32, #tpu.memory_space<hbm>>
            tpu.wait_dma2 semaphore(%run_scoped3A : memref<!tpu.dma_semaphore, #tpu.memory_space<semaphore_mem>>) src(%dma_wait3A_83 : memref<80xi32, #tpu.memory_space<hbm>>) dst(%arg8 : memref<80xi32, #tpu.memory_space<vmem>>)
            tpu.yield
          }) : () -> ()
          %mul3A_74 = arith.constant 80 : i32
          %mul3A_75 = arith.muli %add3A_70, %mul3A_74 : i32
          %add3A_76 = arith.addi %mul3A_2, %mul3A_75 : i32
          "tpu.region"() ({
            %run_scoped3A = tpu.sem_alloc : memref<!tpu.dma_semaphore, #tpu.memory_space<semaphore_mem>>
            %dma_start3A_80 = tpu.memref_slice %arg4[%add3A_76] : memref<320000xi32, #tpu.memory_space<hbm>> -> memref<80xi32, #tpu.memory_space<hbm>>
            %dma_start3A_81 = tpu.memref_slice %arg4[%add3A_76] : memref<320000xi32, #tpu.memory_space<hbm>> -> memref<80xi32, #tpu.memory_space<hbm>>
            tpu.enqueue_dma source(%dma_start3A_81 : memref<80xi32, #tpu.memory_space<hbm>>) target(%arg10 : memref<80xi32, #tpu.memory_space<vmem>>) target_semaphore(%run_scoped3A : memref<!tpu.dma_semaphore, #tpu.memory_space<semaphore_mem>>)
            %dma_wait3A_82 = tpu.memref_slice %arg4[%add3A_76] : memref<320000xi32, #tpu.memory_space<hbm>> -> memref<80xi32, #tpu.memory_space<hbm>>
            %dma_wait3A_83 = tpu.memref_slice %arg4[%add3A_76] : memref<320000xi32, #tpu.memory_space<hbm>> -> memref<80xi32, #tpu.memory_space<hbm>>
            tpu.wait_dma2 semaphore(%run_scoped3A : memref<!tpu.dma_semaphore, #tpu.memory_space<semaphore_mem>>) src(%dma_wait3A_83 : memref<80xi32, #tpu.memory_space<hbm>>) dst(%arg10 : memref<80xi32, #tpu.memory_space<vmem>>)
            tpu.yield
          }) : () -> ()
          %dma_start3A_77 = arith.constant 0 : i32
          %dma_start3A_78 = arith.constant 0 : i32
          %dma_start3A_79 = tpu.memref_slice %arg2[%dma_start3A_77, %dma_start3A_78] : memref<10000x64xf32, #tpu.memory_space<hbm>> -> memref<10000x64xf32, #tpu.memory_space<hbm>>
          tpu.enqueue_indirect_dma source(%dma_start3A_79 : memref<10000x64xf32, #tpu.memory_space<hbm>>) target(%arg12 : memref<80x64xf32, #tpu.memory_space<vmem>>) offsets(%arg8 : memref<80xi32, #tpu.memory_space<vmem>>) semaphore(%arg14 : memref<!tpu.dma_semaphore, #tpu.memory_space<semaphore_mem>>)
        } else {
        }
      } else {
      }
      %mul3A_50 = arith.constant 2 : i32
      %mul3A_51 = arith.muli %mul3A_50, %scan3A_42 : i32
      %add3A_52 = arith.constant 1 : i32
      %add3A_53 = arith.addi %mul3A_51, %add3A_52 : i32
      %lt3A_54 = arith.constant 125 : i32
      %lt3A_55 = arith.cmpi slt, %add3A_53, %lt3A_54 : i32
      %convert_element_type3A_56 = arith.extui %lt3A_55 : i1 to i32
      %cond3A_57 = arith.constant 0 : i32
      %cond3A_58 = arith.cmpi ne, %convert_element_type3A_56, %cond3A_57 : i32
      scf.if %cond3A_58 {
        %dma_wait3A = arith.constant 0 : i32
        %dma_wait3A_60 = arith.constant 0 : i32
        %dma_wait3A_61 = tpu.memref_slice %arg2[%dma_wait3A, %dma_wait3A_60] : memref<10000x64xf32, #tpu.memory_space<hbm>> -> memref<10000x64xf32, #tpu.memory_space<hbm>>
        tpu.wait_indirect_dma semaphore(%arg15 : memref<!tpu.dma_semaphore, #tpu.memory_space<semaphore_mem>>) src(%dma_wait3A_61 : memref<10000x64xf32, #tpu.memory_space<hbm>>) dst(%arg13 : memref<80x64xf32, #tpu.memory_space<vmem>>)
        "tpu.region"() ({
          %run_scoped3A = tpu.sem_alloc : memref<!tpu.dma_semaphore, #tpu.memory_space<semaphore_mem>>
          %dma_start3A_69 = arith.constant 0 : i32
          %dma_start3A_70 = arith.constant 0 : i32
          %dma_start3A_71 = tpu.memref_slice %arg6[%dma_start3A_69, %dma_start3A_70] : memref<10000x64xf32, #tpu.memory_space<vmem_shared>> -> memref<10000x64xf32, #tpu.memory_space<vmem_shared>>
          tpu.enqueue_indirect_dma source(%arg13 : memref<80x64xf32, #tpu.memory_space<vmem>>) target(%dma_start3A_71 : memref<10000x64xf32, #tpu.memory_space<vmem_shared>>) offsets(%arg11 : memref<80xi32, #tpu.memory_space<vmem>>) semaphore(%run_scoped3A : memref<!tpu.dma_semaphore, #tpu.memory_space<semaphore_mem>>) {add = true}
          %dma_wait3A_72 = arith.constant 0 : i32
          %dma_wait3A_73 = arith.constant 0 : i32
          %dma_wait3A_74 = tpu.memref_slice %arg6[%dma_wait3A_72, %dma_wait3A_73] : memref<10000x64xf32, #tpu.memory_space<vmem_shared>> -> memref<10000x64xf32, #tpu.memory_space<vmem_shared>>
          tpu.wait_indirect_dma semaphore(%run_scoped3A : memref<!tpu.dma_semaphore, #tpu.memory_space<semaphore_mem>>) src(%arg13 : memref<80x64xf32, #tpu.memory_space<vmem>>) dst(%dma_wait3A_74 : memref<10000x64xf32, #tpu.memory_space<vmem_shared>>)
          tpu.yield
        }) : () -> ()
        %add3A_62 = arith.constant 2 : i32
        %add3A_63 = arith.addi %add3A_53, %add3A_62 : i32
        %lt3A_64 = arith.constant 125 : i32
        %lt3A_65 = arith.cmpi slt, %add3A_63, %lt3A_64 : i32
        %convert_element_type3A_66 = arith.extui %lt3A_65 : i1 to i32
        %cond3A_67 = arith.constant 0 : i32
        %cond3A_68 = arith.cmpi ne, %convert_element_type3A_66, %cond3A_67 : i32
        scf.if %cond3A_68 {
          %add3A_69 = arith.constant 2 : i32
          %add3A_70 = arith.addi %add3A_53, %add3A_69 : i32
          %mul3A_71 = arith.constant 80 : i32
          %mul3A_72 = arith.muli %add3A_70, %mul3A_71 : i32
          %add3A_73 = arith.addi %mul3A_2, %mul3A_72 : i32
          "tpu.region"() ({
            %run_scoped3A = tpu.sem_alloc : memref<!tpu.dma_semaphore, #tpu.memory_space<semaphore_mem>>
            %dma_start3A_80 = tpu.memref_slice %arg3[%add3A_73] : memref<320000xi32, #tpu.memory_space<hbm>> -> memref<80xi32, #tpu.memory_space<hbm>>
            %dma_start3A_81 = tpu.memref_slice %arg3[%add3A_73] : memref<320000xi32, #tpu.memory_space<hbm>> -> memref<80xi32, #tpu.memory_space<hbm>>
            tpu.enqueue_dma source(%dma_start3A_81 : memref<80xi32, #tpu.memory_space<hbm>>) target(%arg9 : memref<80xi32, #tpu.memory_space<vmem>>) target_semaphore(%run_scoped3A : memref<!tpu.dma_semaphore, #tpu.memory_space<semaphore_mem>>)
            %dma_wait3A_82 = tpu.memref_slice %arg3[%add3A_73] : memref<320000xi32, #tpu.memory_space<hbm>> -> memref<80xi32, #tpu.memory_space<hbm>>
            %dma_wait3A_83 = tpu.memref_slice %arg3[%add3A_73] : memref<320000xi32, #tpu.memory_space<hbm>> -> memref<80xi32, #tpu.memory_space<hbm>>
            tpu.wait_dma2 semaphore(%run_scoped3A : memref<!tpu.dma_semaphore, #tpu.memory_space<semaphore_mem>>) src(%dma_wait3A_83 : memref<80xi32, #tpu.memory_space<hbm>>) dst(%arg9 : memref<80xi32, #tpu.memory_space<vmem>>)
            tpu.yield
          }) : () -> ()
          %mul3A_74 = arith.constant 80 : i32
          %mul3A_75 = arith.muli %add3A_70, %mul3A_74 : i32
          %add3A_76 = arith.addi %mul3A_2, %mul3A_75 : i32
          "tpu.region"() ({
            %run_scoped3A = tpu.sem_alloc : memref<!tpu.dma_semaphore, #tpu.memory_space<semaphore_mem>>
            %dma_start3A_80 = tpu.memref_slice %arg4[%add3A_76] : memref<320000xi32, #tpu.memory_space<hbm>> -> memref<80xi32, #tpu.memory_space<hbm>>
            %dma_start3A_81 = tpu.memref_slice %arg4[%add3A_76] : memref<320000xi32, #tpu.memory_space<hbm>> -> memref<80xi32, #tpu.memory_space<hbm>>
            tpu.enqueue_dma source(%dma_start3A_81 : memref<80xi32, #tpu.memory_space<hbm>>) target(%arg11 : memref<80xi32, #tpu.memory_space<vmem>>) target_semaphore(%run_scoped3A : memref<!tpu.dma_semaphore, #tpu.memory_space<semaphore_mem>>)
            %dma_wait3A_82 = tpu.memref_slice %arg4[%add3A_76] : memref<320000xi32, #tpu.memory_space<hbm>> -> memref<80xi32, #tpu.memory_space<hbm>>
            %dma_wait3A_83 = tpu.memref_slice %arg4[%add3A_76] : memref<320000xi32, #tpu.memory_space<hbm>> -> memref<80xi32, #tpu.memory_space<hbm>>
            tpu.wait_dma2 semaphore(%run_scoped3A : memref<!tpu.dma_semaphore, #tpu.memory_space<semaphore_mem>>) src(%dma_wait3A_83 : memref<80xi32, #tpu.memory_space<hbm>>) dst(%arg11 : memref<80xi32, #tpu.memory_space<vmem>>)
            tpu.yield
          }) : () -> ()
          %dma_start3A_77 = arith.constant 0 : i32
          %dma_start3A_78 = arith.constant 0 : i32
          %dma_start3A_79 = tpu.memref_slice %arg2[%dma_start3A_77, %dma_start3A_78] : memref<10000x64xf32, #tpu.memory_space<hbm>> -> memref<10000x64xf32, #tpu.memory_space<hbm>>
          tpu.enqueue_indirect_dma source(%dma_start3A_79 : memref<10000x64xf32, #tpu.memory_space<hbm>>) target(%arg13 : memref<80x64xf32, #tpu.memory_space<vmem>>) offsets(%arg9 : memref<80xi32, #tpu.memory_space<vmem>>) semaphore(%arg15 : memref<!tpu.dma_semaphore, #tpu.memory_space<semaphore_mem>>)
        } else {
        }
      } else {
      }
      %scan3A_59 = arith.constant 0 : i32
      scf.yield %scan3A_59 : i32
    }
    %scan3A_40 = arith.constant 63 : i32
    %barrier3A_41 = arith.constant 0 : index
    tpu.barrier barrier_id(%barrier3A_41)
    "tpu.region"() ({
      %run_scoped3A = tpu.sem_alloc : memref<!tpu.dma_semaphore, #tpu.memory_space<semaphore_mem>>
      %dma_start3A_42 = arith.constant 0 : i32
      %dma_start3A_43 = arith.constant 0 : i32
      %dma_start3A_44 = tpu.memref_slice %arg5[%arg0, %arg1, %dma_start3A_42, %dma_start3A_43] : memref<2x16x625x64xf32, #tpu.memory_space<hbm>> -> memref<1x1x625x64xf32, #tpu.memory_space<hbm>>
      %dma_start3A_45 = tpu.memref_squeeze %dma_start3A_44 : memref<1x1x625x64xf32, #tpu.memory_space<hbm>> -> memref<625x64xf32, #tpu.memory_space<hbm>>
      %dma_start3A_46 = arith.constant 0 : i32
      %dma_start3A_47 = tpu.memref_slice %arg6[%mul3A_4, %dma_start3A_46] : memref<10000x64xf32, #tpu.memory_space<vmem_shared>> -> memref<625x64xf32, #tpu.memory_space<vmem_shared>>
      tpu.enqueue_dma source(%dma_start3A_47 : memref<625x64xf32, #tpu.memory_space<vmem_shared>>) target(%dma_start3A_45 : memref<625x64xf32, #tpu.memory_space<hbm>>) target_semaphore(%run_scoped3A : memref<!tpu.dma_semaphore, #tpu.memory_space<semaphore_mem>>)
      %dma_wait3A = arith.constant 0 : i32
      %dma_wait3A_48 = arith.constant 0 : i32
      %dma_wait3A_49 = tpu.memref_slice %arg5[%arg0, %arg1, %dma_wait3A, %dma_wait3A_48] : memref<2x16x625x64xf32, #tpu.memory_space<hbm>> -> memref<1x1x625x64xf32, #tpu.memory_space<hbm>>
      %dma_wait3A_50 = tpu.memref_squeeze %dma_wait3A_49 : memref<1x1x625x64xf32, #tpu.memory_space<hbm>> -> memref<625x64xf32, #tpu.memory_space<hbm>>
      %dma_wait3A_51 = arith.constant 0 : i32
      %dma_wait3A_52 = tpu.memref_slice %arg6[%mul3A_4, %dma_wait3A_51] : memref<10000x64xf32, #tpu.memory_space<vmem_shared>> -> memref<625x64xf32, #tpu.memory_space<vmem_shared>>
      tpu.wait_dma2 semaphore(%run_scoped3A : memref<!tpu.dma_semaphore, #tpu.memory_space<semaphore_mem>>) src(%dma_wait3A_52 : memref<625x64xf32, #tpu.memory_space<vmem_shared>>) dst(%dma_wait3A_50 : memref<625x64xf32, #tpu.memory_space<hbm>>)
      tpu.yield
    }) : () -> ()
    return
  }
}

#map = affine_map<(d0, d1) -> (0)>
#map1 = affine_map<(d0, d1) -> (0, 0, 0, 0)>
module attributes {stable_mosaic.version = 14 : i64} {
  func.func @_sc_degree(%arg0: i32, %arg1: i32, %arg2: memref<320000xi32, #tpu.memory_space<hbm>>, %arg3: memref<2x16x625x16xf32, #tpu.memory_space<hbm>>, %arg4: memref<10000x16xf32, #tpu.memory_space<vmem_shared>>, %arg5: memref<125x16xf32, #tpu.memory_space<vmem>>, %arg6: memref<80x16xf32, #tpu.memory_space<vmem>>, %arg7: memref<80xi32, #tpu.memory_space<vmem>>) attributes {dimension_semantics = [#tpu.dimension_semantics<core_parallel>, #tpu.dimension_semantics<subcore_parallel>], iteration_bounds = array<i64: 2, 16>, scalar_prefetch = 0 : i64, scratch_operands = 4 : i64, tpu.core_type = #tpu.core_type<sc_vector_subcore>, window_params = [{transform_indices = #map}, {transform_indices = #map1}]} {
    %mul3A = arith.constant 16 : i32
    %mul3A_0 = arith.muli %arg0, %mul3A : i32
    %add3A = arith.addi %mul3A_0, %arg1 : i32
    %mul3A_1 = arith.constant 10000 : i32
    %mul3A_2 = arith.muli %add3A, %mul3A_1 : i32
    %mul3A_3 = arith.constant 625 : i32
    %mul3A_4 = arith.muli %arg1, %mul3A_3 : i32
    %scan3A = arith.constant 0 : i32
    %scan3A_5 = arith.constant 0 : i32
    %scan3A_6 = arith.constant 125 : i32
    %scan3A_7 = arith.addi %scan3A_5, %scan3A_6 : i32
    %scan3A_8 = arith.constant 1 : i32
    %scan3A_9 = scf.for %scan3A_36 = %scan3A_5 to %scan3A_7 step %scan3A_8 iter_args(%scan3A_37 = %scan3A) -> (i32)  : i32 {
      %broadcast_in_dim3A = arith.constant 0.000000e+00 : f32
      %broadcast_in_dim3A_38 = vector.broadcast %broadcast_in_dim3A : f32 to vector<16xf32>
      %swap3A = arith.index_cast %scan3A_36 : i32 to index
      %swap3A_39 = arith.constant 0 : index
      %swap3A_40 = tpu.vector_load %arg5[%swap3A, %swap3A_39] {strides = array<i32>} : memref<125x16xf32, #tpu.memory_space<vmem>>, vector<1x16xf32>,
      %swap3A_41 = vector.shape_cast %swap3A_40 : vector<1x16xf32> to vector<16xf32>
      %swap3A_42 = vector.shape_cast %broadcast_in_dim3A_38 : vector<16xf32> to vector<1x16xf32>
      tpu.vector_store %arg5[%swap3A, %swap3A_39], %swap3A_42 {strides = array<i32>} : memref<125x16xf32, #tpu.memory_space<vmem>>, vector<1x16xf32>,
      %scan3A_43 = arith.constant 0 : i32
      scf.yield %scan3A_43 : i32
    }
    %scan3A_10 = arith.constant 125 : i32
    %scan3A_11 = arith.constant 0 : i32
    %scan3A_12 = arith.constant 0 : i32
    %scan3A_13 = arith.constant 80 : i32
    %scan3A_14 = arith.addi %scan3A_12, %scan3A_13 : i32
    %scan3A_15 = arith.constant 1 : i32
    %scan3A_16 = scf.for %scan3A_36 = %scan3A_12 to %scan3A_14 step %scan3A_15 iter_args(%scan3A_37 = %scan3A_11) -> (i32)  : i32 {
      %broadcast_in_dim3A = arith.constant 1.000000e+00 : f32
      %broadcast_in_dim3A_38 = vector.broadcast %broadcast_in_dim3A : f32 to vector<16xf32>
      %swap3A = arith.index_cast %scan3A_36 : i32 to index
      %swap3A_39 = arith.constant 0 : index
      %swap3A_40 = tpu.vector_load %arg6[%swap3A, %swap3A_39] {strides = array<i32>} : memref<80x16xf32, #tpu.memory_space<vmem>>, vector<1x16xf32>,
      %swap3A_41 = vector.shape_cast %swap3A_40 : vector<1x16xf32> to vector<16xf32>
      %swap3A_42 = vector.shape_cast %broadcast_in_dim3A_38 : vector<16xf32> to vector<1x16xf32>
      tpu.vector_store %arg6[%swap3A, %swap3A_39], %swap3A_42 {strides = array<i32>} : memref<80x16xf32, #tpu.memory_space<vmem>>, vector<1x16xf32>,
      %scan3A_43 = arith.constant 0 : i32
      scf.yield %scan3A_43 : i32
    }
    %scan3A_17 = arith.constant 80 : i32
    %add3A_18 = arith.constant 0 : i32
    %add3A_19 = arith.addi %mul3A_4, %add3A_18 : i32
    "tpu.region"() ({
      %run_scoped3A = tpu.sem_alloc : memref<!tpu.dma_semaphore, #tpu.memory_space<semaphore_mem>>
      %dma_start3A = arith.constant 0 : i32
      %dma_start3A_36 = tpu.memref_slice %arg4[%add3A_19, %dma_start3A] : memref<10000x16xf32, #tpu.memory_space<vmem_shared>> -> memref<125x16xf32, #tpu.memory_space<vmem_shared>>
      %dma_start3A_37 = arith.constant 0 : i32
      %dma_start3A_38 = tpu.memref_slice %arg4[%add3A_19, %dma_start3A_37] : memref<10000x16xf32, #tpu.memory_space<vmem_shared>> -> memref<125x16xf32, #tpu.memory_space<vmem_shared>>
      tpu.enqueue_dma source(%arg5 : memref<125x16xf32, #tpu.memory_space<vmem>>) target(%dma_start3A_38 : memref<125x16xf32, #tpu.memory_space<vmem_shared>>) target_semaphore(%run_scoped3A : memref<!tpu.dma_semaphore, #tpu.memory_space<semaphore_mem>>)
      %dma_wait3A = arith.constant 0 : i32
      %dma_wait3A_39 = tpu.memref_slice %arg4[%add3A_19, %dma_wait3A] : memref<10000x16xf32, #tpu.memory_space<vmem_shared>> -> memref<125x16xf32, #tpu.memory_space<vmem_shared>>
      %dma_wait3A_40 = arith.constant 0 : i32
      %dma_wait3A_41 = tpu.memref_slice %arg4[%add3A_19, %dma_wait3A_40] : memref<10000x16xf32, #tpu.memory_space<vmem_shared>> -> memref<125x16xf32, #tpu.memory_space<vmem_shared>>
      tpu.wait_dma2 semaphore(%run_scoped3A : memref<!tpu.dma_semaphore, #tpu.memory_space<semaphore_mem>>) src(%arg5 : memref<125x16xf32, #tpu.memory_space<vmem>>) dst(%dma_wait3A_41 : memref<125x16xf32, #tpu.memory_space<vmem_shared>>)
      tpu.yield
    }) : () -> ()
    %add3A_20 = arith.constant 125 : i32
    %add3A_21 = arith.addi %mul3A_4, %add3A_20 : i32
    "tpu.region"() ({
      %run_scoped3A = tpu.sem_alloc : memref<!tpu.dma_semaphore, #tpu.memory_space<semaphore_mem>>
      %dma_start3A = arith.constant 0 : i32
      %dma_start3A_36 = tpu.memref_slice %arg4[%add3A_21, %dma_start3A] : memref<10000x16xf32, #tpu.memory_space<vmem_shared>> -> memref<125x16xf32, #tpu.memory_space<vmem_shared>>
      %dma_start3A_37 = arith.constant 0 : i32
      %dma_start3A_38 = tpu.memref_slice %arg4[%add3A_21, %dma_start3A_37] : memref<10000x16xf32, #tpu.memory_space<vmem_shared>> -> memref<125x16xf32, #tpu.memory_space<vmem_shared>>
      tpu.enqueue_dma source(%arg5 : memref<125x16xf32, #tpu.memory_space<vmem>>) target(%dma_start3A_38 : memref<125x16xf32, #tpu.memory_space<vmem_shared>>) target_semaphore(%run_scoped3A : memref<!tpu.dma_semaphore, #tpu.memory_space<semaphore_mem>>)
      %dma_wait3A = arith.constant 0 : i32
      %dma_wait3A_39 = tpu.memref_slice %arg4[%add3A_21, %dma_wait3A] : memref<10000x16xf32, #tpu.memory_space<vmem_shared>> -> memref<125x16xf32, #tpu.memory_space<vmem_shared>>
      %dma_wait3A_40 = arith.constant 0 : i32
      %dma_wait3A_41 = tpu.memref_slice %arg4[%add3A_21, %dma_wait3A_40] : memref<10000x16xf32, #tpu.memory_space<vmem_shared>> -> memref<125x16xf32, #tpu.memory_space<vmem_shared>>
      tpu.wait_dma2 semaphore(%run_scoped3A : memref<!tpu.dma_semaphore, #tpu.memory_space<semaphore_mem>>) src(%arg5 : memref<125x16xf32, #tpu.memory_space<vmem>>) dst(%dma_wait3A_41 : memref<125x16xf32, #tpu.memory_space<vmem_shared>>)
      tpu.yield
    }) : () -> ()
    %add3A_22 = arith.constant 250 : i32
    %add3A_23 = arith.addi %mul3A_4, %add3A_22 : i32
    "tpu.region"() ({
      %run_scoped3A = tpu.sem_alloc : memref<!tpu.dma_semaphore, #tpu.memory_space<semaphore_mem>>
      %dma_start3A = arith.constant 0 : i32
      %dma_start3A_36 = tpu.memref_slice %arg4[%add3A_23, %dma_start3A] : memref<10000x16xf32, #tpu.memory_space<vmem_shared>> -> memref<125x16xf32, #tpu.memory_space<vmem_shared>>
      %dma_start3A_37 = arith.constant 0 : i32
      %dma_start3A_38 = tpu.memref_slice %arg4[%add3A_23, %dma_start3A_37] : memref<10000x16xf32, #tpu.memory_space<vmem_shared>> -> memref<125x16xf32, #tpu.memory_space<vmem_shared>>
      tpu.enqueue_dma source(%arg5 : memref<125x16xf32, #tpu.memory_space<vmem>>) target(%dma_start3A_38 : memref<125x16xf32, #tpu.memory_space<vmem_shared>>) target_semaphore(%run_scoped3A : memref<!tpu.dma_semaphore, #tpu.memory_space<semaphore_mem>>)
      %dma_wait3A = arith.constant 0 : i32
      %dma_wait3A_39 = tpu.memref_slice %arg4[%add3A_23, %dma_wait3A] : memref<10000x16xf32, #tpu.memory_space<vmem_shared>> -> memref<125x16xf32, #tpu.memory_space<vmem_shared>>
      %dma_wait3A_40 = arith.constant 0 : i32
      %dma_wait3A_41 = tpu.memref_slice %arg4[%add3A_23, %dma_wait3A_40] : memref<10000x16xf32, #tpu.memory_space<vmem_shared>> -> memref<125x16xf32, #tpu.memory_space<vmem_shared>>
      tpu.wait_dma2 semaphore(%run_scoped3A : memref<!tpu.dma_semaphore, #tpu.memory_space<semaphore_mem>>) src(%arg5 : memref<125x16xf32, #tpu.memory_space<vmem>>) dst(%dma_wait3A_41 : memref<125x16xf32, #tpu.memory_space<vmem_shared>>)
      tpu.yield
    }) : () -> ()
    %add3A_24 = arith.constant 375 : i32
    %add3A_25 = arith.addi %mul3A_4, %add3A_24 : i32
    "tpu.region"() ({
      %run_scoped3A = tpu.sem_alloc : memref<!tpu.dma_semaphore, #tpu.memory_space<semaphore_mem>>
      %dma_start3A = arith.constant 0 : i32
      %dma_start3A_36 = tpu.memref_slice %arg4[%add3A_25, %dma_start3A] : memref<10000x16xf32, #tpu.memory_space<vmem_shared>> -> memref<125x16xf32, #tpu.memory_space<vmem_shared>>
      %dma_start3A_37 = arith.constant 0 : i32
      %dma_start3A_38 = tpu.memref_slice %arg4[%add3A_25, %dma_start3A_37] : memref<10000x16xf32, #tpu.memory_space<vmem_shared>> -> memref<125x16xf32, #tpu.memory_space<vmem_shared>>
      tpu.enqueue_dma source(%arg5 : memref<125x16xf32, #tpu.memory_space<vmem>>) target(%dma_start3A_38 : memref<125x16xf32, #tpu.memory_space<vmem_shared>>) target_semaphore(%run_scoped3A : memref<!tpu.dma_semaphore, #tpu.memory_space<semaphore_mem>>)
      %dma_wait3A = arith.constant 0 : i32
      %dma_wait3A_39 = tpu.memref_slice %arg4[%add3A_25, %dma_wait3A] : memref<10000x16xf32, #tpu.memory_space<vmem_shared>> -> memref<125x16xf32, #tpu.memory_space<vmem_shared>>
      %dma_wait3A_40 = arith.constant 0 : i32
      %dma_wait3A_41 = tpu.memref_slice %arg4[%add3A_25, %dma_wait3A_40] : memref<10000x16xf32, #tpu.memory_space<vmem_shared>> -> memref<125x16xf32, #tpu.memory_space<vmem_shared>>
      tpu.wait_dma2 semaphore(%run_scoped3A : memref<!tpu.dma_semaphore, #tpu.memory_space<semaphore_mem>>) src(%arg5 : memref<125x16xf32, #tpu.memory_space<vmem>>) dst(%dma_wait3A_41 : memref<125x16xf32, #tpu.memory_space<vmem_shared>>)
      tpu.yield
    }) : () -> ()
    %add3A_26 = arith.constant 500 : i32
    %add3A_27 = arith.addi %mul3A_4, %add3A_26 : i32
    "tpu.region"() ({
      %run_scoped3A = tpu.sem_alloc : memref<!tpu.dma_semaphore, #tpu.memory_space<semaphore_mem>>
      %dma_start3A = arith.constant 0 : i32
      %dma_start3A_36 = tpu.memref_slice %arg4[%add3A_27, %dma_start3A] : memref<10000x16xf32, #tpu.memory_space<vmem_shared>> -> memref<125x16xf32, #tpu.memory_space<vmem_shared>>
      %dma_start3A_37 = arith.constant 0 : i32
      %dma_start3A_38 = tpu.memref_slice %arg4[%add3A_27, %dma_start3A_37] : memref<10000x16xf32, #tpu.memory_space<vmem_shared>> -> memref<125x16xf32, #tpu.memory_space<vmem_shared>>
      tpu.enqueue_dma source(%arg5 : memref<125x16xf32, #tpu.memory_space<vmem>>) target(%dma_start3A_38 : memref<125x16xf32, #tpu.memory_space<vmem_shared>>) target_semaphore(%run_scoped3A : memref<!tpu.dma_semaphore, #tpu.memory_space<semaphore_mem>>)
      %dma_wait3A = arith.constant 0 : i32
      %dma_wait3A_39 = tpu.memref_slice %arg4[%add3A_27, %dma_wait3A] : memref<10000x16xf32, #tpu.memory_space<vmem_shared>> -> memref<125x16xf32, #tpu.memory_space<vmem_shared>>
      %dma_wait3A_40 = arith.constant 0 : i32
      %dma_wait3A_41 = tpu.memref_slice %arg4[%add3A_27, %dma_wait3A_40] : memref<10000x16xf32, #tpu.memory_space<vmem_shared>> -> memref<125x16xf32, #tpu.memory_space<vmem_shared>>
      tpu.wait_dma2 semaphore(%run_scoped3A : memref<!tpu.dma_semaphore, #tpu.memory_space<semaphore_mem>>) src(%arg5 : memref<125x16xf32, #tpu.memory_space<vmem>>) dst(%dma_wait3A_41 : memref<125x16xf32, #tpu.memory_space<vmem_shared>>)
      tpu.yield
    }) : () -> ()
    %barrier3A = arith.constant 0 : index
    tpu.barrier barrier_id(%barrier3A)
    %scan3A_28 = arith.constant 0 : i32
    %scan3A_29 = arith.constant 0 : i32
    %scan3A_30 = arith.constant 125 : i32
    %scan3A_31 = arith.addi %scan3A_29, %scan3A_30 : i32
    %scan3A_32 = arith.constant 1 : i32
    %scan3A_33 = scf.for %scan3A_36 = %scan3A_29 to %scan3A_31 step %scan3A_32 iter_args(%scan3A_37 = %scan3A_28) -> (i32)  : i32 {
      %mul3A_38 = arith.constant 80 : i32
      %mul3A_39 = arith.muli %scan3A_36, %mul3A_38 : i32
      %add3A_40 = arith.addi %mul3A_2, %mul3A_39 : i32
      "tpu.region"() ({
        %run_scoped3A = tpu.sem_alloc : memref<!tpu.dma_semaphore, #tpu.memory_space<semaphore_mem>>
        %dma_start3A = tpu.memref_slice %arg2[%add3A_40] : memref<320000xi32, #tpu.memory_space<hbm>> -> memref<80xi32, #tpu.memory_space<hbm>>
        %dma_start3A_42 = tpu.memref_slice %arg2[%add3A_40] : memref<320000xi32, #tpu.memory_space<hbm>> -> memref<80xi32, #tpu.memory_space<hbm>>
        tpu.enqueue_dma source(%dma_start3A_42 : memref<80xi32, #tpu.memory_space<hbm>>) target(%arg7 : memref<80xi32, #tpu.memory_space<vmem>>) target_semaphore(%run_scoped3A : memref<!tpu.dma_semaphore, #tpu.memory_space<semaphore_mem>>)
        %dma_wait3A = tpu.memref_slice %arg2[%add3A_40] : memref<320000xi32, #tpu.memory_space<hbm>> -> memref<80xi32, #tpu.memory_space<hbm>>
        %dma_wait3A_43 = tpu.memref_slice %arg2[%add3A_40] : memref<320000xi32, #tpu.memory_space<hbm>> -> memref<80xi32, #tpu.memory_space<hbm>>
        tpu.wait_dma2 semaphore(%run_scoped3A : memref<!tpu.dma_semaphore, #tpu.memory_space<semaphore_mem>>) src(%dma_wait3A_43 : memref<80xi32, #tpu.memory_space<hbm>>) dst(%arg7 : memref<80xi32, #tpu.memory_space<vmem>>)
        tpu.yield
      }) : () -> ()
      "tpu.region"() ({
        %run_scoped3A = tpu.sem_alloc : memref<!tpu.dma_semaphore, #tpu.memory_space<semaphore_mem>>
        %dma_start3A = arith.constant 0 : i32
        %dma_start3A_42 = arith.constant 0 : i32
        %dma_start3A_43 = tpu.memref_slice %arg4[%dma_start3A, %dma_start3A_42] : memref<10000x16xf32, #tpu.memory_space<vmem_shared>> -> memref<10000x16xf32, #tpu.memory_space<vmem_shared>>
        tpu.enqueue_indirect_dma source(%arg6 : memref<80x16xf32, #tpu.memory_space<vmem>>) target(%dma_start3A_43 : memref<10000x16xf32, #tpu.memory_space<vmem_shared>>) offsets(%arg7 : memref<80xi32, #tpu.memory_space<vmem>>) semaphore(%run_scoped3A : memref<!tpu.dma_semaphore, #tpu.memory_space<semaphore_mem>>) {add = true}
        %dma_wait3A = arith.constant 0 : i32
        %dma_wait3A_44 = arith.constant 0 : i32
        %dma_wait3A_45 = tpu.memref_slice %arg4[%dma_wait3A, %dma_wait3A_44] : memref<10000x16xf32, #tpu.memory_space<vmem_shared>> -> memref<10000x16xf32, #tpu.memory_space<vmem_shared>>
        tpu.wait_indirect_dma semaphore(%run_scoped3A : memref<!tpu.dma_semaphore, #tpu.memory_space<semaphore_mem>>) src(%arg6 : memref<80x16xf32, #tpu.memory_space<vmem>>) dst(%dma_wait3A_45 : memref<10000x16xf32, #tpu.memory_space<vmem_shared>>)
        tpu.yield
      }) : () -> ()
      %scan3A_41 = arith.constant 0 : i32
      scf.yield %scan3A_41 : i32
    }
    %scan3A_34 = arith.constant 125 : i32
    %barrier3A_35 = arith.constant 0 : index
    tpu.barrier barrier_id(%barrier3A_35)
    "tpu.region"() ({
      %run_scoped3A = tpu.sem_alloc : memref<!tpu.dma_semaphore, #tpu.memory_space<semaphore_mem>>
      %dma_start3A = arith.constant 0 : i32
      %dma_start3A_36 = arith.constant 0 : i32
      %dma_start3A_37 = tpu.memref_slice %arg3[%arg0, %arg1, %dma_start3A, %dma_start3A_36] : memref<2x16x625x16xf32, #tpu.memory_space<hbm>> -> memref<1x1x625x16xf32, #tpu.memory_space<hbm>>
      %dma_start3A_38 = tpu.memref_squeeze %dma_start3A_37 : memref<1x1x625x16xf32, #tpu.memory_space<hbm>> -> memref<625x16xf32, #tpu.memory_space<hbm>>
      %dma_start3A_39 = arith.constant 0 : i32
      %dma_start3A_40 = tpu.memref_slice %arg4[%mul3A_4, %dma_start3A_39] : memref<10000x16xf32, #tpu.memory_space<vmem_shared>> -> memref<625x16xf32, #tpu.memory_space<vmem_shared>>
      tpu.enqueue_dma source(%dma_start3A_40 : memref<625x16xf32, #tpu.memory_space<vmem_shared>>) target(%dma_start3A_38 : memref<625x16xf32, #tpu.memory_space<hbm>>) target_semaphore(%run_scoped3A : memref<!tpu.dma_semaphore, #tpu.memory_space<semaphore_mem>>)
      %dma_wait3A = arith.constant 0 : i32
      %dma_wait3A_41 = arith.constant 0 : i32
      %dma_wait3A_42 = tpu.memref_slice %arg3[%arg0, %arg1, %dma_wait3A, %dma_wait3A_41] : memref<2x16x625x16xf32, #tpu.memory_space<hbm>> -> memref<1x1x625x16xf32, #tpu.memory_space<hbm>>
      %dma_wait3A_43 = tpu.memref_squeeze %dma_wait3A_42 : memref<1x1x625x16xf32, #tpu.memory_space<hbm>> -> memref<625x16xf32, #tpu.memory_space<hbm>>
      %dma_wait3A_44 = arith.constant 0 : i32
      %dma_wait3A_45 = tpu.memref_slice %arg4[%mul3A_4, %dma_wait3A_44] : memref<10000x16xf32, #tpu.memory_space<vmem_shared>> -> memref<625x16xf32, #tpu.memory_space<vmem_shared>>
      tpu.wait_dma2 semaphore(%run_scoped3A : memref<!tpu.dma_semaphore, #tpu.memory_space<semaphore_mem>>) src(%dma_wait3A_45 : memref<625x16xf32, #tpu.memory_space<vmem_shared>>) dst(%dma_wait3A_43 : memref<625x16xf32, #tpu.memory_space<hbm>>)
      tpu.yield
    }) : () -> ()
    return
  }
}

#map = affine_map<(d0, d1) -> (0, 0)>
#map1 = affine_map<(d0, d1) -> (0)>
#map2 = affine_map<(d0, d1) -> (0, 0, 0, 0)>
module attributes {stable_mosaic.version = 14 : i64} {
  func.func @_sc_scatter(%arg0: i32, %arg1: i32, %arg2: memref<10000x64xf32, #tpu.memory_space<hbm>>, %arg3: memref<320000xi32, #tpu.memory_space<hbm>>, %arg4: memref<320000xi32, #tpu.memory_space<hbm>>, %arg5: memref<2x16x625x64xf32, #tpu.memory_space<hbm>>, %arg6: memref<10000x64xf32, #tpu.memory_space<vmem_shared>>, %arg7: memref<125x64xf32, #tpu.memory_space<vmem>>, %arg8: memref<80xi32, #tpu.memory_space<vmem>>, %arg9: memref<80xi32, #tpu.memory_space<vmem>>, %arg10: memref<80xi32, #tpu.memory_space<vmem>>, %arg11: memref<80xi32, #tpu.memory_space<vmem>>, %arg12: memref<80x64xf32, #tpu.memory_space<vmem>>, %arg13: memref<80x64xf32, #tpu.memory_space<vmem>>, %arg14: memref<!tpu.dma_semaphore, #tpu.memory_space<semaphore_mem>>, %arg15: memref<!tpu.dma_semaphore, #tpu.memory_space<semaphore_mem>>) attributes {dimension_semantics = [#tpu.dimension_semantics<core_parallel>, #tpu.dimension_semantics<subcore_parallel>], iteration_bounds = array<i64: 2, 16>, scalar_prefetch = 0 : i64, scratch_operands = 10 : i64, tpu.core_type = #tpu.core_type<sc_vector_subcore>, window_params = [{transform_indices = #map}, {transform_indices = #map1}, {transform_indices = #map1}, {transform_indices = #map2}]} {
    %mul3A = arith.constant 16 : i32
    %mul3A_0 = arith.muli %arg0, %mul3A : i32
    %add3A = arith.addi %mul3A_0, %arg1 : i32
    %mul3A_1 = arith.constant 10000 : i32
    %mul3A_2 = arith.muli %add3A, %mul3A_1 : i32
    %mul3A_3 = arith.constant 625 : i32
    %mul3A_4 = arith.muli %arg1, %mul3A_3 : i32
    %scan3A = arith.constant 0 : i32
    %scan3A_5 = arith.constant 0 : i32
    %scan3A_6 = arith.constant 125 : i32
    %scan3A_7 = arith.addi %scan3A_5, %scan3A_6 : i32
    %scan3A_8 = arith.constant 1 : i32
    %scan3A_9 = scf.for %scan3A_42 = %scan3A_5 to %scan3A_7 step %scan3A_8 iter_args(%scan3A_43 = %scan3A) -> (i32)  : i32 {
      %broadcast_in_dim3A = arith.constant 0.000000e+00 : f32
      %broadcast_in_dim3A_44 = vector.broadcast %broadcast_in_dim3A : f32 to vector<16xf32>
      %swap3A = arith.index_cast %scan3A_42 : i32 to index
      %swap3A_45 = arith.constant 0 : index
      %swap3A_46 = tpu.vector_load %arg7[%swap3A, %swap3A_45] {strides = array<i32>} : memref<125x64xf32, #tpu.memory_space<vmem>>, vector<1x16xf32>,
      %swap3A_47 = vector.shape_cast %swap3A_46 : vector<1x16xf32> to vector<16xf32>
      %swap3A_48 = vector.shape_cast %broadcast_in_dim3A_44 : vector<16xf32> to vector<1x16xf32>
      tpu.vector_store %arg7[%swap3A, %swap3A_45], %swap3A_48 {strides = array<i32>} : memref<125x64xf32, #tpu.memory_space<vmem>>, vector<1x16xf32>,
      %broadcast_in_dim3A_49 = arith.constant 0.000000e+00 : f32
      %broadcast_in_dim3A_50 = vector.broadcast %broadcast_in_dim3A_49 : f32 to vector<16xf32>
      %swap3A_51 = arith.index_cast %scan3A_42 : i32 to index
      %swap3A_52 = arith.constant 16 : index
      %swap3A_53 = tpu.vector_load %arg7[%swap3A_51, %swap3A_52] {strides = array<i32>} : memref<125x64xf32, #tpu.memory_space<vmem>>, vector<1x16xf32>,
      %swap3A_54 = vector.shape_cast %swap3A_53 : vector<1x16xf32> to vector<16xf32>
      %swap3A_55 = vector.shape_cast %broadcast_in_dim3A_50 : vector<16xf32> to vector<1x16xf32>
      tpu.vector_store %arg7[%swap3A_51, %swap3A_52], %swap3A_55 {strides = array<i32>} : memref<125x64xf32, #tpu.memory_space<vmem>>, vector<1x16xf32>,
      %broadcast_in_dim3A_56 = arith.constant 0.000000e+00 : f32
      %broadcast_in_dim3A_57 = vector.broadcast %broadcast_in_dim3A_56 : f32 to vector<16xf32>
      %swap3A_58 = arith.index_cast %scan3A_42 : i32 to index
      %swap3A_59 = arith.constant 32 : index
      %swap3A_60 = tpu.vector_load %arg7[%swap3A_58, %swap3A_59] {strides = array<i32>} : memref<125x64xf32, #tpu.memory_space<vmem>>, vector<1x16xf32>,
      %swap3A_61 = vector.shape_cast %swap3A_60 : vector<1x16xf32> to vector<16xf32>
      %swap3A_62 = vector.shape_cast %broadcast_in_dim3A_57 : vector<16xf32> to vector<1x16xf32>
      tpu.vector_store %arg7[%swap3A_58, %swap3A_59], %swap3A_62 {strides = array<i32>} : memref<125x64xf32, #tpu.memory_space<vmem>>, vector<1x16xf32>,
      %broadcast_in_dim3A_63 = arith.constant 0.000000e+00 : f32
      %broadcast_in_dim3A_64 = vector.broadcast %broadcast_in_dim3A_63 : f32 to vector<16xf32>
      %swap3A_65 = arith.index_cast %scan3A_42 : i32 to index
      %swap3A_66 = arith.constant 48 : index
      %swap3A_67 = tpu.vector_load %arg7[%swap3A_65, %swap3A_66] {strides = array<i32>} : memref<125x64xf32, #tpu.memory_space<vmem>>, vector<1x16xf32>,
      %swap3A_68 = vector.shape_cast %swap3A_67 : vector<1x16xf32> to vector<16xf32>
      %swap3A_69 = vector.shape_cast %broadcast_in_dim3A_64 : vector<16xf32> to vector<1x16xf32>
      tpu.vector_store %arg7[%swap3A_65, %swap3A_66], %swap3A_69 {strides = array<i32>} : memref<125x64xf32, #tpu.memory_space<vmem>>, vector<1x16xf32>,
      %scan3A_70 = arith.constant 0 : i32
      scf.yield %scan3A_70 : i32
    }
    %scan3A_10 = arith.constant 125 : i32
    %add3A_11 = arith.constant 0 : i32
    %add3A_12 = arith.addi %mul3A_4, %add3A_11 : i32
    "tpu.region"() ({
      %run_scoped3A = tpu.sem_alloc : memref<!tpu.dma_semaphore, #tpu.memory_space<semaphore_mem>>
      %dma_start3A_42 = arith.constant 0 : i32
      %dma_start3A_43 = tpu.memref_slice %arg6[%add3A_12, %dma_start3A_42] : memref<10000x64xf32, #tpu.memory_space<vmem_shared>> -> memref<125x64xf32, #tpu.memory_space<vmem_shared>>
      %dma_start3A_44 = arith.constant 0 : i32
      %dma_start3A_45 = tpu.memref_slice %arg6[%add3A_12, %dma_start3A_44] : memref<10000x64xf32, #tpu.memory_space<vmem_shared>> -> memref<125x64xf32, #tpu.memory_space<vmem_shared>>
      tpu.enqueue_dma source(%arg7 : memref<125x64xf32, #tpu.memory_space<vmem>>) target(%dma_start3A_45 : memref<125x64xf32, #tpu.memory_space<vmem_shared>>) target_semaphore(%run_scoped3A : memref<!tpu.dma_semaphore, #tpu.memory_space<semaphore_mem>>)
      %dma_wait3A = arith.constant 0 : i32
      %dma_wait3A_46 = tpu.memref_slice %arg6[%add3A_12, %dma_wait3A] : memref<10000x64xf32, #tpu.memory_space<vmem_shared>> -> memref<125x64xf32, #tpu.memory_space<vmem_shared>>
      %dma_wait3A_47 = arith.constant 0 : i32
      %dma_wait3A_48 = tpu.memref_slice %arg6[%add3A_12, %dma_wait3A_47] : memref<10000x64xf32, #tpu.memory_space<vmem_shared>> -> memref<125x64xf32, #tpu.memory_space<vmem_shared>>
      tpu.wait_dma2 semaphore(%run_scoped3A : memref<!tpu.dma_semaphore, #tpu.memory_space<semaphore_mem>>) src(%arg7 : memref<125x64xf32, #tpu.memory_space<vmem>>) dst(%dma_wait3A_48 : memref<125x64xf32, #tpu.memory_space<vmem_shared>>)
      tpu.yield
    }) : () -> ()
    %add3A_13 = arith.constant 125 : i32
    %add3A_14 = arith.addi %mul3A_4, %add3A_13 : i32
    "tpu.region"() ({
      %run_scoped3A = tpu.sem_alloc : memref<!tpu.dma_semaphore, #tpu.memory_space<semaphore_mem>>
      %dma_start3A_42 = arith.constant 0 : i32
      %dma_start3A_43 = tpu.memref_slice %arg6[%add3A_14, %dma_start3A_42] : memref<10000x64xf32, #tpu.memory_space<vmem_shared>> -> memref<125x64xf32, #tpu.memory_space<vmem_shared>>
      %dma_start3A_44 = arith.constant 0 : i32
      %dma_start3A_45 = tpu.memref_slice %arg6[%add3A_14, %dma_start3A_44] : memref<10000x64xf32, #tpu.memory_space<vmem_shared>> -> memref<125x64xf32, #tpu.memory_space<vmem_shared>>
      tpu.enqueue_dma source(%arg7 : memref<125x64xf32, #tpu.memory_space<vmem>>) target(%dma_start3A_45 : memref<125x64xf32, #tpu.memory_space<vmem_shared>>) target_semaphore(%run_scoped3A : memref<!tpu.dma_semaphore, #tpu.memory_space<semaphore_mem>>)
      %dma_wait3A = arith.constant 0 : i32
      %dma_wait3A_46 = tpu.memref_slice %arg6[%add3A_14, %dma_wait3A] : memref<10000x64xf32, #tpu.memory_space<vmem_shared>> -> memref<125x64xf32, #tpu.memory_space<vmem_shared>>
      %dma_wait3A_47 = arith.constant 0 : i32
      %dma_wait3A_48 = tpu.memref_slice %arg6[%add3A_14, %dma_wait3A_47] : memref<10000x64xf32, #tpu.memory_space<vmem_shared>> -> memref<125x64xf32, #tpu.memory_space<vmem_shared>>
      tpu.wait_dma2 semaphore(%run_scoped3A : memref<!tpu.dma_semaphore, #tpu.memory_space<semaphore_mem>>) src(%arg7 : memref<125x64xf32, #tpu.memory_space<vmem>>) dst(%dma_wait3A_48 : memref<125x64xf32, #tpu.memory_space<vmem_shared>>)
      tpu.yield
    }) : () -> ()
    %add3A_15 = arith.constant 250 : i32
    %add3A_16 = arith.addi %mul3A_4, %add3A_15 : i32
    "tpu.region"() ({
      %run_scoped3A = tpu.sem_alloc : memref<!tpu.dma_semaphore, #tpu.memory_space<semaphore_mem>>
      %dma_start3A_42 = arith.constant 0 : i32
      %dma_start3A_43 = tpu.memref_slice %arg6[%add3A_16, %dma_start3A_42] : memref<10000x64xf32, #tpu.memory_space<vmem_shared>> -> memref<125x64xf32, #tpu.memory_space<vmem_shared>>
      %dma_start3A_44 = arith.constant 0 : i32
      %dma_start3A_45 = tpu.memref_slice %arg6[%add3A_16, %dma_start3A_44] : memref<10000x64xf32, #tpu.memory_space<vmem_shared>> -> memref<125x64xf32, #tpu.memory_space<vmem_shared>>
      tpu.enqueue_dma source(%arg7 : memref<125x64xf32, #tpu.memory_space<vmem>>) target(%dma_start3A_45 : memref<125x64xf32, #tpu.memory_space<vmem_shared>>) target_semaphore(%run_scoped3A : memref<!tpu.dma_semaphore, #tpu.memory_space<semaphore_mem>>)
      %dma_wait3A = arith.constant 0 : i32
      %dma_wait3A_46 = tpu.memref_slice %arg6[%add3A_16, %dma_wait3A] : memref<10000x64xf32, #tpu.memory_space<vmem_shared>> -> memref<125x64xf32, #tpu.memory_space<vmem_shared>>
      %dma_wait3A_47 = arith.constant 0 : i32
      %dma_wait3A_48 = tpu.memref_slice %arg6[%add3A_16, %dma_wait3A_47] : memref<10000x64xf32, #tpu.memory_space<vmem_shared>> -> memref<125x64xf32, #tpu.memory_space<vmem_shared>>
      tpu.wait_dma2 semaphore(%run_scoped3A : memref<!tpu.dma_semaphore, #tpu.memory_space<semaphore_mem>>) src(%arg7 : memref<125x64xf32, #tpu.memory_space<vmem>>) dst(%dma_wait3A_48 : memref<125x64xf32, #tpu.memory_space<vmem_shared>>)
      tpu.yield
    }) : () -> ()
    %add3A_17 = arith.constant 375 : i32
    %add3A_18 = arith.addi %mul3A_4, %add3A_17 : i32
    "tpu.region"() ({
      %run_scoped3A = tpu.sem_alloc : memref<!tpu.dma_semaphore, #tpu.memory_space<semaphore_mem>>
      %dma_start3A_42 = arith.constant 0 : i32
      %dma_start3A_43 = tpu.memref_slice %arg6[%add3A_18, %dma_start3A_42] : memref<10000x64xf32, #tpu.memory_space<vmem_shared>> -> memref<125x64xf32, #tpu.memory_space<vmem_shared>>
      %dma_start3A_44 = arith.constant 0 : i32
      %dma_start3A_45 = tpu.memref_slice %arg6[%add3A_18, %dma_start3A_44] : memref<10000x64xf32, #tpu.memory_space<vmem_shared>> -> memref<125x64xf32, #tpu.memory_space<vmem_shared>>
      tpu.enqueue_dma source(%arg7 : memref<125x64xf32, #tpu.memory_space<vmem>>) target(%dma_start3A_45 : memref<125x64xf32, #tpu.memory_space<vmem_shared>>) target_semaphore(%run_scoped3A : memref<!tpu.dma_semaphore, #tpu.memory_space<semaphore_mem>>)
      %dma_wait3A = arith.constant 0 : i32
      %dma_wait3A_46 = tpu.memref_slice %arg6[%add3A_18, %dma_wait3A] : memref<10000x64xf32, #tpu.memory_space<vmem_shared>> -> memref<125x64xf32, #tpu.memory_space<vmem_shared>>
      %dma_wait3A_47 = arith.constant 0 : i32
      %dma_wait3A_48 = tpu.memref_slice %arg6[%add3A_18, %dma_wait3A_47] : memref<10000x64xf32, #tpu.memory_space<vmem_shared>> -> memref<125x64xf32, #tpu.memory_space<vmem_shared>>
      tpu.wait_dma2 semaphore(%run_scoped3A : memref<!tpu.dma_semaphore, #tpu.memory_space<semaphore_mem>>) src(%arg7 : memref<125x64xf32, #tpu.memory_space<vmem>>) dst(%dma_wait3A_48 : memref<125x64xf32, #tpu.memory_space<vmem_shared>>)
      tpu.yield
    }) : () -> ()
    %add3A_19 = arith.constant 500 : i32
    %add3A_20 = arith.addi %mul3A_4, %add3A_19 : i32
    "tpu.region"() ({
      %run_scoped3A = tpu.sem_alloc : memref<!tpu.dma_semaphore, #tpu.memory_space<semaphore_mem>>
      %dma_start3A_42 = arith.constant 0 : i32
      %dma_start3A_43 = tpu.memref_slice %arg6[%add3A_20, %dma_start3A_42] : memref<10000x64xf32, #tpu.memory_space<vmem_shared>> -> memref<125x64xf32, #tpu.memory_space<vmem_shared>>
      %dma_start3A_44 = arith.constant 0 : i32
      %dma_start3A_45 = tpu.memref_slice %arg6[%add3A_20, %dma_start3A_44] : memref<10000x64xf32, #tpu.memory_space<vmem_shared>> -> memref<125x64xf32, #tpu.memory_space<vmem_shared>>
      tpu.enqueue_dma source(%arg7 : memref<125x64xf32, #tpu.memory_space<vmem>>) target(%dma_start3A_45 : memref<125x64xf32, #tpu.memory_space<vmem_shared>>) target_semaphore(%run_scoped3A : memref<!tpu.dma_semaphore, #tpu.memory_space<semaphore_mem>>)
      %dma_wait3A = arith.constant 0 : i32
      %dma_wait3A_46 = tpu.memref_slice %arg6[%add3A_20, %dma_wait3A] : memref<10000x64xf32, #tpu.memory_space<vmem_shared>> -> memref<125x64xf32, #tpu.memory_space<vmem_shared>>
      %dma_wait3A_47 = arith.constant 0 : i32
      %dma_wait3A_48 = tpu.memref_slice %arg6[%add3A_20, %dma_wait3A_47] : memref<10000x64xf32, #tpu.memory_space<vmem_shared>> -> memref<125x64xf32, #tpu.memory_space<vmem_shared>>
      tpu.wait_dma2 semaphore(%run_scoped3A : memref<!tpu.dma_semaphore, #tpu.memory_space<semaphore_mem>>) src(%arg7 : memref<125x64xf32, #tpu.memory_space<vmem>>) dst(%dma_wait3A_48 : memref<125x64xf32, #tpu.memory_space<vmem_shared>>)
      tpu.yield
    }) : () -> ()
    %barrier3A = arith.constant 0 : index
    tpu.barrier barrier_id(%barrier3A)
    %add3A_21 = arith.constant 0 : i32
    %add3A_22 = arith.addi %mul3A_2, %add3A_21 : i32
    "tpu.region"() ({
      %run_scoped3A = tpu.sem_alloc : memref<!tpu.dma_semaphore, #tpu.memory_space<semaphore_mem>>
      %dma_start3A_42 = tpu.memref_slice %arg3[%add3A_22] : memref<320000xi32, #tpu.memory_space<hbm>> -> memref<80xi32, #tpu.memory_space<hbm>>
      %dma_start3A_43 = tpu.memref_slice %arg3[%add3A_22] : memref<320000xi32, #tpu.memory_space<hbm>> -> memref<80xi32, #tpu.memory_space<hbm>>
      tpu.enqueue_dma source(%dma_start3A_43 : memref<80xi32, #tpu.memory_space<hbm>>) target(%arg8 : memref<80xi32, #tpu.memory_space<vmem>>) target_semaphore(%run_scoped3A : memref<!tpu.dma_semaphore, #tpu.memory_space<semaphore_mem>>)
      %dma_wait3A = tpu.memref_slice %arg3[%add3A_22] : memref<320000xi32, #tpu.memory_space<hbm>> -> memref<80xi32, #tpu.memory_space<hbm>>
      %dma_wait3A_44 = tpu.memref_slice %arg3[%add3A_22] : memref<320000xi32, #tpu.memory_space<hbm>> -> memref<80xi32, #tpu.memory_space<hbm>>
      tpu.wait_dma2 semaphore(%run_scoped3A : memref<!tpu.dma_semaphore, #tpu.memory_space<semaphore_mem>>) src(%dma_wait3A_44 : memref<80xi32, #tpu.memory_space<hbm>>) dst(%arg8 : memref<80xi32, #tpu.memory_space<vmem>>)
      tpu.yield
    }) : () -> ()
    %add3A_23 = arith.constant 0 : i32
    %add3A_24 = arith.addi %mul3A_2, %add3A_23 : i32
    "tpu.region"() ({
      %run_scoped3A = tpu.sem_alloc : memref<!tpu.dma_semaphore, #tpu.memory_space<semaphore_mem>>
      %dma_start3A_42 = tpu.memref_slice %arg4[%add3A_24] : memref<320000xi32, #tpu.memory_space<hbm>> -> memref<80xi32, #tpu.memory_space<hbm>>
      %dma_start3A_43 = tpu.memref_slice %arg4[%add3A_24] : memref<320000xi32, #tpu.memory_space<hbm>> -> memref<80xi32, #tpu.memory_space<hbm>>
      tpu.enqueue_dma source(%dma_start3A_43 : memref<80xi32, #tpu.memory_space<hbm>>) target(%arg10 : memref<80xi32, #tpu.memory_space<vmem>>) target_semaphore(%run_scoped3A : memref<!tpu.dma_semaphore, #tpu.memory_space<semaphore_mem>>)
      %dma_wait3A = tpu.memref_slice %arg4[%add3A_24] : memref<320000xi32, #tpu.memory_space<hbm>> -> memref<80xi32, #tpu.memory_space<hbm>>
      %dma_wait3A_44 = tpu.memref_slice %arg4[%add3A_24] : memref<320000xi32, #tpu.memory_space<hbm>> -> memref<80xi32, #tpu.memory_space<hbm>>
      tpu.wait_dma2 semaphore(%run_scoped3A : memref<!tpu.dma_semaphore, #tpu.memory_space<semaphore_mem>>) src(%dma_wait3A_44 : memref<80xi32, #tpu.memory_space<hbm>>) dst(%arg10 : memref<80xi32, #tpu.memory_space<vmem>>)
      tpu.yield
    }) : () -> ()
    %dma_start3A = arith.constant 0 : i32
    %dma_start3A_25 = arith.constant 0 : i32
    %dma_start3A_26 = tpu.memref_slice %arg2[%dma_start3A, %dma_start3A_25] : memref<10000x64xf32, #tpu.memory_space<hbm>> -> memref<10000x64xf32, #tpu.memory_space<hbm>>
    tpu.enqueue_indirect_dma source(%dma_start3A_26 : memref<10000x64xf32, #tpu.memory_space<hbm>>) target(%arg12 : memref<80x64xf32, #tpu.memory_space<vmem>>) offsets(%arg8 : memref<80xi32, #tpu.memory_space<vmem>>) semaphore(%arg14 : memref<!tpu.dma_semaphore, #tpu.memory_space<semaphore_mem>>)
    %add3A_27 = arith.constant 80 : i32
    %add3A_28 = arith.addi %mul3A_2, %add3A_27 : i32
    "tpu.region"() ({
      %run_scoped3A = tpu.sem_alloc : memref<!tpu.dma_semaphore, #tpu.memory_space<semaphore_mem>>
      %dma_start3A_42 = tpu.memref_slice %arg3[%add3A_28] : memref<320000xi32, #tpu.memory_space<hbm>> -> memref<80xi32, #tpu.memory_space<hbm>>
      %dma_start3A_43 = tpu.memref_slice %arg3[%add3A_28] : memref<320000xi32, #tpu.memory_space<hbm>> -> memref<80xi32, #tpu.memory_space<hbm>>
      tpu.enqueue_dma source(%dma_start3A_43 : memref<80xi32, #tpu.memory_space<hbm>>) target(%arg9 : memref<80xi32, #tpu.memory_space<vmem>>) target_semaphore(%run_scoped3A : memref<!tpu.dma_semaphore, #tpu.memory_space<semaphore_mem>>)
      %dma_wait3A = tpu.memref_slice %arg3[%add3A_28] : memref<320000xi32, #tpu.memory_space<hbm>> -> memref<80xi32, #tpu.memory_space<hbm>>
      %dma_wait3A_44 = tpu.memref_slice %arg3[%add3A_28] : memref<320000xi32, #tpu.memory_space<hbm>> -> memref<80xi32, #tpu.memory_space<hbm>>
      tpu.wait_dma2 semaphore(%run_scoped3A : memref<!tpu.dma_semaphore, #tpu.memory_space<semaphore_mem>>) src(%dma_wait3A_44 : memref<80xi32, #tpu.memory_space<hbm>>) dst(%arg9 : memref<80xi32, #tpu.memory_space<vmem>>)
      tpu.yield
    }) : () -> ()
    %add3A_29 = arith.constant 80 : i32
    %add3A_30 = arith.addi %mul3A_2, %add3A_29 : i32
    "tpu.region"() ({
      %run_scoped3A = tpu.sem_alloc : memref<!tpu.dma_semaphore, #tpu.memory_space<semaphore_mem>>
      %dma_start3A_42 = tpu.memref_slice %arg4[%add3A_30] : memref<320000xi32, #tpu.memory_space<hbm>> -> memref<80xi32, #tpu.memory_space<hbm>>
      %dma_start3A_43 = tpu.memref_slice %arg4[%add3A_30] : memref<320000xi32, #tpu.memory_space<hbm>> -> memref<80xi32, #tpu.memory_space<hbm>>
      tpu.enqueue_dma source(%dma_start3A_43 : memref<80xi32, #tpu.memory_space<hbm>>) target(%arg11 : memref<80xi32, #tpu.memory_space<vmem>>) target_semaphore(%run_scoped3A : memref<!tpu.dma_semaphore, #tpu.memory_space<semaphore_mem>>)
      %dma_wait3A = tpu.memref_slice %arg4[%add3A_30] : memref<320000xi32, #tpu.memory_space<hbm>> -> memref<80xi32, #tpu.memory_space<hbm>>
      %dma_wait3A_44 = tpu.memref_slice %arg4[%add3A_30] : memref<320000xi32, #tpu.memory_space<hbm>> -> memref<80xi32, #tpu.memory_space<hbm>>
      tpu.wait_dma2 semaphore(%run_scoped3A : memref<!tpu.dma_semaphore, #tpu.memory_space<semaphore_mem>>) src(%dma_wait3A_44 : memref<80xi32, #tpu.memory_space<hbm>>) dst(%arg11 : memref<80xi32, #tpu.memory_space<vmem>>)
      tpu.yield
    }) : () -> ()
    %dma_start3A_31 = arith.constant 0 : i32
    %dma_start3A_32 = arith.constant 0 : i32
    %dma_start3A_33 = tpu.memref_slice %arg2[%dma_start3A_31, %dma_start3A_32] : memref<10000x64xf32, #tpu.memory_space<hbm>> -> memref<10000x64xf32, #tpu.memory_space<hbm>>
    tpu.enqueue_indirect_dma source(%dma_start3A_33 : memref<10000x64xf32, #tpu.memory_space<hbm>>) target(%arg13 : memref<80x64xf32, #tpu.memory_space<vmem>>) offsets(%arg9 : memref<80xi32, #tpu.memory_space<vmem>>) semaphore(%arg15 : memref<!tpu.dma_semaphore, #tpu.memory_space<semaphore_mem>>)
    %scan3A_34 = arith.constant 0 : i32
    %scan3A_35 = arith.constant 0 : i32
    %scan3A_36 = arith.constant 63 : i32
    %scan3A_37 = arith.addi %scan3A_35, %scan3A_36 : i32
    %scan3A_38 = arith.constant 1 : i32
    %scan3A_39 = scf.for %scan3A_42 = %scan3A_35 to %scan3A_37 step %scan3A_38 iter_args(%scan3A_43 = %scan3A_34) -> (i32)  : i32 {
      %mul3A_44 = arith.constant 2 : i32
      %mul3A_45 = arith.muli %mul3A_44, %scan3A_42 : i32
      %add3A_46 = arith.constant 0 : i32
      %add3A_47 = arith.addi %mul3A_45, %add3A_46 : i32
      %lt3A = arith.constant 125 : i32
      %lt3A_48 = arith.cmpi slt, %add3A_47, %lt3A : i32
      %convert_element_type3A = arith.extui %lt3A_48 : i1 to i32
      %cond3A = arith.constant 0 : i32
      %cond3A_49 = arith.cmpi ne, %convert_element_type3A, %cond3A : i32
      scf.if %cond3A_49 {
        %dma_wait3A = arith.constant 0 : i32
        %dma_wait3A_60 = arith.constant 0 : i32
        %dma_wait3A_61 = tpu.memref_slice %arg2[%dma_wait3A, %dma_wait3A_60] : memref<10000x64xf32, #tpu.memory_space<hbm>> -> memref<10000x64xf32, #tpu.memory_space<hbm>>
        tpu.wait_indirect_dma semaphore(%arg14 : memref<!tpu.dma_semaphore, #tpu.memory_space<semaphore_mem>>) src(%dma_wait3A_61 : memref<10000x64xf32, #tpu.memory_space<hbm>>) dst(%arg12 : memref<80x64xf32, #tpu.memory_space<vmem>>)
        "tpu.region"() ({
          %run_scoped3A = tpu.sem_alloc : memref<!tpu.dma_semaphore, #tpu.memory_space<semaphore_mem>>
          %dma_start3A_69 = arith.constant 0 : i32
          %dma_start3A_70 = arith.constant 0 : i32
          %dma_start3A_71 = tpu.memref_slice %arg6[%dma_start3A_69, %dma_start3A_70] : memref<10000x64xf32, #tpu.memory_space<vmem_shared>> -> memref<10000x64xf32, #tpu.memory_space<vmem_shared>>
          tpu.enqueue_indirect_dma source(%arg12 : memref<80x64xf32, #tpu.memory_space<vmem>>) target(%dma_start3A_71 : memref<10000x64xf32, #tpu.memory_space<vmem_shared>>) offsets(%arg10 : memref<80xi32, #tpu.memory_space<vmem>>) semaphore(%run_scoped3A : memref<!tpu.dma_semaphore, #tpu.memory_space<semaphore_mem>>) {add = true}
          %dma_wait3A_72 = arith.constant 0 : i32
          %dma_wait3A_73 = arith.constant 0 : i32
          %dma_wait3A_74 = tpu.memref_slice %arg6[%dma_wait3A_72, %dma_wait3A_73] : memref<10000x64xf32, #tpu.memory_space<vmem_shared>> -> memref<10000x64xf32, #tpu.memory_space<vmem_shared>>
          tpu.wait_indirect_dma semaphore(%run_scoped3A : memref<!tpu.dma_semaphore, #tpu.memory_space<semaphore_mem>>) src(%arg12 : memref<80x64xf32, #tpu.memory_space<vmem>>) dst(%dma_wait3A_74 : memref<10000x64xf32, #tpu.memory_space<vmem_shared>>)
          tpu.yield
        }) : () -> ()
        %add3A_62 = arith.constant 2 : i32
        %add3A_63 = arith.addi %add3A_47, %add3A_62 : i32
        %lt3A_64 = arith.constant 125 : i32
        %lt3A_65 = arith.cmpi slt, %add3A_63, %lt3A_64 : i32
        %convert_element_type3A_66 = arith.extui %lt3A_65 : i1 to i32
        %cond3A_67 = arith.constant 0 : i32
        %cond3A_68 = arith.cmpi ne, %convert_element_type3A_66, %cond3A_67 : i32
        scf.if %cond3A_68 {
          %add3A_69 = arith.constant 2 : i32
          %add3A_70 = arith.addi %add3A_47, %add3A_69 : i32
          %mul3A_71 = arith.constant 80 : i32
          %mul3A_72 = arith.muli %add3A_70, %mul3A_71 : i32
          %add3A_73 = arith.addi %mul3A_2, %mul3A_72 : i32
          "tpu.region"() ({
            %run_scoped3A = tpu.sem_alloc : memref<!tpu.dma_semaphore, #tpu.memory_space<semaphore_mem>>
            %dma_start3A_80 = tpu.memref_slice %arg3[%add3A_73] : memref<320000xi32, #tpu.memory_space<hbm>> -> memref<80xi32, #tpu.memory_space<hbm>>
            %dma_start3A_81 = tpu.memref_slice %arg3[%add3A_73] : memref<320000xi32, #tpu.memory_space<hbm>> -> memref<80xi32, #tpu.memory_space<hbm>>
            tpu.enqueue_dma source(%dma_start3A_81 : memref<80xi32, #tpu.memory_space<hbm>>) target(%arg8 : memref<80xi32, #tpu.memory_space<vmem>>) target_semaphore(%run_scoped3A : memref<!tpu.dma_semaphore, #tpu.memory_space<semaphore_mem>>)
            %dma_wait3A_82 = tpu.memref_slice %arg3[%add3A_73] : memref<320000xi32, #tpu.memory_space<hbm>> -> memref<80xi32, #tpu.memory_space<hbm>>
            %dma_wait3A_83 = tpu.memref_slice %arg3[%add3A_73] : memref<320000xi32, #tpu.memory_space<hbm>> -> memref<80xi32, #tpu.memory_space<hbm>>
            tpu.wait_dma2 semaphore(%run_scoped3A : memref<!tpu.dma_semaphore, #tpu.memory_space<semaphore_mem>>) src(%dma_wait3A_83 : memref<80xi32, #tpu.memory_space<hbm>>) dst(%arg8 : memref<80xi32, #tpu.memory_space<vmem>>)
            tpu.yield
          }) : () -> ()
          %mul3A_74 = arith.constant 80 : i32
          %mul3A_75 = arith.muli %add3A_70, %mul3A_74 : i32
          %add3A_76 = arith.addi %mul3A_2, %mul3A_75 : i32
          "tpu.region"() ({
            %run_scoped3A = tpu.sem_alloc : memref<!tpu.dma_semaphore, #tpu.memory_space<semaphore_mem>>
            %dma_start3A_80 = tpu.memref_slice %arg4[%add3A_76] : memref<320000xi32, #tpu.memory_space<hbm>> -> memref<80xi32, #tpu.memory_space<hbm>>
            %dma_start3A_81 = tpu.memref_slice %arg4[%add3A_76] : memref<320000xi32, #tpu.memory_space<hbm>> -> memref<80xi32, #tpu.memory_space<hbm>>
            tpu.enqueue_dma source(%dma_start3A_81 : memref<80xi32, #tpu.memory_space<hbm>>) target(%arg10 : memref<80xi32, #tpu.memory_space<vmem>>) target_semaphore(%run_scoped3A : memref<!tpu.dma_semaphore, #tpu.memory_space<semaphore_mem>>)
            %dma_wait3A_82 = tpu.memref_slice %arg4[%add3A_76] : memref<320000xi32, #tpu.memory_space<hbm>> -> memref<80xi32, #tpu.memory_space<hbm>>
            %dma_wait3A_83 = tpu.memref_slice %arg4[%add3A_76] : memref<320000xi32, #tpu.memory_space<hbm>> -> memref<80xi32, #tpu.memory_space<hbm>>
            tpu.wait_dma2 semaphore(%run_scoped3A : memref<!tpu.dma_semaphore, #tpu.memory_space<semaphore_mem>>) src(%dma_wait3A_83 : memref<80xi32, #tpu.memory_space<hbm>>) dst(%arg10 : memref<80xi32, #tpu.memory_space<vmem>>)
            tpu.yield
          }) : () -> ()
          %dma_start3A_77 = arith.constant 0 : i32
          %dma_start3A_78 = arith.constant 0 : i32
          %dma_start3A_79 = tpu.memref_slice %arg2[%dma_start3A_77, %dma_start3A_78] : memref<10000x64xf32, #tpu.memory_space<hbm>> -> memref<10000x64xf32, #tpu.memory_space<hbm>>
          tpu.enqueue_indirect_dma source(%dma_start3A_79 : memref<10000x64xf32, #tpu.memory_space<hbm>>) target(%arg12 : memref<80x64xf32, #tpu.memory_space<vmem>>) offsets(%arg8 : memref<80xi32, #tpu.memory_space<vmem>>) semaphore(%arg14 : memref<!tpu.dma_semaphore, #tpu.memory_space<semaphore_mem>>)
        } else {
        }
      } else {
      }
      %mul3A_50 = arith.constant 2 : i32
      %mul3A_51 = arith.muli %mul3A_50, %scan3A_42 : i32
      %add3A_52 = arith.constant 1 : i32
      %add3A_53 = arith.addi %mul3A_51, %add3A_52 : i32
      %lt3A_54 = arith.constant 125 : i32
      %lt3A_55 = arith.cmpi slt, %add3A_53, %lt3A_54 : i32
      %convert_element_type3A_56 = arith.extui %lt3A_55 : i1 to i32
      %cond3A_57 = arith.constant 0 : i32
      %cond3A_58 = arith.cmpi ne, %convert_element_type3A_56, %cond3A_57 : i32
      scf.if %cond3A_58 {
        %dma_wait3A = arith.constant 0 : i32
        %dma_wait3A_60 = arith.constant 0 : i32
        %dma_wait3A_61 = tpu.memref_slice %arg2[%dma_wait3A, %dma_wait3A_60] : memref<10000x64xf32, #tpu.memory_space<hbm>> -> memref<10000x64xf32, #tpu.memory_space<hbm>>
        tpu.wait_indirect_dma semaphore(%arg15 : memref<!tpu.dma_semaphore, #tpu.memory_space<semaphore_mem>>) src(%dma_wait3A_61 : memref<10000x64xf32, #tpu.memory_space<hbm>>) dst(%arg13 : memref<80x64xf32, #tpu.memory_space<vmem>>)
        "tpu.region"() ({
          %run_scoped3A = tpu.sem_alloc : memref<!tpu.dma_semaphore, #tpu.memory_space<semaphore_mem>>
          %dma_start3A_69 = arith.constant 0 : i32
          %dma_start3A_70 = arith.constant 0 : i32
          %dma_start3A_71 = tpu.memref_slice %arg6[%dma_start3A_69, %dma_start3A_70] : memref<10000x64xf32, #tpu.memory_space<vmem_shared>> -> memref<10000x64xf32, #tpu.memory_space<vmem_shared>>
          tpu.enqueue_indirect_dma source(%arg13 : memref<80x64xf32, #tpu.memory_space<vmem>>) target(%dma_start3A_71 : memref<10000x64xf32, #tpu.memory_space<vmem_shared>>) offsets(%arg11 : memref<80xi32, #tpu.memory_space<vmem>>) semaphore(%run_scoped3A : memref<!tpu.dma_semaphore, #tpu.memory_space<semaphore_mem>>) {add = true}
          %dma_wait3A_72 = arith.constant 0 : i32
          %dma_wait3A_73 = arith.constant 0 : i32
          %dma_wait3A_74 = tpu.memref_slice %arg6[%dma_wait3A_72, %dma_wait3A_73] : memref<10000x64xf32, #tpu.memory_space<vmem_shared>> -> memref<10000x64xf32, #tpu.memory_space<vmem_shared>>
          tpu.wait_indirect_dma semaphore(%run_scoped3A : memref<!tpu.dma_semaphore, #tpu.memory_space<semaphore_mem>>) src(%arg13 : memref<80x64xf32, #tpu.memory_space<vmem>>) dst(%dma_wait3A_74 : memref<10000x64xf32, #tpu.memory_space<vmem_shared>>)
          tpu.yield
        }) : () -> ()
        %add3A_62 = arith.constant 2 : i32
        %add3A_63 = arith.addi %add3A_53, %add3A_62 : i32
        %lt3A_64 = arith.constant 125 : i32
        %lt3A_65 = arith.cmpi slt, %add3A_63, %lt3A_64 : i32
        %convert_element_type3A_66 = arith.extui %lt3A_65 : i1 to i32
        %cond3A_67 = arith.constant 0 : i32
        %cond3A_68 = arith.cmpi ne, %convert_element_type3A_66, %cond3A_67 : i32
        scf.if %cond3A_68 {
          %add3A_69 = arith.constant 2 : i32
          %add3A_70 = arith.addi %add3A_53, %add3A_69 : i32
          %mul3A_71 = arith.constant 80 : i32
          %mul3A_72 = arith.muli %add3A_70, %mul3A_71 : i32
          %add3A_73 = arith.addi %mul3A_2, %mul3A_72 : i32
          "tpu.region"() ({
            %run_scoped3A = tpu.sem_alloc : memref<!tpu.dma_semaphore, #tpu.memory_space<semaphore_mem>>
            %dma_start3A_80 = tpu.memref_slice %arg3[%add3A_73] : memref<320000xi32, #tpu.memory_space<hbm>> -> memref<80xi32, #tpu.memory_space<hbm>>
            %dma_start3A_81 = tpu.memref_slice %arg3[%add3A_73] : memref<320000xi32, #tpu.memory_space<hbm>> -> memref<80xi32, #tpu.memory_space<hbm>>
            tpu.enqueue_dma source(%dma_start3A_81 : memref<80xi32, #tpu.memory_space<hbm>>) target(%arg9 : memref<80xi32, #tpu.memory_space<vmem>>) target_semaphore(%run_scoped3A : memref<!tpu.dma_semaphore, #tpu.memory_space<semaphore_mem>>)
            %dma_wait3A_82 = tpu.memref_slice %arg3[%add3A_73] : memref<320000xi32, #tpu.memory_space<hbm>> -> memref<80xi32, #tpu.memory_space<hbm>>
            %dma_wait3A_83 = tpu.memref_slice %arg3[%add3A_73] : memref<320000xi32, #tpu.memory_space<hbm>> -> memref<80xi32, #tpu.memory_space<hbm>>
            tpu.wait_dma2 semaphore(%run_scoped3A : memref<!tpu.dma_semaphore, #tpu.memory_space<semaphore_mem>>) src(%dma_wait3A_83 : memref<80xi32, #tpu.memory_space<hbm>>) dst(%arg9 : memref<80xi32, #tpu.memory_space<vmem>>)
            tpu.yield
          }) : () -> ()
          %mul3A_74 = arith.constant 80 : i32
          %mul3A_75 = arith.muli %add3A_70, %mul3A_74 : i32
          %add3A_76 = arith.addi %mul3A_2, %mul3A_75 : i32
          "tpu.region"() ({
            %run_scoped3A = tpu.sem_alloc : memref<!tpu.dma_semaphore, #tpu.memory_space<semaphore_mem>>
            %dma_start3A_80 = tpu.memref_slice %arg4[%add3A_76] : memref<320000xi32, #tpu.memory_space<hbm>> -> memref<80xi32, #tpu.memory_space<hbm>>
            %dma_start3A_81 = tpu.memref_slice %arg4[%add3A_76] : memref<320000xi32, #tpu.memory_space<hbm>> -> memref<80xi32, #tpu.memory_space<hbm>>
            tpu.enqueue_dma source(%dma_start3A_81 : memref<80xi32, #tpu.memory_space<hbm>>) target(%arg11 : memref<80xi32, #tpu.memory_space<vmem>>) target_semaphore(%run_scoped3A : memref<!tpu.dma_semaphore, #tpu.memory_space<semaphore_mem>>)
            %dma_wait3A_82 = tpu.memref_slice %arg4[%add3A_76] : memref<320000xi32, #tpu.memory_space<hbm>> -> memref<80xi32, #tpu.memory_space<hbm>>
            %dma_wait3A_83 = tpu.memref_slice %arg4[%add3A_76] : memref<320000xi32, #tpu.memory_space<hbm>> -> memref<80xi32, #tpu.memory_space<hbm>>
            tpu.wait_dma2 semaphore(%run_scoped3A : memref<!tpu.dma_semaphore, #tpu.memory_space<semaphore_mem>>) src(%dma_wait3A_83 : memref<80xi32, #tpu.memory_space<hbm>>) dst(%arg11 : memref<80xi32, #tpu.memory_space<vmem>>)
            tpu.yield
          }) : () -> ()
          %dma_start3A_77 = arith.constant 0 : i32
          %dma_start3A_78 = arith.constant 0 : i32
          %dma_start3A_79 = tpu.memref_slice %arg2[%dma_start3A_77, %dma_start3A_78] : memref<10000x64xf32, #tpu.memory_space<hbm>> -> memref<10000x64xf32, #tpu.memory_space<hbm>>
          tpu.enqueue_indirect_dma source(%dma_start3A_79 : memref<10000x64xf32, #tpu.memory_space<hbm>>) target(%arg13 : memref<80x64xf32, #tpu.memory_space<vmem>>) offsets(%arg9 : memref<80xi32, #tpu.memory_space<vmem>>) semaphore(%arg15 : memref<!tpu.dma_semaphore, #tpu.memory_space<semaphore_mem>>)
        } else {
        }
      } else {
      }
      %scan3A_59 = arith.constant 0 : i32
      scf.yield %scan3A_59 : i32
    }
    %scan3A_40 = arith.constant 63 : i32
    %barrier3A_41 = arith.constant 0 : index
    tpu.barrier barrier_id(%barrier3A_41)
    "tpu.region"() ({
      %run_scoped3A = tpu.sem_alloc : memref<!tpu.dma_semaphore, #tpu.memory_space<semaphore_mem>>
      %dma_start3A_42 = arith.constant 0 : i32
      %dma_start3A_43 = arith.constant 0 : i32
      %dma_start3A_44 = tpu.memref_slice %arg5[%arg0, %arg1, %dma_start3A_42, %dma_start3A_43] : memref<2x16x625x64xf32, #tpu.memory_space<hbm>> -> memref<1x1x625x64xf32, #tpu.memory_space<hbm>>
      %dma_start3A_45 = tpu.memref_squeeze %dma_start3A_44 : memref<1x1x625x64xf32, #tpu.memory_space<hbm>> -> memref<625x64xf32, #tpu.memory_space<hbm>>
      %dma_start3A_46 = arith.constant 0 : i32
      %dma_start3A_47 = tpu.memref_slice %arg6[%mul3A_4, %dma_start3A_46] : memref<10000x64xf32, #tpu.memory_space<vmem_shared>> -> memref<625x64xf32, #tpu.memory_space<vmem_shared>>
      tpu.enqueue_dma source(%dma_start3A_47 : memref<625x64xf32, #tpu.memory_space<vmem_shared>>) target(%dma_start3A_45 : memref<625x64xf32, #tpu.memory_space<hbm>>) target_semaphore(%run_scoped3A : memref<!tpu.dma_semaphore, #tpu.memory_space<semaphore_mem>>)
      %dma_wait3A = arith.constant 0 : i32
      %dma_wait3A_48 = arith.constant 0 : i32
      %dma_wait3A_49 = tpu.memref_slice %arg5[%arg0, %arg1, %dma_wait3A, %dma_wait3A_48] : memref<2x16x625x64xf32, #tpu.memory_space<hbm>> -> memref<1x1x625x64xf32, #tpu.memory_space<hbm>>
      %dma_wait3A_50 = tpu.memref_squeeze %dma_wait3A_49 : memref<1x1x625x64xf32, #tpu.memory_space<hbm>> -> memref<625x64xf32, #tpu.memory_space<hbm>>
      %dma_wait3A_51 = arith.constant 0 : i32
      %dma_wait3A_52 = tpu.memref_slice %arg6[%mul3A_4, %dma_wait3A_51] : memref<10000x64xf32, #tpu.memory_space<vmem_shared>> -> memref<625x64xf32, #tpu.memory_space<vmem_shared>>
      tpu.wait_dma2 semaphore(%run_scoped3A : memref<!tpu.dma_semaphore, #tpu.memory_space<semaphore_mem>>) src(%dma_wait3A_52 : memref<625x64xf32, #tpu.memory_space<vmem_shared>>) dst(%dma_wait3A_50 : memref<625x64xf32, #tpu.memory_space<hbm>>)
      tpu.yield
    }) : () -> ()
    return
  }
}

#map = affine_map<(d0, d1) -> (0, 0)>
#map1 = affine_map<(d0, d1) -> (0)>
#map2 = affine_map<(d0, d1) -> (0, 0, 0, 0)>
module attributes {stable_mosaic.version = 14 : i64} {
  func.func @_sc_scatter(%arg0: i32, %arg1: i32, %arg2: memref<10000x64xf32, #tpu.memory_space<hbm>>, %arg3: memref<320000xi32, #tpu.memory_space<hbm>>, %arg4: memref<320000xi32, #tpu.memory_space<hbm>>, %arg5: memref<2x16x625x64xf32, #tpu.memory_space<hbm>>, %arg6: memref<10000x64xf32, #tpu.memory_space<vmem_shared>>, %arg7: memref<125x64xf32, #tpu.memory_space<vmem>>, %arg8: memref<80xi32, #tpu.memory_space<vmem>>, %arg9: memref<80xi32, #tpu.memory_space<vmem>>, %arg10: memref<80xi32, #tpu.memory_space<vmem>>, %arg11: memref<80xi32, #tpu.memory_space<vmem>>, %arg12: memref<80x64xf32, #tpu.memory_space<vmem>>, %arg13: memref<80x64xf32, #tpu.memory_space<vmem>>, %arg14: memref<!tpu.dma_semaphore, #tpu.memory_space<semaphore_mem>>, %arg15: memref<!tpu.dma_semaphore, #tpu.memory_space<semaphore_mem>>) attributes {dimension_semantics = [#tpu.dimension_semantics<core_parallel>, #tpu.dimension_semantics<subcore_parallel>], iteration_bounds = array<i64: 2, 16>, scalar_prefetch = 0 : i64, scratch_operands = 10 : i64, tpu.core_type = #tpu.core_type<sc_vector_subcore>, window_params = [{transform_indices = #map}, {transform_indices = #map1}, {transform_indices = #map1}, {transform_indices = #map2}]} {
    %mul3A = arith.constant 16 : i32
    %mul3A_0 = arith.muli %arg0, %mul3A : i32
    %add3A = arith.addi %mul3A_0, %arg1 : i32
    %mul3A_1 = arith.constant 10000 : i32
    %mul3A_2 = arith.muli %add3A, %mul3A_1 : i32
    %mul3A_3 = arith.constant 625 : i32
    %mul3A_4 = arith.muli %arg1, %mul3A_3 : i32
    %scan3A = arith.constant 0 : i32
    %scan3A_5 = arith.constant 0 : i32
    %scan3A_6 = arith.constant 125 : i32
    %scan3A_7 = arith.addi %scan3A_5, %scan3A_6 : i32
    %scan3A_8 = arith.constant 1 : i32
    %scan3A_9 = scf.for %scan3A_42 = %scan3A_5 to %scan3A_7 step %scan3A_8 iter_args(%scan3A_43 = %scan3A) -> (i32)  : i32 {
      %broadcast_in_dim3A = arith.constant 0.000000e+00 : f32
      %broadcast_in_dim3A_44 = vector.broadcast %broadcast_in_dim3A : f32 to vector<16xf32>
      %swap3A = arith.index_cast %scan3A_42 : i32 to index
      %swap3A_45 = arith.constant 0 : index
      %swap3A_46 = tpu.vector_load %arg7[%swap3A, %swap3A_45] {strides = array<i32>} : memref<125x64xf32, #tpu.memory_space<vmem>>, vector<1x16xf32>,
      %swap3A_47 = vector.shape_cast %swap3A_46 : vector<1x16xf32> to vector<16xf32>
      %swap3A_48 = vector.shape_cast %broadcast_in_dim3A_44 : vector<16xf32> to vector<1x16xf32>
      tpu.vector_store %arg7[%swap3A, %swap3A_45], %swap3A_48 {strides = array<i32>} : memref<125x64xf32, #tpu.memory_space<vmem>>, vector<1x16xf32>,
      %broadcast_in_dim3A_49 = arith.constant 0.000000e+00 : f32
      %broadcast_in_dim3A_50 = vector.broadcast %broadcast_in_dim3A_49 : f32 to vector<16xf32>
      %swap3A_51 = arith.index_cast %scan3A_42 : i32 to index
      %swap3A_52 = arith.constant 16 : index
      %swap3A_53 = tpu.vector_load %arg7[%swap3A_51, %swap3A_52] {strides = array<i32>} : memref<125x64xf32, #tpu.memory_space<vmem>>, vector<1x16xf32>,
      %swap3A_54 = vector.shape_cast %swap3A_53 : vector<1x16xf32> to vector<16xf32>
      %swap3A_55 = vector.shape_cast %broadcast_in_dim3A_50 : vector<16xf32> to vector<1x16xf32>
      tpu.vector_store %arg7[%swap3A_51, %swap3A_52], %swap3A_55 {strides = array<i32>} : memref<125x64xf32, #tpu.memory_space<vmem>>, vector<1x16xf32>,
      %broadcast_in_dim3A_56 = arith.constant 0.000000e+00 : f32
      %broadcast_in_dim3A_57 = vector.broadcast %broadcast_in_dim3A_56 : f32 to vector<16xf32>
      %swap3A_58 = arith.index_cast %scan3A_42 : i32 to index
      %swap3A_59 = arith.constant 32 : index
      %swap3A_60 = tpu.vector_load %arg7[%swap3A_58, %swap3A_59] {strides = array<i32>} : memref<125x64xf32, #tpu.memory_space<vmem>>, vector<1x16xf32>,
      %swap3A_61 = vector.shape_cast %swap3A_60 : vector<1x16xf32> to vector<16xf32>
      %swap3A_62 = vector.shape_cast %broadcast_in_dim3A_57 : vector<16xf32> to vector<1x16xf32>
      tpu.vector_store %arg7[%swap3A_58, %swap3A_59], %swap3A_62 {strides = array<i32>} : memref<125x64xf32, #tpu.memory_space<vmem>>, vector<1x16xf32>,
      %broadcast_in_dim3A_63 = arith.constant 0.000000e+00 : f32
      %broadcast_in_dim3A_64 = vector.broadcast %broadcast_in_dim3A_63 : f32 to vector<16xf32>
      %swap3A_65 = arith.index_cast %scan3A_42 : i32 to index
      %swap3A_66 = arith.constant 48 : index
      %swap3A_67 = tpu.vector_load %arg7[%swap3A_65, %swap3A_66] {strides = array<i32>} : memref<125x64xf32, #tpu.memory_space<vmem>>, vector<1x16xf32>,
      %swap3A_68 = vector.shape_cast %swap3A_67 : vector<1x16xf32> to vector<16xf32>
      %swap3A_69 = vector.shape_cast %broadcast_in_dim3A_64 : vector<16xf32> to vector<1x16xf32>
      tpu.vector_store %arg7[%swap3A_65, %swap3A_66], %swap3A_69 {strides = array<i32>} : memref<125x64xf32, #tpu.memory_space<vmem>>, vector<1x16xf32>,
      %scan3A_70 = arith.constant 0 : i32
      scf.yield %scan3A_70 : i32
    }
    %scan3A_10 = arith.constant 125 : i32
    %add3A_11 = arith.constant 0 : i32
    %add3A_12 = arith.addi %mul3A_4, %add3A_11 : i32
    "tpu.region"() ({
      %run_scoped3A = tpu.sem_alloc : memref<!tpu.dma_semaphore, #tpu.memory_space<semaphore_mem>>
      %dma_start3A_42 = arith.constant 0 : i32
      %dma_start3A_43 = tpu.memref_slice %arg6[%add3A_12, %dma_start3A_42] : memref<10000x64xf32, #tpu.memory_space<vmem_shared>> -> memref<125x64xf32, #tpu.memory_space<vmem_shared>>
      %dma_start3A_44 = arith.constant 0 : i32
      %dma_start3A_45 = tpu.memref_slice %arg6[%add3A_12, %dma_start3A_44] : memref<10000x64xf32, #tpu.memory_space<vmem_shared>> -> memref<125x64xf32, #tpu.memory_space<vmem_shared>>
      tpu.enqueue_dma source(%arg7 : memref<125x64xf32, #tpu.memory_space<vmem>>) target(%dma_start3A_45 : memref<125x64xf32, #tpu.memory_space<vmem_shared>>) target_semaphore(%run_scoped3A : memref<!tpu.dma_semaphore, #tpu.memory_space<semaphore_mem>>)
      %dma_wait3A = arith.constant 0 : i32
      %dma_wait3A_46 = tpu.memref_slice %arg6[%add3A_12, %dma_wait3A] : memref<10000x64xf32, #tpu.memory_space<vmem_shared>> -> memref<125x64xf32, #tpu.memory_space<vmem_shared>>
      %dma_wait3A_47 = arith.constant 0 : i32
      %dma_wait3A_48 = tpu.memref_slice %arg6[%add3A_12, %dma_wait3A_47] : memref<10000x64xf32, #tpu.memory_space<vmem_shared>> -> memref<125x64xf32, #tpu.memory_space<vmem_shared>>
      tpu.wait_dma2 semaphore(%run_scoped3A : memref<!tpu.dma_semaphore, #tpu.memory_space<semaphore_mem>>) src(%arg7 : memref<125x64xf32, #tpu.memory_space<vmem>>) dst(%dma_wait3A_48 : memref<125x64xf32, #tpu.memory_space<vmem_shared>>)
      tpu.yield
    }) : () -> ()
    %add3A_13 = arith.constant 125 : i32
    %add3A_14 = arith.addi %mul3A_4, %add3A_13 : i32
    "tpu.region"() ({
      %run_scoped3A = tpu.sem_alloc : memref<!tpu.dma_semaphore, #tpu.memory_space<semaphore_mem>>
      %dma_start3A_42 = arith.constant 0 : i32
      %dma_start3A_43 = tpu.memref_slice %arg6[%add3A_14, %dma_start3A_42] : memref<10000x64xf32, #tpu.memory_space<vmem_shared>> -> memref<125x64xf32, #tpu.memory_space<vmem_shared>>
      %dma_start3A_44 = arith.constant 0 : i32
      %dma_start3A_45 = tpu.memref_slice %arg6[%add3A_14, %dma_start3A_44] : memref<10000x64xf32, #tpu.memory_space<vmem_shared>> -> memref<125x64xf32, #tpu.memory_space<vmem_shared>>
      tpu.enqueue_dma source(%arg7 : memref<125x64xf32, #tpu.memory_space<vmem>>) target(%dma_start3A_45 : memref<125x64xf32, #tpu.memory_space<vmem_shared>>) target_semaphore(%run_scoped3A : memref<!tpu.dma_semaphore, #tpu.memory_space<semaphore_mem>>)
      %dma_wait3A = arith.constant 0 : i32
      %dma_wait3A_46 = tpu.memref_slice %arg6[%add3A_14, %dma_wait3A] : memref<10000x64xf32, #tpu.memory_space<vmem_shared>> -> memref<125x64xf32, #tpu.memory_space<vmem_shared>>
      %dma_wait3A_47 = arith.constant 0 : i32
      %dma_wait3A_48 = tpu.memref_slice %arg6[%add3A_14, %dma_wait3A_47] : memref<10000x64xf32, #tpu.memory_space<vmem_shared>> -> memref<125x64xf32, #tpu.memory_space<vmem_shared>>
      tpu.wait_dma2 semaphore(%run_scoped3A : memref<!tpu.dma_semaphore, #tpu.memory_space<semaphore_mem>>) src(%arg7 : memref<125x64xf32, #tpu.memory_space<vmem>>) dst(%dma_wait3A_48 : memref<125x64xf32, #tpu.memory_space<vmem_shared>>)
      tpu.yield
    }) : () -> ()
    %add3A_15 = arith.constant 250 : i32
    %add3A_16 = arith.addi %mul3A_4, %add3A_15 : i32
    "tpu.region"() ({
      %run_scoped3A = tpu.sem_alloc : memref<!tpu.dma_semaphore, #tpu.memory_space<semaphore_mem>>
      %dma_start3A_42 = arith.constant 0 : i32
      %dma_start3A_43 = tpu.memref_slice %arg6[%add3A_16, %dma_start3A_42] : memref<10000x64xf32, #tpu.memory_space<vmem_shared>> -> memref<125x64xf32, #tpu.memory_space<vmem_shared>>
      %dma_start3A_44 = arith.constant 0 : i32
      %dma_start3A_45 = tpu.memref_slice %arg6[%add3A_16, %dma_start3A_44] : memref<10000x64xf32, #tpu.memory_space<vmem_shared>> -> memref<125x64xf32, #tpu.memory_space<vmem_shared>>
      tpu.enqueue_dma source(%arg7 : memref<125x64xf32, #tpu.memory_space<vmem>>) target(%dma_start3A_45 : memref<125x64xf32, #tpu.memory_space<vmem_shared>>) target_semaphore(%run_scoped3A : memref<!tpu.dma_semaphore, #tpu.memory_space<semaphore_mem>>)
      %dma_wait3A = arith.constant 0 : i32
      %dma_wait3A_46 = tpu.memref_slice %arg6[%add3A_16, %dma_wait3A] : memref<10000x64xf32, #tpu.memory_space<vmem_shared>> -> memref<125x64xf32, #tpu.memory_space<vmem_shared>>
      %dma_wait3A_47 = arith.constant 0 : i32
      %dma_wait3A_48 = tpu.memref_slice %arg6[%add3A_16, %dma_wait3A_47] : memref<10000x64xf32, #tpu.memory_space<vmem_shared>> -> memref<125x64xf32, #tpu.memory_space<vmem_shared>>
      tpu.wait_dma2 semaphore(%run_scoped3A : memref<!tpu.dma_semaphore, #tpu.memory_space<semaphore_mem>>) src(%arg7 : memref<125x64xf32, #tpu.memory_space<vmem>>) dst(%dma_wait3A_48 : memref<125x64xf32, #tpu.memory_space<vmem_shared>>)
      tpu.yield
    }) : () -> ()
    %add3A_17 = arith.constant 375 : i32
    %add3A_18 = arith.addi %mul3A_4, %add3A_17 : i32
    "tpu.region"() ({
      %run_scoped3A = tpu.sem_alloc : memref<!tpu.dma_semaphore, #tpu.memory_space<semaphore_mem>>
      %dma_start3A_42 = arith.constant 0 : i32
      %dma_start3A_43 = tpu.memref_slice %arg6[%add3A_18, %dma_start3A_42] : memref<10000x64xf32, #tpu.memory_space<vmem_shared>> -> memref<125x64xf32, #tpu.memory_space<vmem_shared>>
      %dma_start3A_44 = arith.constant 0 : i32
      %dma_start3A_45 = tpu.memref_slice %arg6[%add3A_18, %dma_start3A_44] : memref<10000x64xf32, #tpu.memory_space<vmem_shared>> -> memref<125x64xf32, #tpu.memory_space<vmem_shared>>
      tpu.enqueue_dma source(%arg7 : memref<125x64xf32, #tpu.memory_space<vmem>>) target(%dma_start3A_45 : memref<125x64xf32, #tpu.memory_space<vmem_shared>>) target_semaphore(%run_scoped3A : memref<!tpu.dma_semaphore, #tpu.memory_space<semaphore_mem>>)
      %dma_wait3A = arith.constant 0 : i32
      %dma_wait3A_46 = tpu.memref_slice %arg6[%add3A_18, %dma_wait3A] : memref<10000x64xf32, #tpu.memory_space<vmem_shared>> -> memref<125x64xf32, #tpu.memory_space<vmem_shared>>
      %dma_wait3A_47 = arith.constant 0 : i32
      %dma_wait3A_48 = tpu.memref_slice %arg6[%add3A_18, %dma_wait3A_47] : memref<10000x64xf32, #tpu.memory_space<vmem_shared>> -> memref<125x64xf32, #tpu.memory_space<vmem_shared>>
      tpu.wait_dma2 semaphore(%run_scoped3A : memref<!tpu.dma_semaphore, #tpu.memory_space<semaphore_mem>>) src(%arg7 : memref<125x64xf32, #tpu.memory_space<vmem>>) dst(%dma_wait3A_48 : memref<125x64xf32, #tpu.memory_space<vmem_shared>>)
      tpu.yield
    }) : () -> ()
    %add3A_19 = arith.constant 500 : i32
    %add3A_20 = arith.addi %mul3A_4, %add3A_19 : i32
    "tpu.region"() ({
      %run_scoped3A = tpu.sem_alloc : memref<!tpu.dma_semaphore, #tpu.memory_space<semaphore_mem>>
      %dma_start3A_42 = arith.constant 0 : i32
      %dma_start3A_43 = tpu.memref_slice %arg6[%add3A_20, %dma_start3A_42] : memref<10000x64xf32, #tpu.memory_space<vmem_shared>> -> memref<125x64xf32, #tpu.memory_space<vmem_shared>>
      %dma_start3A_44 = arith.constant 0 : i32
      %dma_start3A_45 = tpu.memref_slice %arg6[%add3A_20, %dma_start3A_44] : memref<10000x64xf32, #tpu.memory_space<vmem_shared>> -> memref<125x64xf32, #tpu.memory_space<vmem_shared>>
      tpu.enqueue_dma source(%arg7 : memref<125x64xf32, #tpu.memory_space<vmem>>) target(%dma_start3A_45 : memref<125x64xf32, #tpu.memory_space<vmem_shared>>) target_semaphore(%run_scoped3A : memref<!tpu.dma_semaphore, #tpu.memory_space<semaphore_mem>>)
      %dma_wait3A = arith.constant 0 : i32
      %dma_wait3A_46 = tpu.memref_slice %arg6[%add3A_20, %dma_wait3A] : memref<10000x64xf32, #tpu.memory_space<vmem_shared>> -> memref<125x64xf32, #tpu.memory_space<vmem_shared>>
      %dma_wait3A_47 = arith.constant 0 : i32
      %dma_wait3A_48 = tpu.memref_slice %arg6[%add3A_20, %dma_wait3A_47] : memref<10000x64xf32, #tpu.memory_space<vmem_shared>> -> memref<125x64xf32, #tpu.memory_space<vmem_shared>>
      tpu.wait_dma2 semaphore(%run_scoped3A : memref<!tpu.dma_semaphore, #tpu.memory_space<semaphore_mem>>) src(%arg7 : memref<125x64xf32, #tpu.memory_space<vmem>>) dst(%dma_wait3A_48 : memref<125x64xf32, #tpu.memory_space<vmem_shared>>)
      tpu.yield
    }) : () -> ()
    %barrier3A = arith.constant 0 : index
    tpu.barrier barrier_id(%barrier3A)
    %add3A_21 = arith.constant 0 : i32
    %add3A_22 = arith.addi %mul3A_2, %add3A_21 : i32
    "tpu.region"() ({
      %run_scoped3A = tpu.sem_alloc : memref<!tpu.dma_semaphore, #tpu.memory_space<semaphore_mem>>
      %dma_start3A_42 = tpu.memref_slice %arg3[%add3A_22] : memref<320000xi32, #tpu.memory_space<hbm>> -> memref<80xi32, #tpu.memory_space<hbm>>
      %dma_start3A_43 = tpu.memref_slice %arg3[%add3A_22] : memref<320000xi32, #tpu.memory_space<hbm>> -> memref<80xi32, #tpu.memory_space<hbm>>
      tpu.enqueue_dma source(%dma_start3A_43 : memref<80xi32, #tpu.memory_space<hbm>>) target(%arg8 : memref<80xi32, #tpu.memory_space<vmem>>) target_semaphore(%run_scoped3A : memref<!tpu.dma_semaphore, #tpu.memory_space<semaphore_mem>>)
      %dma_wait3A = tpu.memref_slice %arg3[%add3A_22] : memref<320000xi32, #tpu.memory_space<hbm>> -> memref<80xi32, #tpu.memory_space<hbm>>
      %dma_wait3A_44 = tpu.memref_slice %arg3[%add3A_22] : memref<320000xi32, #tpu.memory_space<hbm>> -> memref<80xi32, #tpu.memory_space<hbm>>
      tpu.wait_dma2 semaphore(%run_scoped3A : memref<!tpu.dma_semaphore, #tpu.memory_space<semaphore_mem>>) src(%dma_wait3A_44 : memref<80xi32, #tpu.memory_space<hbm>>) dst(%arg8 : memref<80xi32, #tpu.memory_space<vmem>>)
      tpu.yield
    }) : () -> ()
    %add3A_23 = arith.constant 0 : i32
    %add3A_24 = arith.addi %mul3A_2, %add3A_23 : i32
    "tpu.region"() ({
      %run_scoped3A = tpu.sem_alloc : memref<!tpu.dma_semaphore, #tpu.memory_space<semaphore_mem>>
      %dma_start3A_42 = tpu.memref_slice %arg4[%add3A_24] : memref<320000xi32, #tpu.memory_space<hbm>> -> memref<80xi32, #tpu.memory_space<hbm>>
      %dma_start3A_43 = tpu.memref_slice %arg4[%add3A_24] : memref<320000xi32, #tpu.memory_space<hbm>> -> memref<80xi32, #tpu.memory_space<hbm>>
      tpu.enqueue_dma source(%dma_start3A_43 : memref<80xi32, #tpu.memory_space<hbm>>) target(%arg10 : memref<80xi32, #tpu.memory_space<vmem>>) target_semaphore(%run_scoped3A : memref<!tpu.dma_semaphore, #tpu.memory_space<semaphore_mem>>)
      %dma_wait3A = tpu.memref_slice %arg4[%add3A_24] : memref<320000xi32, #tpu.memory_space<hbm>> -> memref<80xi32, #tpu.memory_space<hbm>>
      %dma_wait3A_44 = tpu.memref_slice %arg4[%add3A_24] : memref<320000xi32, #tpu.memory_space<hbm>> -> memref<80xi32, #tpu.memory_space<hbm>>
      tpu.wait_dma2 semaphore(%run_scoped3A : memref<!tpu.dma_semaphore, #tpu.memory_space<semaphore_mem>>) src(%dma_wait3A_44 : memref<80xi32, #tpu.memory_space<hbm>>) dst(%arg10 : memref<80xi32, #tpu.memory_space<vmem>>)
      tpu.yield
    }) : () -> ()
    %dma_start3A = arith.constant 0 : i32
    %dma_start3A_25 = arith.constant 0 : i32
    %dma_start3A_26 = tpu.memref_slice %arg2[%dma_start3A, %dma_start3A_25] : memref<10000x64xf32, #tpu.memory_space<hbm>> -> memref<10000x64xf32, #tpu.memory_space<hbm>>
    tpu.enqueue_indirect_dma source(%dma_start3A_26 : memref<10000x64xf32, #tpu.memory_space<hbm>>) target(%arg12 : memref<80x64xf32, #tpu.memory_space<vmem>>) offsets(%arg8 : memref<80xi32, #tpu.memory_space<vmem>>) semaphore(%arg14 : memref<!tpu.dma_semaphore, #tpu.memory_space<semaphore_mem>>)
    %add3A_27 = arith.constant 80 : i32
    %add3A_28 = arith.addi %mul3A_2, %add3A_27 : i32
    "tpu.region"() ({
      %run_scoped3A = tpu.sem_alloc : memref<!tpu.dma_semaphore, #tpu.memory_space<semaphore_mem>>
      %dma_start3A_42 = tpu.memref_slice %arg3[%add3A_28] : memref<320000xi32, #tpu.memory_space<hbm>> -> memref<80xi32, #tpu.memory_space<hbm>>
      %dma_start3A_43 = tpu.memref_slice %arg3[%add3A_28] : memref<320000xi32, #tpu.memory_space<hbm>> -> memref<80xi32, #tpu.memory_space<hbm>>
      tpu.enqueue_dma source(%dma_start3A_43 : memref<80xi32, #tpu.memory_space<hbm>>) target(%arg9 : memref<80xi32, #tpu.memory_space<vmem>>) target_semaphore(%run_scoped3A : memref<!tpu.dma_semaphore, #tpu.memory_space<semaphore_mem>>)
      %dma_wait3A = tpu.memref_slice %arg3[%add3A_28] : memref<320000xi32, #tpu.memory_space<hbm>> -> memref<80xi32, #tpu.memory_space<hbm>>
      %dma_wait3A_44 = tpu.memref_slice %arg3[%add3A_28] : memref<320000xi32, #tpu.memory_space<hbm>> -> memref<80xi32, #tpu.memory_space<hbm>>
      tpu.wait_dma2 semaphore(%run_scoped3A : memref<!tpu.dma_semaphore, #tpu.memory_space<semaphore_mem>>) src(%dma_wait3A_44 : memref<80xi32, #tpu.memory_space<hbm>>) dst(%arg9 : memref<80xi32, #tpu.memory_space<vmem>>)
      tpu.yield
    }) : () -> ()
    %add3A_29 = arith.constant 80 : i32
    %add3A_30 = arith.addi %mul3A_2, %add3A_29 : i32
    "tpu.region"() ({
      %run_scoped3A = tpu.sem_alloc : memref<!tpu.dma_semaphore, #tpu.memory_space<semaphore_mem>>
      %dma_start3A_42 = tpu.memref_slice %arg4[%add3A_30] : memref<320000xi32, #tpu.memory_space<hbm>> -> memref<80xi32, #tpu.memory_space<hbm>>
      %dma_start3A_43 = tpu.memref_slice %arg4[%add3A_30] : memref<320000xi32, #tpu.memory_space<hbm>> -> memref<80xi32, #tpu.memory_space<hbm>>
      tpu.enqueue_dma source(%dma_start3A_43 : memref<80xi32, #tpu.memory_space<hbm>>) target(%arg11 : memref<80xi32, #tpu.memory_space<vmem>>) target_semaphore(%run_scoped3A : memref<!tpu.dma_semaphore, #tpu.memory_space<semaphore_mem>>)
      %dma_wait3A = tpu.memref_slice %arg4[%add3A_30] : memref<320000xi32, #tpu.memory_space<hbm>> -> memref<80xi32, #tpu.memory_space<hbm>>
      %dma_wait3A_44 = tpu.memref_slice %arg4[%add3A_30] : memref<320000xi32, #tpu.memory_space<hbm>> -> memref<80xi32, #tpu.memory_space<hbm>>
      tpu.wait_dma2 semaphore(%run_scoped3A : memref<!tpu.dma_semaphore, #tpu.memory_space<semaphore_mem>>) src(%dma_wait3A_44 : memref<80xi32, #tpu.memory_space<hbm>>) dst(%arg11 : memref<80xi32, #tpu.memory_space<vmem>>)
      tpu.yield
    }) : () -> ()
    %dma_start3A_31 = arith.constant 0 : i32
    %dma_start3A_32 = arith.constant 0 : i32
    %dma_start3A_33 = tpu.memref_slice %arg2[%dma_start3A_31, %dma_start3A_32] : memref<10000x64xf32, #tpu.memory_space<hbm>> -> memref<10000x64xf32, #tpu.memory_space<hbm>>
    tpu.enqueue_indirect_dma source(%dma_start3A_33 : memref<10000x64xf32, #tpu.memory_space<hbm>>) target(%arg13 : memref<80x64xf32, #tpu.memory_space<vmem>>) offsets(%arg9 : memref<80xi32, #tpu.memory_space<vmem>>) semaphore(%arg15 : memref<!tpu.dma_semaphore, #tpu.memory_space<semaphore_mem>>)
    %scan3A_34 = arith.constant 0 : i32
    %scan3A_35 = arith.constant 0 : i32
    %scan3A_36 = arith.constant 63 : i32
    %scan3A_37 = arith.addi %scan3A_35, %scan3A_36 : i32
    %scan3A_38 = arith.constant 1 : i32
    %scan3A_39 = scf.for %scan3A_42 = %scan3A_35 to %scan3A_37 step %scan3A_38 iter_args(%scan3A_43 = %scan3A_34) -> (i32)  : i32 {
      %mul3A_44 = arith.constant 2 : i32
      %mul3A_45 = arith.muli %mul3A_44, %scan3A_42 : i32
      %add3A_46 = arith.constant 0 : i32
      %add3A_47 = arith.addi %mul3A_45, %add3A_46 : i32
      %lt3A = arith.constant 125 : i32
      %lt3A_48 = arith.cmpi slt, %add3A_47, %lt3A : i32
      %convert_element_type3A = arith.extui %lt3A_48 : i1 to i32
      %cond3A = arith.constant 0 : i32
      %cond3A_49 = arith.cmpi ne, %convert_element_type3A, %cond3A : i32
      scf.if %cond3A_49 {
        %dma_wait3A = arith.constant 0 : i32
        %dma_wait3A_60 = arith.constant 0 : i32
        %dma_wait3A_61 = tpu.memref_slice %arg2[%dma_wait3A, %dma_wait3A_60] : memref<10000x64xf32, #tpu.memory_space<hbm>> -> memref<10000x64xf32, #tpu.memory_space<hbm>>
        tpu.wait_indirect_dma semaphore(%arg14 : memref<!tpu.dma_semaphore, #tpu.memory_space<semaphore_mem>>) src(%dma_wait3A_61 : memref<10000x64xf32, #tpu.memory_space<hbm>>) dst(%arg12 : memref<80x64xf32, #tpu.memory_space<vmem>>)
        "tpu.region"() ({
          %run_scoped3A = tpu.sem_alloc : memref<!tpu.dma_semaphore, #tpu.memory_space<semaphore_mem>>
          %dma_start3A_69 = arith.constant 0 : i32
          %dma_start3A_70 = arith.constant 0 : i32
          %dma_start3A_71 = tpu.memref_slice %arg6[%dma_start3A_69, %dma_start3A_70] : memref<10000x64xf32, #tpu.memory_space<vmem_shared>> -> memref<10000x64xf32, #tpu.memory_space<vmem_shared>>
          tpu.enqueue_indirect_dma source(%arg12 : memref<80x64xf32, #tpu.memory_space<vmem>>) target(%dma_start3A_71 : memref<10000x64xf32, #tpu.memory_space<vmem_shared>>) offsets(%arg10 : memref<80xi32, #tpu.memory_space<vmem>>) semaphore(%run_scoped3A : memref<!tpu.dma_semaphore, #tpu.memory_space<semaphore_mem>>) {add = true}
          %dma_wait3A_72 = arith.constant 0 : i32
          %dma_wait3A_73 = arith.constant 0 : i32
          %dma_wait3A_74 = tpu.memref_slice %arg6[%dma_wait3A_72, %dma_wait3A_73] : memref<10000x64xf32, #tpu.memory_space<vmem_shared>> -> memref<10000x64xf32, #tpu.memory_space<vmem_shared>>
          tpu.wait_indirect_dma semaphore(%run_scoped3A : memref<!tpu.dma_semaphore, #tpu.memory_space<semaphore_mem>>) src(%arg12 : memref<80x64xf32, #tpu.memory_space<vmem>>) dst(%dma_wait3A_74 : memref<10000x64xf32, #tpu.memory_space<vmem_shared>>)
          tpu.yield
        }) : () -> ()
        %add3A_62 = arith.constant 2 : i32
        %add3A_63 = arith.addi %add3A_47, %add3A_62 : i32
        %lt3A_64 = arith.constant 125 : i32
        %lt3A_65 = arith.cmpi slt, %add3A_63, %lt3A_64 : i32
        %convert_element_type3A_66 = arith.extui %lt3A_65 : i1 to i32
        %cond3A_67 = arith.constant 0 : i32
        %cond3A_68 = arith.cmpi ne, %convert_element_type3A_66, %cond3A_67 : i32
        scf.if %cond3A_68 {
          %add3A_69 = arith.constant 2 : i32
          %add3A_70 = arith.addi %add3A_47, %add3A_69 : i32
          %mul3A_71 = arith.constant 80 : i32
          %mul3A_72 = arith.muli %add3A_70, %mul3A_71 : i32
          %add3A_73 = arith.addi %mul3A_2, %mul3A_72 : i32
          "tpu.region"() ({
            %run_scoped3A = tpu.sem_alloc : memref<!tpu.dma_semaphore, #tpu.memory_space<semaphore_mem>>
            %dma_start3A_80 = tpu.memref_slice %arg3[%add3A_73] : memref<320000xi32, #tpu.memory_space<hbm>> -> memref<80xi32, #tpu.memory_space<hbm>>
            %dma_start3A_81 = tpu.memref_slice %arg3[%add3A_73] : memref<320000xi32, #tpu.memory_space<hbm>> -> memref<80xi32, #tpu.memory_space<hbm>>
            tpu.enqueue_dma source(%dma_start3A_81 : memref<80xi32, #tpu.memory_space<hbm>>) target(%arg8 : memref<80xi32, #tpu.memory_space<vmem>>) target_semaphore(%run_scoped3A : memref<!tpu.dma_semaphore, #tpu.memory_space<semaphore_mem>>)
            %dma_wait3A_82 = tpu.memref_slice %arg3[%add3A_73] : memref<320000xi32, #tpu.memory_space<hbm>> -> memref<80xi32, #tpu.memory_space<hbm>>
            %dma_wait3A_83 = tpu.memref_slice %arg3[%add3A_73] : memref<320000xi32, #tpu.memory_space<hbm>> -> memref<80xi32, #tpu.memory_space<hbm>>
            tpu.wait_dma2 semaphore(%run_scoped3A : memref<!tpu.dma_semaphore, #tpu.memory_space<semaphore_mem>>) src(%dma_wait3A_83 : memref<80xi32, #tpu.memory_space<hbm>>) dst(%arg8 : memref<80xi32, #tpu.memory_space<vmem>>)
            tpu.yield
          }) : () -> ()
          %mul3A_74 = arith.constant 80 : i32
          %mul3A_75 = arith.muli %add3A_70, %mul3A_74 : i32
          %add3A_76 = arith.addi %mul3A_2, %mul3A_75 : i32
          "tpu.region"() ({
            %run_scoped3A = tpu.sem_alloc : memref<!tpu.dma_semaphore, #tpu.memory_space<semaphore_mem>>
            %dma_start3A_80 = tpu.memref_slice %arg4[%add3A_76] : memref<320000xi32, #tpu.memory_space<hbm>> -> memref<80xi32, #tpu.memory_space<hbm>>
            %dma_start3A_81 = tpu.memref_slice %arg4[%add3A_76] : memref<320000xi32, #tpu.memory_space<hbm>> -> memref<80xi32, #tpu.memory_space<hbm>>
            tpu.enqueue_dma source(%dma_start3A_81 : memref<80xi32, #tpu.memory_space<hbm>>) target(%arg10 : memref<80xi32, #tpu.memory_space<vmem>>) target_semaphore(%run_scoped3A : memref<!tpu.dma_semaphore, #tpu.memory_space<semaphore_mem>>)
            %dma_wait3A_82 = tpu.memref_slice %arg4[%add3A_76] : memref<320000xi32, #tpu.memory_space<hbm>> -> memref<80xi32, #tpu.memory_space<hbm>>
            %dma_wait3A_83 = tpu.memref_slice %arg4[%add3A_76] : memref<320000xi32, #tpu.memory_space<hbm>> -> memref<80xi32, #tpu.memory_space<hbm>>
            tpu.wait_dma2 semaphore(%run_scoped3A : memref<!tpu.dma_semaphore, #tpu.memory_space<semaphore_mem>>) src(%dma_wait3A_83 : memref<80xi32, #tpu.memory_space<hbm>>) dst(%arg10 : memref<80xi32, #tpu.memory_space<vmem>>)
            tpu.yield
          }) : () -> ()
          %dma_start3A_77 = arith.constant 0 : i32
          %dma_start3A_78 = arith.constant 0 : i32
          %dma_start3A_79 = tpu.memref_slice %arg2[%dma_start3A_77, %dma_start3A_78] : memref<10000x64xf32, #tpu.memory_space<hbm>> -> memref<10000x64xf32, #tpu.memory_space<hbm>>
          tpu.enqueue_indirect_dma source(%dma_start3A_79 : memref<10000x64xf32, #tpu.memory_space<hbm>>) target(%arg12 : memref<80x64xf32, #tpu.memory_space<vmem>>) offsets(%arg8 : memref<80xi32, #tpu.memory_space<vmem>>) semaphore(%arg14 : memref<!tpu.dma_semaphore, #tpu.memory_space<semaphore_mem>>)
        } else {
        }
      } else {
      }
      %mul3A_50 = arith.constant 2 : i32
      %mul3A_51 = arith.muli %mul3A_50, %scan3A_42 : i32
      %add3A_52 = arith.constant 1 : i32
      %add3A_53 = arith.addi %mul3A_51, %add3A_52 : i32
      %lt3A_54 = arith.constant 125 : i32
      %lt3A_55 = arith.cmpi slt, %add3A_53, %lt3A_54 : i32
      %convert_element_type3A_56 = arith.extui %lt3A_55 : i1 to i32
      %cond3A_57 = arith.constant 0 : i32
      %cond3A_58 = arith.cmpi ne, %convert_element_type3A_56, %cond3A_57 : i32
      scf.if %cond3A_58 {
        %dma_wait3A = arith.constant 0 : i32
        %dma_wait3A_60 = arith.constant 0 : i32
        %dma_wait3A_61 = tpu.memref_slice %arg2[%dma_wait3A, %dma_wait3A_60] : memref<10000x64xf32, #tpu.memory_space<hbm>> -> memref<10000x64xf32, #tpu.memory_space<hbm>>
        tpu.wait_indirect_dma semaphore(%arg15 : memref<!tpu.dma_semaphore, #tpu.memory_space<semaphore_mem>>) src(%dma_wait3A_61 : memref<10000x64xf32, #tpu.memory_space<hbm>>) dst(%arg13 : memref<80x64xf32, #tpu.memory_space<vmem>>)
        "tpu.region"() ({
          %run_scoped3A = tpu.sem_alloc : memref<!tpu.dma_semaphore, #tpu.memory_space<semaphore_mem>>
          %dma_start3A_69 = arith.constant 0 : i32
          %dma_start3A_70 = arith.constant 0 : i32
          %dma_start3A_71 = tpu.memref_slice %arg6[%dma_start3A_69, %dma_start3A_70] : memref<10000x64xf32, #tpu.memory_space<vmem_shared>> -> memref<10000x64xf32, #tpu.memory_space<vmem_shared>>
          tpu.enqueue_indirect_dma source(%arg13 : memref<80x64xf32, #tpu.memory_space<vmem>>) target(%dma_start3A_71 : memref<10000x64xf32, #tpu.memory_space<vmem_shared>>) offsets(%arg11 : memref<80xi32, #tpu.memory_space<vmem>>) semaphore(%run_scoped3A : memref<!tpu.dma_semaphore, #tpu.memory_space<semaphore_mem>>) {add = true}
          %dma_wait3A_72 = arith.constant 0 : i32
          %dma_wait3A_73 = arith.constant 0 : i32
          %dma_wait3A_74 = tpu.memref_slice %arg6[%dma_wait3A_72, %dma_wait3A_73] : memref<10000x64xf32, #tpu.memory_space<vmem_shared>> -> memref<10000x64xf32, #tpu.memory_space<vmem_shared>>
          tpu.wait_indirect_dma semaphore(%run_scoped3A : memref<!tpu.dma_semaphore, #tpu.memory_space<semaphore_mem>>) src(%arg13 : memref<80x64xf32, #tpu.memory_space<vmem>>) dst(%dma_wait3A_74 : memref<10000x64xf32, #tpu.memory_space<vmem_shared>>)
          tpu.yield
        }) : () -> ()
        %add3A_62 = arith.constant 2 : i32
        %add3A_63 = arith.addi %add3A_53, %add3A_62 : i32
        %lt3A_64 = arith.constant 125 : i32
        %lt3A_65 = arith.cmpi slt, %add3A_63, %lt3A_64 : i32
        %convert_element_type3A_66 = arith.extui %lt3A_65 : i1 to i32
        %cond3A_67 = arith.constant 0 : i32
        %cond3A_68 = arith.cmpi ne, %convert_element_type3A_66, %cond3A_67 : i32
        scf.if %cond3A_68 {
          %add3A_69 = arith.constant 2 : i32
          %add3A_70 = arith.addi %add3A_53, %add3A_69 : i32
          %mul3A_71 = arith.constant 80 : i32
          %mul3A_72 = arith.muli %add3A_70, %mul3A_71 : i32
          %add3A_73 = arith.addi %mul3A_2, %mul3A_72 : i32
          "tpu.region"() ({
            %run_scoped3A = tpu.sem_alloc : memref<!tpu.dma_semaphore, #tpu.memory_space<semaphore_mem>>
            %dma_start3A_80 = tpu.memref_slice %arg3[%add3A_73] : memref<320000xi32, #tpu.memory_space<hbm>> -> memref<80xi32, #tpu.memory_space<hbm>>
            %dma_start3A_81 = tpu.memref_slice %arg3[%add3A_73] : memref<320000xi32, #tpu.memory_space<hbm>> -> memref<80xi32, #tpu.memory_space<hbm>>
            tpu.enqueue_dma source(%dma_start3A_81 : memref<80xi32, #tpu.memory_space<hbm>>) target(%arg9 : memref<80xi32, #tpu.memory_space<vmem>>) target_semaphore(%run_scoped3A : memref<!tpu.dma_semaphore, #tpu.memory_space<semaphore_mem>>)
            %dma_wait3A_82 = tpu.memref_slice %arg3[%add3A_73] : memref<320000xi32, #tpu.memory_space<hbm>> -> memref<80xi32, #tpu.memory_space<hbm>>
            %dma_wait3A_83 = tpu.memref_slice %arg3[%add3A_73] : memref<320000xi32, #tpu.memory_space<hbm>> -> memref<80xi32, #tpu.memory_space<hbm>>
            tpu.wait_dma2 semaphore(%run_scoped3A : memref<!tpu.dma_semaphore, #tpu.memory_space<semaphore_mem>>) src(%dma_wait3A_83 : memref<80xi32, #tpu.memory_space<hbm>>) dst(%arg9 : memref<80xi32, #tpu.memory_space<vmem>>)
            tpu.yield
          }) : () -> ()
          %mul3A_74 = arith.constant 80 : i32
          %mul3A_75 = arith.muli %add3A_70, %mul3A_74 : i32
          %add3A_76 = arith.addi %mul3A_2, %mul3A_75 : i32
          "tpu.region"() ({
            %run_scoped3A = tpu.sem_alloc : memref<!tpu.dma_semaphore, #tpu.memory_space<semaphore_mem>>
            %dma_start3A_80 = tpu.memref_slice %arg4[%add3A_76] : memref<320000xi32, #tpu.memory_space<hbm>> -> memref<80xi32, #tpu.memory_space<hbm>>
            %dma_start3A_81 = tpu.memref_slice %arg4[%add3A_76] : memref<320000xi32, #tpu.memory_space<hbm>> -> memref<80xi32, #tpu.memory_space<hbm>>
            tpu.enqueue_dma source(%dma_start3A_81 : memref<80xi32, #tpu.memory_space<hbm>>) target(%arg11 : memref<80xi32, #tpu.memory_space<vmem>>) target_semaphore(%run_scoped3A : memref<!tpu.dma_semaphore, #tpu.memory_space<semaphore_mem>>)
            %dma_wait3A_82 = tpu.memref_slice %arg4[%add3A_76] : memref<320000xi32, #tpu.memory_space<hbm>> -> memref<80xi32, #tpu.memory_space<hbm>>
            %dma_wait3A_83 = tpu.memref_slice %arg4[%add3A_76] : memref<320000xi32, #tpu.memory_space<hbm>> -> memref<80xi32, #tpu.memory_space<hbm>>
            tpu.wait_dma2 semaphore(%run_scoped3A : memref<!tpu.dma_semaphore, #tpu.memory_space<semaphore_mem>>) src(%dma_wait3A_83 : memref<80xi32, #tpu.memory_space<hbm>>) dst(%arg11 : memref<80xi32, #tpu.memory_space<vmem>>)
            tpu.yield
          }) : () -> ()
          %dma_start3A_77 = arith.constant 0 : i32
          %dma_start3A_78 = arith.constant 0 : i32
          %dma_start3A_79 = tpu.memref_slice %arg2[%dma_start3A_77, %dma_start3A_78] : memref<10000x64xf32, #tpu.memory_space<hbm>> -> memref<10000x64xf32, #tpu.memory_space<hbm>>
          tpu.enqueue_indirect_dma source(%dma_start3A_79 : memref<10000x64xf32, #tpu.memory_space<hbm>>) target(%arg13 : memref<80x64xf32, #tpu.memory_space<vmem>>) offsets(%arg9 : memref<80xi32, #tpu.memory_space<vmem>>) semaphore(%arg15 : memref<!tpu.dma_semaphore, #tpu.memory_space<semaphore_mem>>)
        } else {
        }
      } else {
      }
      %scan3A_59 = arith.constant 0 : i32
      scf.yield %scan3A_59 : i32
    }
    %scan3A_40 = arith.constant 63 : i32
    %barrier3A_41 = arith.constant 0 : index
    tpu.barrier barrier_id(%barrier3A_41)
    "tpu.region"() ({
      %run_scoped3A = tpu.sem_alloc : memref<!tpu.dma_semaphore, #tpu.memory_space<semaphore_mem>>
      %dma_start3A_42 = arith.constant 0 : i32
      %dma_start3A_43 = arith.constant 0 : i32
      %dma_start3A_44 = tpu.memref_slice %arg5[%arg0, %arg1, %dma_start3A_42, %dma_start3A_43] : memref<2x16x625x64xf32, #tpu.memory_space<hbm>> -> memref<1x1x625x64xf32, #tpu.memory_space<hbm>>
      %dma_start3A_45 = tpu.memref_squeeze %dma_start3A_44 : memref<1x1x625x64xf32, #tpu.memory_space<hbm>> -> memref<625x64xf32, #tpu.memory_space<hbm>>
      %dma_start3A_46 = arith.constant 0 : i32
      %dma_start3A_47 = tpu.memref_slice %arg6[%mul3A_4, %dma_start3A_46] : memref<10000x64xf32, #tpu.memory_space<vmem_shared>> -> memref<625x64xf32, #tpu.memory_space<vmem_shared>>
      tpu.enqueue_dma source(%dma_start3A_47 : memref<625x64xf32, #tpu.memory_space<vmem_shared>>) target(%dma_start3A_45 : memref<625x64xf32, #tpu.memory_space<hbm>>) target_semaphore(%run_scoped3A : memref<!tpu.dma_semaphore, #tpu.memory_space<semaphore_mem>>)
      %dma_wait3A = arith.constant 0 : i32
      %dma_wait3A_48 = arith.constant 0 : i32
      %dma_wait3A_49 = tpu.memref_slice %arg5[%arg0, %arg1, %dma_wait3A, %dma_wait3A_48] : memref<2x16x625x64xf32, #tpu.memory_space<hbm>> -> memref<1x1x625x64xf32, #tpu.memory_space<hbm>>
      %dma_wait3A_50 = tpu.memref_squeeze %dma_wait3A_49 : memref<1x1x625x64xf32, #tpu.memory_space<hbm>> -> memref<625x64xf32, #tpu.memory_space<hbm>>
      %dma_wait3A_51 = arith.constant 0 : i32
      %dma_wait3A_52 = tpu.memref_slice %arg6[%mul3A_4, %dma_wait3A_51] : memref<10000x64xf32, #tpu.memory_space<vmem_shared>> -> memref<625x64xf32, #tpu.memory_space<vmem_shared>>
      tpu.wait_dma2 semaphore(%run_scoped3A : memref<!tpu.dma_semaphore, #tpu.memory_space<semaphore_mem>>) src(%dma_wait3A_52 : memref<625x64xf32, #tpu.memory_space<vmem_shared>>) dst(%dma_wait3A_50 : memref<625x64xf32, #tpu.memory_space<hbm>>)
      tpu.yield
    }) : () -> ()
    return
  }
}

module attributes {stable_mosaic.version = 14 : i64} {
  func.func @_prep_body(%arg0: i32, %arg1: memref<1000x128xf32, #tpu.memory_space<vmem>>, %arg2: memref<128x64xf32, #tpu.memory_space<vmem>>, %arg3: memref<2x1000x16xf32, #tpu.memory_space<vmem>>, %arg4: memref<1000x64xf32, #tpu.memory_space<vmem>>, %arg5: memref<1000x1xf32, #tpu.memory_space<vmem>>) attributes {dimension_semantics = [#tpu.dimension_semantics<arbitrary>], iteration_bounds = array<i64: 10>, scalar_prefetch = 0 : i64, scratch_operands = 0 : i64, tpu.core_type = #tpu.core_type<tc>, window_params = [{transform_indices = @transform_0, window_bounds = array<i64: 1000, 128>}, {pipeline_mode = #tpu.pipeline_mode<synchronous>, transform_indices = @transform_1, window_bounds = array<i64: 128, 64>}, {transform_indices = @transform_2, window_bounds = array<i64: 2, 1000, 16>}, {transform_indices = @transform_3, window_bounds = array<i64: 1000, 64>}, {transform_indices = @transform_4, window_bounds = array<i64: 1000, 1>}]} {
    %get3A = arith.constant 0 : index
    %get3A_0 = arith.constant 0 : index
    %get3A_1 = arith.constant 0 : index
    %get3A_2 = vector.load %arg3[%get3A, %get3A_0, %get3A_1] : memref<2x1000x16xf32, #tpu.memory_space<vmem>>, vector<2x1000x16xf32>
    %slice3A = vector.extract_strided_slice %get3A_2 {offsets = [0, 0, 0], sizes = [1, 1000, 16], strides = [1, 1, 1]} : vector<2x1000x16xf32> to vector<1x1000x16xf32>
    %squeeze3A = vector.shape_cast %slice3A : vector<1x1000x16xf32> to vector<1000x16xf32>
    %slice3A_3 = vector.extract_strided_slice %get3A_2 {offsets = [1, 0, 0], sizes = [1, 1000, 16], strides = [1, 1, 1]} : vector<2x1000x16xf32> to vector<1x1000x16xf32>
    %squeeze3A_4 = vector.shape_cast %slice3A_3 : vector<1x1000x16xf32> to vector<1000x16xf32>
    %add3A = arith.addf %squeeze3A, %squeeze3A_4 : vector<1000x16xf32>
    %slice3A_5 = vector.extract_strided_slice %add3A {offsets = [0, 0], sizes = [1000, 1], strides = [1, 1]} : vector<1000x16xf32> to vector<1000x1xf32>
    %add3A_6 = arith.constant 1.000000e+00 : f32
    %add3A_7 = vector.broadcast %add3A_6 : f32 to vector<1000x1xf32>
    %add3A_8 = arith.addf %slice3A_5, %add3A_7 : vector<1000x1xf32>
    %max3A = arith.constant 1.000000e+00 : f32
    %max3A_9 = vector.broadcast %max3A : f32 to vector<1000x1xf32>
    %max3A_10 = arith.maximumf %add3A_8, %max3A_9 : vector<1000x1xf32>
    %rsqrt3A = math.rsqrt %max3A_10 : vector<1000x1xf32>
    %swap3A = arith.constant 0 : index
    %swap3A_11 = arith.constant 0 : index
    %swap3A_12 = vector.load %arg5[%swap3A, %swap3A_11] : memref<1000x1xf32, #tpu.memory_space<vmem>>, vector<1000x1xf32>
    tpu.vector_store %arg5[%swap3A, %swap3A_11], %rsqrt3A {strides = array<i32>} : memref<1000x1xf32, #tpu.memory_space<vmem>>, vector<1000x1xf32>,
    %get3A_13 = arith.constant 0 : index
    %get3A_14 = arith.constant 0 : index
    %get3A_15 = vector.load %arg1[%get3A_13, %get3A_14] : memref<1000x128xf32, #tpu.memory_space<vmem>>, vector<1000x128xf32>
    %get3A_16 = arith.constant 0 : index
    %get3A_17 = arith.constant 0 : index
    %get3A_18 = vector.load %arg2[%get3A_16, %get3A_17] : memref<128x64xf32, #tpu.memory_space<vmem>>, vector<128x64xf32>
    %dot_general3A = arith.constant dense<0.000000e+00> : vector<1000x64xf32>
    %dot_general3A_19 = tpu.matmul %get3A_15, %get3A_18, %dot_general3A {dimension_numbers = #tpu.dot_dimension_numbers<[1], [0], [0], [1], [0, 0, 1, 1], [], []>, transpose_lhs_hint = false} : vector<1000x128xf32>, vector<128x64xf32>, vector<1000x64xf32> -> vector<1000x64xf32>
    %mul3A = vector.broadcast %rsqrt3A : vector<1000x1xf32> to vector<1000x64xf32>
    %mul3A_20 = arith.mulf %dot_general3A_19, %mul3A : vector<1000x64xf32>
    %swap3A_21 = arith.constant 0 : index
    %swap3A_22 = arith.constant 0 : index
    %swap3A_23 = vector.load %arg4[%swap3A_21, %swap3A_22] : memref<1000x64xf32, #tpu.memory_space<vmem>>, vector<1000x64xf32>
    tpu.vector_store %arg4[%swap3A_21, %swap3A_22], %mul3A_20 {strides = array<i32>} : memref<1000x64xf32, #tpu.memory_space<vmem>>, vector<1000x64xf32>,
    return
  }
  func.func @transform_0(%arg0: i32) -> (i32, i32) {
    %c0_i32 = arith.constant 0 : i32
    %c0_i32_0 = arith.constant 0 : i32
    return %arg0, %c0_i32 : i32, i32
  }
  func.func @transform_1(%arg0: i32) -> (i32, i32) {
    %c0_i32 = arith.constant 0 : i32
    %c0_i32_0 = arith.constant 0 : i32
    %c0_i32_1 = arith.constant 0 : i32
    return %c0_i32, %c0_i32_0 : i32, i32
  }
  func.func @transform_2(%arg0: i32) -> (i32, i32, i32) {
    %c0_i32 = arith.constant 0 : i32
    %c0_i32_0 = arith.constant 0 : i32
    %c0_i32_1 = arith.constant 0 : i32
    return %c0_i32, %arg0, %c0_i32_0 : i32, i32, i32
  }
  func.func @transform_3(%arg0: i32) -> (i32, i32) {
    %c0_i32 = arith.constant 0 : i32
    %c0_i32_0 = arith.constant 0 : i32
    return %arg0, %c0_i32 : i32, i32
  }
  func.func @transform_4(%arg0: i32) -> (i32, i32) {
    %c0_i32 = arith.constant 0 : i32
    %c0_i32_0 = arith.constant 0 : i32
    return %arg0, %c0_i32 : i32, i32
  }
}

module attributes {stable_mosaic.version = 14 : i64} {
  func.func @_combine_body(%arg0: i32, %arg1: memref<2x1000x64xf32, #tpu.memory_space<vmem>>, %arg2: memref<1000x64xf32, #tpu.memory_space<vmem>>, %arg3: memref<1000x1xf32, #tpu.memory_space<vmem>>, %arg4: memref<1x64xf32, #tpu.memory_space<vmem>>, %arg5: memref<64x64xf32, #tpu.memory_space<vmem>>, %arg6: memref<1000x64xf32, #tpu.memory_space<vmem>>) attributes {dimension_semantics = [#tpu.dimension_semantics<arbitrary>], iteration_bounds = array<i64: 10>, scalar_prefetch = 0 : i64, scratch_operands = 0 : i64, tpu.core_type = #tpu.core_type<tc>, window_params = [{transform_indices = @transform_0, window_bounds = array<i64: 2, 1000, 64>}, {transform_indices = @transform_1, window_bounds = array<i64: 1000, 64>}, {transform_indices = @transform_2, window_bounds = array<i64: 1000, 1>}, {pipeline_mode = #tpu.pipeline_mode<synchronous>, transform_indices = @transform_3, window_bounds = array<i64: 1, 64>}, {pipeline_mode = #tpu.pipeline_mode<synchronous>, transform_indices = @transform_4, window_bounds = array<i64: 64, 64>}, {transform_indices = @transform_5, window_bounds = array<i64: 1000, 64>}]} {
    %get3A = arith.constant 0 : index
    %get3A_0 = arith.constant 0 : index
    %get3A_1 = arith.constant 0 : index
    %get3A_2 = vector.load %arg1[%get3A, %get3A_0, %get3A_1] : memref<2x1000x64xf32, #tpu.memory_space<vmem>>, vector<2x1000x64xf32>
    %slice3A = vector.extract_strided_slice %get3A_2 {offsets = [0, 0, 0], sizes = [1, 1000, 64], strides = [1, 1, 1]} : vector<2x1000x64xf32> to vector<1x1000x64xf32>
    %squeeze3A = vector.shape_cast %slice3A : vector<1x1000x64xf32> to vector<1000x64xf32>
    %slice3A_3 = vector.extract_strided_slice %get3A_2 {offsets = [1, 0, 0], sizes = [1, 1000, 64], strides = [1, 1, 1]} : vector<2x1000x64xf32> to vector<1x1000x64xf32>
    %squeeze3A_4 = vector.shape_cast %slice3A_3 : vector<1x1000x64xf32> to vector<1000x64xf32>
    %add3A = arith.addf %squeeze3A, %squeeze3A_4 : vector<1000x64xf32>
    %get3A_5 = arith.constant 0 : index
    %get3A_6 = arith.constant 0 : index
    %get3A_7 = vector.load %arg2[%get3A_5, %get3A_6] : memref<1000x64xf32, #tpu.memory_space<vmem>>, vector<1000x64xf32>
    %add3A_8 = arith.addf %add3A, %get3A_7 : vector<1000x64xf32>
    %get3A_9 = arith.constant 0 : index
    %get3A_10 = arith.constant 0 : index
    %get3A_11 = vector.load %arg3[%get3A_9, %get3A_10] : memref<1000x1xf32, #tpu.memory_space<vmem>>, vector<1000x1xf32>
    %mul3A = vector.broadcast %get3A_11 : vector<1000x1xf32> to vector<1000x64xf32>
    %mul3A_12 = arith.mulf %add3A_8, %mul3A : vector<1000x64xf32>
    %get3A_13 = arith.constant 0 : index
    %get3A_14 = arith.constant 0 : index
    %get3A_15 = vector.load %arg4[%get3A_13, %get3A_14] : memref<1x64xf32, #tpu.memory_space<vmem>>, vector<1x64xf32>
    %add3A_16 = vector.broadcast %get3A_15 : vector<1x64xf32> to vector<1000x64xf32>
    %add3A_17 = arith.addf %mul3A_12, %add3A_16 : vector<1000x64xf32>
    %max3A = arith.constant 0.000000e+00 : f32
    %max3A_18 = vector.broadcast %max3A : f32 to vector<1000x64xf32>
    %max3A_19 = arith.maximumf %add3A_17, %max3A_18 : vector<1000x64xf32>
    %get3A_20 = arith.constant 0 : index
    %get3A_21 = arith.constant 0 : index
    %get3A_22 = vector.load %arg5[%get3A_20, %get3A_21] : memref<64x64xf32, #tpu.memory_space<vmem>>, vector<64x64xf32>
    %dot_general3A = arith.constant dense<0.000000e+00> : vector<1000x64xf32>
    %dot_general3A_23 = tpu.matmul %max3A_19, %get3A_22, %dot_general3A {dimension_numbers = #tpu.dot_dimension_numbers<[1], [0], [0], [1], [0, 0, 1, 1], [], []>, transpose_lhs_hint = false} : vector<1000x64xf32>, vector<64x64xf32>, vector<1000x64xf32> -> vector<1000x64xf32>
    %mul3A_24 = vector.broadcast %get3A_11 : vector<1000x1xf32> to vector<1000x64xf32>
    %mul3A_25 = arith.mulf %dot_general3A_23, %mul3A_24 : vector<1000x64xf32>
    %swap3A = arith.constant 0 : index
    %swap3A_26 = arith.constant 0 : index
    %swap3A_27 = vector.load %arg6[%swap3A, %swap3A_26] : memref<1000x64xf32, #tpu.memory_space<vmem>>, vector<1000x64xf32>
    tpu.vector_store %arg6[%swap3A, %swap3A_26], %mul3A_25 {strides = array<i32>} : memref<1000x64xf32, #tpu.memory_space<vmem>>, vector<1000x64xf32>,
    return
  }
  func.func @transform_0(%arg0: i32) -> (i32, i32, i32) {
    %c0_i32 = arith.constant 0 : i32
    %c0_i32_0 = arith.constant 0 : i32
    %c0_i32_1 = arith.constant 0 : i32
    return %c0_i32, %arg0, %c0_i32_0 : i32, i32, i32
  }
  func.func @transform_1(%arg0: i32) -> (i32, i32) {
    %c0_i32 = arith.constant 0 : i32
    %c0_i32_0 = arith.constant 0 : i32
    return %arg0, %c0_i32 : i32, i32
  }
  func.func @transform_2(%arg0: i32) -> (i32, i32) {
    %c0_i32 = arith.constant 0 : i32
    %c0_i32_0 = arith.constant 0 : i32
    return %arg0, %c0_i32 : i32, i32
  }
  func.func @transform_3(%arg0: i32) -> (i32, i32) {
    %c0_i32 = arith.constant 0 : i32
    %c0_i32_0 = arith.constant 0 : i32
    %c0_i32_1 = arith.constant 0 : i32
    return %c0_i32, %c0_i32_0 : i32, i32
  }
  func.func @transform_4(%arg0: i32) -> (i32, i32) {
    %c0_i32 = arith.constant 0 : i32
    %c0_i32_0 = arith.constant 0 : i32
    %c0_i32_1 = arith.constant 0 : i32
    return %c0_i32, %c0_i32_0 : i32, i32
  }
  func.func @transform_5(%arg0: i32) -> (i32, i32) {
    %c0_i32 = arith.constant 0 : i32
    %c0_i32_0 = arith.constant 0 : i32
    return %arg0, %c0_i32 : i32, i32
  }
}

module attributes {stable_mosaic.version = 14 : i64} {
  func.func @_final_body(%arg0: i32, %arg1: memref<2x1000x64xf32, #tpu.memory_space<vmem>>, %arg2: memref<1000x64xf32, #tpu.memory_space<vmem>>, %arg3: memref<1000x1xf32, #tpu.memory_space<vmem>>, %arg4: memref<1x64xf32, #tpu.memory_space<vmem>>, %arg5: memref<1000x1xi32, #tpu.memory_space<vmem>>, %arg6: memref<64x32xf32, #tpu.memory_space<vmem>>, %arg7: memref<1x32xf32, #tpu.memory_space<vmem>>, %arg8: memref<32x1xf32, #tpu.memory_space<vmem>>, %arg9: memref<1x1xf32, #tpu.memory_space<vmem>>, %arg10: memref<64x1xf32, #tpu.memory_space<vmem>>, %arg11: memref<64x65xf32, #tpu.memory_space<vmem>>) attributes {dimension_semantics = [#tpu.dimension_semantics<arbitrary>], iteration_bounds = array<i64: 10>, scalar_prefetch = 0 : i64, scratch_operands = 1 : i64, tpu.core_type = #tpu.core_type<tc>, window_params = [{transform_indices = @transform_0, window_bounds = array<i64: 2, 1000, 64>}, {transform_indices = @transform_1, window_bounds = array<i64: 1000, 64>}, {transform_indices = @transform_2, window_bounds = array<i64: 1000, 1>}, {pipeline_mode = #tpu.pipeline_mode<synchronous>, transform_indices = @transform_3, window_bounds = array<i64: 1, 64>}, {transform_indices = @transform_4, window_bounds = array<i64: 1000, 1>}, {pipeline_mode = #tpu.pipeline_mode<synchronous>, transform_indices = @transform_5, window_bounds = array<i64: 64, 32>}, {pipeline_mode = #tpu.pipeline_mode<synchronous>, transform_indices = @transform_6, window_bounds = array<i64: 1, 32>}, {pipeline_mode = #tpu.pipeline_mode<synchronous>, transform_indices = @transform_7, window_bounds = array<i64: 32, 1>}, {pipeline_mode = #tpu.pipeline_mode<synchronous>, transform_indices = @transform_8, window_bounds = array<i64: 1, 1>}, {pipeline_mode = #tpu.pipeline_mode<synchronous>, transform_indices = @transform_9, window_bounds = array<i64: 64, 1>}]} {
    %eq3A = arith.constant 0 : i32
    %eq3A_0 = arith.cmpi eq, %arg0, %eq3A : i32
    %convert_element_type3A = arith.extui %eq3A_0 : i1 to i32
    %cond3A = arith.constant 0 : i32
    %cond3A_1 = arith.cmpi ne, %convert_element_type3A, %cond3A : i32
    scf.if %cond3A_1 {
      %broadcast_in_dim3A_42 = arith.constant 0.000000e+00 : f32
      %broadcast_in_dim3A_43 = vector.broadcast %broadcast_in_dim3A_42 : f32 to vector<64x65xf32>
      %swap3A_44 = arith.constant 0 : index
      %swap3A_45 = arith.constant 0 : index
      %swap3A_46 = vector.load %arg11[%swap3A_44, %swap3A_45] : memref<64x65xf32, #tpu.memory_space<vmem>>, vector<64x65xf32>
      tpu.vector_store %arg11[%swap3A_44, %swap3A_45], %broadcast_in_dim3A_43 {strides = array<i32>} : memref<64x65xf32, #tpu.memory_space<vmem>>, vector<64x65xf32>,
    } else {
    }
    %get3A = arith.constant 0 : index
    %get3A_2 = arith.constant 0 : index
    %get3A_3 = arith.constant 0 : index
    %get3A_4 = vector.load %arg1[%get3A, %get3A_2, %get3A_3] : memref<2x1000x64xf32, #tpu.memory_space<vmem>>, vector<2x1000x64xf32>
    %slice3A = vector.extract_strided_slice %get3A_4 {offsets = [0, 0, 0], sizes = [1, 1000, 64], strides = [1, 1, 1]} : vector<2x1000x64xf32> to vector<1x1000x64xf32>
    %squeeze3A = vector.shape_cast %slice3A : vector<1x1000x64xf32> to vector<1000x64xf32>
    %slice3A_5 = vector.extract_strided_slice %get3A_4 {offsets = [1, 0, 0], sizes = [1, 1000, 64], strides = [1, 1, 1]} : vector<2x1000x64xf32> to vector<1x1000x64xf32>
    %squeeze3A_6 = vector.shape_cast %slice3A_5 : vector<1x1000x64xf32> to vector<1000x64xf32>
    %add3A = arith.addf %squeeze3A, %squeeze3A_6 : vector<1000x64xf32>
    %get3A_7 = arith.constant 0 : index
    %get3A_8 = arith.constant 0 : index
    %get3A_9 = vector.load %arg2[%get3A_7, %get3A_8] : memref<1000x64xf32, #tpu.memory_space<vmem>>, vector<1000x64xf32>
    %add3A_10 = arith.addf %add3A, %get3A_9 : vector<1000x64xf32>
    %get3A_11 = arith.constant 0 : index
    %get3A_12 = arith.constant 0 : index
    %get3A_13 = vector.load %arg3[%get3A_11, %get3A_12] : memref<1000x1xf32, #tpu.memory_space<vmem>>, vector<1000x1xf32>
    %mul3A = vector.broadcast %get3A_13 : vector<1000x1xf32> to vector<1000x64xf32>
    %mul3A_14 = arith.mulf %add3A_10, %mul3A : vector<1000x64xf32>
    %get3A_15 = arith.constant 0 : index
    %get3A_16 = arith.constant 0 : index
    %get3A_17 = vector.load %arg4[%get3A_15, %get3A_16] : memref<1x64xf32, #tpu.memory_space<vmem>>, vector<1x64xf32>
    %add3A_18 = vector.broadcast %get3A_17 : vector<1x64xf32> to vector<1000x64xf32>
    %add3A_19 = arith.addf %mul3A_14, %add3A_18 : vector<1000x64xf32>
    %max3A = arith.constant 0.000000e+00 : f32
    %max3A_20 = vector.broadcast %max3A : f32 to vector<1000x64xf32>
    %max3A_21 = arith.maximumf %add3A_19, %max3A_20 : vector<1000x64xf32>
    %broadcast_in_dim3A = arith.constant 1.000000e+00 : f32
    %broadcast_in_dim3A_22 = vector.broadcast %broadcast_in_dim3A : f32 to vector<1000x1xf32>
    %concatenate3A = tpu.concatenate %max3A_21, %broadcast_in_dim3A_22 in 1 : vector<1000x64xf32>, vector<1000x1xf32> -> vector<1000x65xf32>
    %iota3A = tpu.iota {dimensions = array<i32: 1>} : vector<1000x64xi32>
    %get3A_23 = arith.constant 0 : index
    %get3A_24 = arith.constant 0 : index
    %get3A_25 = vector.load %arg5[%get3A_23, %get3A_24] : memref<1000x1xi32, #tpu.memory_space<vmem>>, vector<1000x1xi32>
    %eq3A_26 = vector.broadcast %get3A_25 : vector<1000x1xi32> to vector<1000x64xi32>
    %eq3A_27 = arith.cmpi eq, %eq3A_26, %iota3A : vector<1000x64xi32>
    %convert_element_type3A_28 = arith.extui %eq3A_27 : vector<1000x64xi1> to vector<1000x64xi32>
    %convert_element_type3A_29 = arith.sitofp %convert_element_type3A_28 : vector<1000x64xi32> to vector<1000x64xf32>
    %get3A_30 = arith.constant 0 : index
    %get3A_31 = arith.constant 0 : index
    %get3A_32 = vector.load %arg11[%get3A_30, %get3A_31] : memref<64x65xf32, #tpu.memory_space<vmem>>, vector<64x65xf32>
    %dot_general3A = arith.constant dense<0.000000e+00> : vector<64x65xf32>
    %dot_general3A_33 = tpu.matmul %convert_element_type3A_29, %concatenate3A, %dot_general3A {dimension_numbers = #tpu.dot_dimension_numbers<[0], [0], [1], [1], [0, 1, 1, 1], [], []>, transpose_lhs_hint = false} : vector<1000x64xf32>, vector<1000x65xf32>, vector<64x65xf32> -> vector<64x65xf32>
    %add3A_34 = arith.addf %get3A_32, %dot_general3A_33 : vector<64x65xf32>
    %swap3A = arith.constant 0 : index
    %swap3A_35 = arith.constant 0 : index
    %swap3A_36 = vector.load %arg11[%swap3A, %swap3A_35] : memref<64x65xf32, #tpu.memory_space<vmem>>, vector<64x65xf32>
    tpu.vector_store %arg11[%swap3A, %swap3A_35], %add3A_34 {strides = array<i32>} : memref<64x65xf32, #tpu.memory_space<vmem>>, vector<64x65xf32>,
    %eq3A_37 = arith.constant 9 : i32
    %eq3A_38 = arith.cmpi eq, %arg0, %eq3A_37 : i32
    %convert_element_type3A_39 = arith.extui %eq3A_38 : i1 to i32
    %cond3A_40 = arith.constant 0 : i32
    %cond3A_41 = arith.cmpi ne, %convert_element_type3A_39, %cond3A_40 : i32
    scf.if %cond3A_41 {
      %get3A_42 = arith.constant 0 : index
      %get3A_43 = arith.constant 0 : index
      %get3A_44 = vector.load %arg11[%get3A_42, %get3A_43] : memref<64x65xf32, #tpu.memory_space<vmem>>, vector<64x65xf32>
      %slice3A_45 = vector.extract_strided_slice %get3A_44 {offsets = [0, 64], sizes = [64, 1], strides = [1, 1]} : vector<64x65xf32> to vector<64x1xf32>
      %max3A_46 = arith.constant 1.000000e+00 : f32
      %max3A_47 = vector.broadcast %max3A_46 : f32 to vector<64x1xf32>
      %max3A_48 = arith.maximumf %slice3A_45, %max3A_47 : vector<64x1xf32>
      %slice3A_49 = vector.extract_strided_slice %get3A_44 {offsets = [0, 0], sizes = [64, 64], strides = [1, 1]} : vector<64x65xf32> to vector<64x64xf32>
      %div3A = vector.broadcast %max3A_48 : vector<64x1xf32> to vector<64x64xf32>
      %div3A_50 = arith.divf %slice3A_49, %div3A : vector<64x64xf32>
      %get3A_51 = arith.constant 0 : index
      %get3A_52 = arith.constant 0 : index
      %get3A_53 = vector.load %arg6[%get3A_51, %get3A_52] : memref<64x32xf32, #tpu.memory_space<vmem>>, vector<64x32xf32>
      %dot_general3A_54 = arith.constant dense<0.000000e+00> : vector<64x32xf32>
      %dot_general3A_55 = tpu.matmul %div3A_50, %get3A_53, %dot_general3A_54 {dimension_numbers = #tpu.dot_dimension_numbers<[1], [0], [0], [1], [0, 0, 1, 1], [], []>, transpose_lhs_hint = false} : vector<64x64xf32>, vector<64x32xf32>, vector<64x32xf32> -> vector<64x32xf32>
      %get3A_56 = arith.constant 0 : index
      %get3A_57 = arith.constant 0 : index
      %get3A_58 = vector.load %arg7[%get3A_56, %get3A_57] : memref<1x32xf32, #tpu.memory_space<vmem>>, vector<1x32xf32>
      %add3A_59 = vector.broadcast %get3A_58 : vector<1x32xf32> to vector<64x32xf32>
      %add3A_60 = arith.addf %dot_general3A_55, %add3A_59 : vector<64x32xf32>
      %max3A_61 = arith.constant 0.000000e+00 : f32
      %max3A_62 = vector.broadcast %max3A_61 : f32 to vector<64x32xf32>
      %max3A_63 = arith.maximumf %add3A_60, %max3A_62 : vector<64x32xf32>
      %get3A_64 = arith.constant 0 : index
      %get3A_65 = arith.constant 0 : index
      %get3A_66 = vector.load %arg8[%get3A_64, %get3A_65] : memref<32x1xf32, #tpu.memory_space<vmem>>, vector<32x1xf32>
      %dot_general3A_67 = arith.constant dense<0.000000e+00> : vector<64x1xf32>
      %dot_general3A_68 = tpu.matmul %max3A_63, %get3A_66, %dot_general3A_67 {dimension_numbers = #tpu.dot_dimension_numbers<[1], [0], [0], [1], [0, 0, 1, 1], [], []>, transpose_lhs_hint = false} : vector<64x32xf32>, vector<32x1xf32>, vector<64x1xf32> -> vector<64x1xf32>
      %get3A_69 = arith.constant 0 : index
      %get3A_70 = arith.constant 0 : index
      %get3A_71 = vector.load %arg9[%get3A_69, %get3A_70] : memref<1x1xf32, #tpu.memory_space<vmem>>, vector<1x1xf32>
      %add3A_72 = vector.broadcast %get3A_71 : vector<1x1xf32> to vector<64x1xf32>
      %add3A_73 = arith.addf %dot_general3A_68, %add3A_72 : vector<64x1xf32>
      %swap3A_74 = arith.constant 0 : index
      %swap3A_75 = arith.constant 0 : index
      %swap3A_76 = vector.load %arg10[%swap3A_74, %swap3A_75] : memref<64x1xf32, #tpu.memory_space<vmem>>, vector<64x1xf32>
      tpu.vector_store %arg10[%swap3A_74, %swap3A_75], %add3A_73 {strides = array<i32>} : memref<64x1xf32, #tpu.memory_space<vmem>>, vector<64x1xf32>,
    } else {
    }
    return
  }
  func.func @transform_0(%arg0: i32) -> (i32, i32, i32) {
    %c0_i32 = arith.constant 0 : i32
    %c0_i32_0 = arith.constant 0 : i32
    %c0_i32_1 = arith.constant 0 : i32
    return %c0_i32, %arg0, %c0_i32_0 : i32, i32, i32
  }
  func.func @transform_1(%arg0: i32) -> (i32, i32) {
    %c0_i32 = arith.constant 0 : i32
    %c0_i32_0 = arith.constant 0 : i32
    return %arg0, %c0_i32 : i32, i32
  }
  func.func @transform_2(%arg0: i32) -> (i32, i32) {
    %c0_i32 = arith.constant 0 : i32
    %c0_i32_0 = arith.constant 0 : i32
    return %arg0, %c0_i32 : i32, i32
  }
  func.func @transform_3(%arg0: i32) -> (i32, i32) {
    %c0_i32 = arith.constant 0 : i32
    %c0_i32_0 = arith.constant 0 : i32
    %c0_i32_1 = arith.constant 0 : i32
    return %c0_i32, %c0_i32_0 : i32, i32
  }
  func.func @transform_4(%arg0: i32) -> (i32, i32) {
    %c0_i32 = arith.constant 0 : i32
    %c0_i32_0 = arith.constant 0 : i32
    return %arg0, %c0_i32 : i32, i32
  }
  func.func @transform_5(%arg0: i32) -> (i32, i32) {
    %c0_i32 = arith.constant 0 : i32
    %c0_i32_0 = arith.constant 0 : i32
    %c0_i32_1 = arith.constant 0 : i32
    return %c0_i32, %c0_i32_0 : i32, i32
  }
  func.func @transform_6(%arg0: i32) -> (i32, i32) {
    %c0_i32 = arith.constant 0 : i32
    %c0_i32_0 = arith.constant 0 : i32
    %c0_i32_1 = arith.constant 0 : i32
    return %c0_i32, %c0_i32_0 : i32, i32
  }
  func.func @transform_7(%arg0: i32) -> (i32, i32) {
    %c0_i32 = arith.constant 0 : i32
    %c0_i32_0 = arith.constant 0 : i32
    %c0_i32_1 = arith.constant 0 : i32
    return %c0_i32, %c0_i32_0 : i32, i32
  }
  func.func @transform_8(%arg0: i32) -> (i32, i32) {
    %c0_i32 = arith.constant 0 : i32
    %c0_i32_0 = arith.constant 0 : i32
    %c0_i32_1 = arith.constant 0 : i32
    return %c0_i32, %c0_i32_0 : i32, i32
  }
  func.func @transform_9(%arg0: i32) -> (i32, i32) {
    %c0_i32 = arith.constant 0 : i32
    %c0_i32_0 = arith.constant 0 : i32
    %c0_i32_1 = arith.constant 0 : i32
    return %c0_i32, %c0_i32_0 : i32, i32
  }
}

</mosaic_0001>

<sc_bundles>
// kernel: kernel.10.cloned.1.call-start
scs
__scs_entry_jumppad:
0x0: {  	(pc) =	sbr.rel $0x88, $3  }
0x1: {  	(tag) =	ssettag $0x0;
	lr =	simm.s32 $0x1  }
0x2: {  	[smem:$0x3F94] =	sst lr;
	_ =	strace $0xD0000000  }
0x3: {  	_ = 	snop  }
0x4: {  	_ = 	snop  }
0x5: {  	_ = 	snop  }
0x6: {  	_ = 	snop  }
0x7: {  	_ = 	snop  }
__scs_overlays_trampoline_lowered:
0x8: {  	[smem:$0x3FA3] =	sst s0  }
0x9: {  	[smem:$0x3FA4] =	sst s1  }
0xa: {  	[smem:$0x3FA5] =	sst s2  }
0xb: {  	[smem:$0x3FA6] =	sst s3  }
0xc: {  	[smem:$0x3FA7] =	sst s4  }
0xd: {  	[smem:$0x3FA8] =	sst s5  }
0xe: {  	[smem:$0x3FA9] =	sst s6  }
0xf: {  	[smem:$0x3FAA] =	sst s7  }
0x10: {  	[smem:$0x3FAB] =	sst s8  }
0x11: {  	[smem:$0x3FAC] =	sst s9;
	s0 =	simm.s32 @!p0 $0x0  }
0x12: {  	s1 =	sld [smem:$0x3F92];
	s0 =	simm.s32 @p0 $0x1  }
0x13: {  	[smem:$0x3FAD] =	sst s0;
	s0 =	simm.s32 @!p1 $0x0  }
0x14: {  	s2 =	sld [smem:$0x3F91];
	s0 =	simm.s32 @p1 $0x1  }
0x15: {  	[smem:$0x3FAE] =	sst s0;
	s0 =	simm.s32 @!p2 $0x0  }
0x16: {  	s3 =	sld [smem:$0x3FDB];
	s0 =	simm.s32 @p2 $0x1  }
0x17: {  	s4 =	simm.s32 $0x1BF5;
	[smem:$0x3FB0] =	sst s0  }
0x18: {  	s0 =	sld [smem:$0x3F93];
	_ =	swait.ge [sflag:s4], $0x0  }
0x19: {  	s7 =	sld [smem:$0x3F94]  }
0x1a: {  	s8 =	sadd.s32 $0xFFFFE003, lr  }
0x1b: {  	s9 =	sadd.s32 $0xFFFFFEF7, lr;
	s5 =	simm.s32 $0xFFFFFFFF;
	p2 =	slt.u32 s8, $0xFFFFF086  }
0x1c: {  	p1 =	slt.u32 s9, $0xF7A;
	s5 =	simm.s32 @!p2 $0x0  }
0x1d: {  	s5 =	simm.s32 @p1 $0x1;
	p0 =	seq.s32 s7, s2  }
0x1e: {  	s7 =	smul.u32 @!p0 $0xF7A, s2;
	p2 =	seq.s32 @!p0 s5, $0x0  }
0x1f: {  	s9 =	smul.u32 $0xF7A, s1;
	s8 =	simm.s32 @!p0 $0x1BF5;
	p2 =	por !p2, p0  }
0x20: {  	[sflag:s8] =	ssyncset.s32 @!p0 $0xFFFFF086;
	s6 =	sadd.s32 @!p0 s3, s7;
	s7 =	simm.s32 @!p0 $0x108  }
0x21: {  	s3 =	sadd.s32 s3, s9;
	s6 =	sadd.s32 @!p0 $0x88, s6;
	s7 =	simm.s32 @p2 $0x1082  }
0x22: {  	[simem:s7], [sflag:s8] =	dma.local @!p0 [hbm:s6], $0xF7A  }
0x23: {  	s9 =	sor.u32 $0xD0000000, s2;
	s6 =	simm.s32 $0x108;
	_ =	swait.ge @!p0 [sflag:s8], $0x0  }
0x24: {  	s3 =	sadd.s32 $0x88, s3;
	s6 =	simm.s32 @!p1 $0x1082;
	[sflag:s4] =	ssyncset.s32 $0xFFFFF086  }
0x25: {  	[simem:s6], [sflag:s4] =	dma.local [hbm:s3], $0xF7A  }
0x26: {  	[smem:$0x3F94] =	sst s1;
	(tag) =	ssettag s2;
	_ =	strace s9  }
0x27: {  	s1 =	sld [smem:$0x3FA4]  }
0x28: {  	s2 =	sld [smem:$0x3FA5]  }
0x29: {  	s4 =	sld [smem:$0x3FA7]  }
0x2a: {  	p0 =	seq.s32 s5, $0x0;
	s5 =	sld [smem:$0x3FA8]  }
0x2b: {  	s6 =	sld [smem:$0x3FA9]  }
0x2c: {  	s7 =	sld [smem:$0x3FAA]  }
0x2d: {  	s3 =	simm.s32 $0x108;
	s8 =	sld [smem:$0x3FAB]  }
0x2e: {  	s3 =	simm.s32 @!p0 $0x1082;
	s9 =	sld [smem:$0x3FAC]  }
0x2f: {  	lr =	sadd.s32 s0, s3;
	s0 =	sld [smem:$0x3FA3]  }
0x30: {  	s3 =	sld [smem:$0x3FA6]  }
0x31: {  	[smem:$0x3FAF] =	sst s10  }
0x32: {  	s10 =	sld [smem:$0x3FAD];
	_ =	sdelay $0x3  }
0x33: {  	p0 =	seq.s32 s10, $0x1;
	s10 =	sld [smem:$0x3FAF];
	_ =	sdelay $0x3  }
0x34: {  	[smem:$0x3FAF] =	sst s10  }
0x35: {  	s10 =	sld [smem:$0x3FAE];
	_ =	sdelay $0x3  }
0x36: {  	p1 =	seq.s32 s10, $0x1;
	s10 =	sld [smem:$0x3FAF];
	_ =	sdelay $0x3  }
0x37: {  	[smem:$0x3FAF] =	sst s10  }
0x38: {  	s10 =	sld [smem:$0x3FB0]  }
0x39: {  	_ = 	snop;
	(pc) =	sbr.ind lr, $3  }
0x3a: {  	_ = 	snop  }
0x3b: {  	_ = 	snop  }
0x3c: {  	p2 =	seq.s32 s10, $0x1;
	s10 =	sld [smem:$0x3FAF]  }
0x3d: {  	_ =	shalt  }
0x3e: {  	_ =	shalt  }
0x3f: {  	_ =	shalt  }
0x40: {  	_ =	shalt  }
0x41: {  	_ =	shalt  }
0x42: {  	_ =	shalt  }
0x43: {  	_ =	shalt  }
0x44: {  	_ =	shalt  }
0x45: {  	_ =	shalt  }
0x46: {  	_ =	shalt  }
0x47: {  	_ =	shalt  }
0x48: {  	_ =	shalt  }
0x49: {  	_ =	shalt  }
0x4a: {  	_ =	shalt  }
0x4b: {  	_ =	shalt  }
0x4c: {  	_ =	shalt  }
0x4d: {  	_ =	shalt  }
0x4e: {  	_ =	shalt  }
0x4f: {  	_ =	shalt  }
0x50: {  	_ =	shalt  }
0x51: {  	_ =	shalt  }
0x52: {  	_ =	shalt  }
0x53: {  	_ =	shalt  }
0x54: {  	_ =	shalt  }
0x55: {  	_ =	shalt  }
0x56: {  	_ =	shalt  }
0x57: {  	_ =	shalt  }
0x58: {  	_ =	shalt  }
0x59: {  	_ =	shalt  }
0x5a: {  	_ =	shalt  }
0x5b: {  	_ =	shalt  }
0x5c: {  	_ =	shalt  }
0x5d: {  	_ =	shalt  }
0x5e: {  	_ =	shalt  }
0x5f: {  	_ =	shalt  }
0x60: {  	_ =	shalt  }
0x61: {  	_ =	shalt  }
0x62: {  	_ =	shalt  }
0x63: {  	_ =	shalt  }
0x64: {  	_ =	shalt  }
0x65: {  	_ =	shalt  }
0x66: {  	_ =	shalt  }
0x67: {  	_ =	shalt  }
0x68: {  	_ =	shalt  }
0x69: {  	_ =	shalt  }
0x6a: {  	_ =	shalt  }
0x6b: {  	_ =	shalt  }
0x6c: {  	_ =	shalt  }
0x6d: {  	_ =	shalt  }
0x6e: {  	_ =	shalt  }
0x6f: {  	_ =	shalt  }
0x70: {  	_ =	shalt  }
0x71: {  	_ =	shalt  }
0x72: {  	_ =	shalt  }
0x73: {  	_ =	shalt  }
0x74: {  	_ =	shalt  }
0x75: {  	_ =	shalt  }
0x76: {  	_ =	shalt  }
0x77: {  	_ =	shalt  }
0x78: {  	_ =	shalt  }
0x79: {  	_ =	shalt  }
0x7a: {  	_ =	shalt  }
0x7b: {  	_ =	shalt  }
0x7c: {  	_ =	shalt  }
0x7d: {  	_ =	shalt  }
0x7e: {  	_ =	shalt  }
0x7f: {  	_ =	shalt  }
0x80: {  	_ =	shalt  }
0x81: {  	_ =	shalt  }
0x82: {  	_ =	shalt  }
0x83: {  	_ =	shalt  }
0x84: {  	_ =	shalt  }
0x85: {  	_ =	shalt  }
0x86: {  	_ =	shalt  }
0x87: {  	_ =	shalt  }
.Lfunc_end0:
.L_simem_size_0:
called_computation_lowered:
.L_overlay_start_0:
0x88: {  	s2 =	sld [smem:$0x3FD9]  }
0x89: {  	s3 =	sld [smem:$0x3FFE];
	_ =	sdelay $0x1  }
0x8a: {  	s1 =	srdreg.scid  }
0x8b: {  	s0 =	sand.u32 $0x1, s1  }
0x8c: {  	s16 =	sshll.u32 s0, $0xA;
	s2 =	sadd.s32 s3, s2  }
0x8d: {  	s2 =	sadd.s32 s2, s16  }
0x8e: {  	[smem:$0x3FBB] =	sst s2  }
0x8f: {  	_ = 	snop  }
0x90: {  	(tm) =	ssettm $0x1  }
0x91: {  	s17 =	sld [smem:$0x3FFB];
	_ =	sdelay $0x3  }
0x92: {  	_ =	strace s17  }
0x93: {  	s2 =	sld [smem:$0x3FFC];
	_ =	sdelay $0x3  }
0x94: {  	_ =	strace s2  }
0x95: {  	s2 =	sld [smem:$0x3FFD];
	_ =	sdelay $0x3  }
0x96: {  	_ =	strace s2  }
0x97: {  	_ =	strace $0x8FFFFFFF  }
0x98: {  	s18 =	sld [smem:$0x3FDB];
	_ =	sdelay $0x1  }
0x99: {  	s19 =	simm.s32 $_scs_section_size  }
0x9a: {  	s4 =	simm.s32 $_size__tile_overlayer_lowered;
	s5 =	simm.s32 $_tile_overlayer_lowered  }
0x9b: {  	s22 =	simm.s32 $0x1BFF;
	s21 =	sshll.u32 s5, $0x1;
	s2 =	sadd.s32 s19, s18  }
0x9c: {  	s6 =	simm.s32 $0x0;
	s20 =	sshll.u32 s4, $0x1;
	s4 =	sadd.s32 s21, s2  }
0x9d: {  	[timem:s6], [sflag:s22] =	dma.local [hbm:s4], s20  }
0x9e: {  	_ =	swait.ge [sflag:s22], s20  }
0x9f: {  	s3 =	ssub.s32 $0x0, s20;
	[sflag:s22] =	ssyncset.done $0x0  }
0xa0: {  	[sflag:s22] =	ssyncadd.s32 s3;
	_ =	sdelay $0x1  }
0xa1: {  	s23 =	simm.s32 $0x1B8B  }
0xa2: {  	_ =	swait.ge [sflag:s23], $0x1  }
0xa3: {  	[sflag:s23] =	ssyncset.done $0x0  }
0xa4: {  	s25 =	simm.s32 $0x1B8E;
	s24 =	sld [smem:$0x3FFE];
	[sflag:s23] =	ssyncadd.s32 $0xFFFFFFFF  }
0xa5: {  	s26 =	simm.s32 $execute0_lowered;
	[smem:$0x3FD2] =	sst s25  }
0xa6: {  	s4 =	sshll.u32 s26, $0x1;
	_ =	strace $0x80000046;
	[dreg:$0x1] =	wrdreg $0xFFFFFFFF  }
0xa7: {  	s28 =	simm.s32 $_size_execute0_lowered;
	s2 =	sadd.s32 s2, s4;
	[dreg:$0x0] =	wrdreg $0x0  }
0xa8: {  	s4 =	sshll.u32 s28, $0x1;
	[dreg:$0x2] =	wrdreg s2  }
0xa9: {  	[dreg:$0x3] =	wrdreg s4  }
0xaa: {  	[dreg:$0x4] =	wrdreg $0xC0  }
0xab: {  	_ =	task [dreg:s6], $0x5FFFF  }
0xac: {  	[dreg:$0x1] =	wrdreg $0xFFFFFFFF  }
0xad: {  	[dreg:$0x0] =	wrdreg $0x60  }
0xae: {  	[dreg:$0x2] =	wrdreg s24  }
0xaf: {  	[dreg:$0x3] =	wrdreg $0x0  }
0xb0: {  	[dreg:$0x4] =	wrdreg $0x9  }
0xb1: {  	_ =	task.clear_ibuf [dreg:s6], $0x5FFFF;
	_ =	strace $0x90000046  }
0xb2: {  	s29 =	simm.s32 $0x9;
	_ =	strace $0x80000048  }
0xb3: {  	_ =	swait.ge [sflag:s29], $0x1  }
0xb4: {  	[sflag:s29] =	ssyncadd.s32 $0xFFFFFFFF  }
0xb5: {  	_ =	strace $0x90000048  }
0xb6: {  	_ =	sfence  }
0xb7: {  	s30 =	sld [smem:$0x0];
	_ =	sdelay $0x2  }
0xb8: {  	s31 =	sshll.u32 s1, $0xD;
	s1 =	sshrl.u32 s1, $0x2  }
0xb9: {  	s3 =	sand.u32 $0x4000, s31;
	s1 =	sadd.s32 s1, s30  }
0xba: {  	s0 =	sor.u32 s3, s0;
	s1 =	sshll.u32 s1, $0x11  }
0xbb: {  	s0 =	sor.u32 s1, s0  }
0xbc: {  	s0 =	sadd.s32 $0x8F2B, s0  }
0xbd: {  	[sflag:s0] =	ssyncadd.remote.s32 $0x1  }
0xbe: {  	_ =	sfence.sel $0xFFFF  }
0xbf: {  	[dreg:$0x0] =	wrdreg $0xFFFFFFFF;
	(pc) =	sbr.abs _section_cstart, $3  }
0xc0: {  	[dreg:$0x1] =	wrdreg $0xFFFFFFFF  }
0xc1: {  	_ =	task.clear_ibuf [dreg:s6], $0x2FFFF;
	_ =	strace $0x9FFFFFFF  }
0xc2: {  	(tm) =	ssettm $0x7FFFFFFF  }
0xc3: {  	_ =	shalt  }
tec
execute0_lowered:
.L_overlay_start_1:
0x0: {  	(tag) =	ssettag $0x1  }
0x1: {  	s5 =	rddreg [dreg:$0x0]  }
0x2: {  	s0 =	srdreg.scid;
	s2 =	rddreg [dreg:$0x1]  }
0x3: {  	s1 =	stileid.u32;
	s3 =	simm.s32 $0x0;
	s12 =	simm.s32 $0x2710  }
0x4: {  	s13 =	simm.s32 $0x1;
	s14 =	simm.s32 $0x33E0;
	s15 =	simm.s32 $0x50  }
0x5: {  	s16 =	simm.s32 $0x2EE0;
	s19 =	simm.s32 $0x0;
	s7 =	smul.u32 $0x2710, s1  }
0x6: {  	s4 =	sand.u32 $0x1, s0;
	s0 =	rddreg [dreg:$0x2];
	s8 =	smul.u32 $0x9C40, s1  }
0x7: {  	[smem:$0x7FF] =	sst s3;
	s17 =	sshll.u32 s1, $0x6;
	s6 =	smul.u32 $0x27100, s4  }
0x8: {  	_ =	strace $0x80000047;
	s29 =	ssub.s32 $0x2, s4;
	s17 =	sor.u32 $0x1C01, s17  }
0x9: {  	s30 =	sshrl.u32 s8, $0x2;
	s31 =	sshrl.u32 s29, $0x1;
	s6 =	sadd.s32 s7, s6  }
0xa: {  	s4 =	sadd.s32 s30, s2;
	s10 =	ssub.s32 s29, s31;
	s6 =	sshrl.u32 s6, $0x3  }
0xb: {  	s7 =	sadd.s32 $0x1770, s4;
	s8 =	sadd.s32 $0x1F40, s4;
	s10 =	smax.u32 s10, $0x1  }
0xc: {  	s18 =	sshrl.u32 s4, $0x3;
	s11 =	sadd.s32 s6, s5;
	s5 =	sadd.s32 $0x7D0, s4  }
0xd: {  	v0 =	vimm.f32 $0.0e+00;
	v1 =	vimm.f32 $1.000000000e+00;
	s6 =	sadd.s32 $0xFA0, s4;
	s9 =	sadd.s32 $0x16200, s11;
	s11 =	sadd.s32 $0xC400, s11  }
.LBB2_1:
0xe: {  	s20 =	simm.s32 $0x0  }
.LBB2_2:
0xf: {  	p0 =	sne.s32 s20, $0x1F00  }
.Ltmp0:
0x10: {  	_ = 	snop;
	(pc) =	sbr.rel @p0 .LBB2_2-.Ltmp0, $3  }
0x11: {  	_ =	sdelay $0x1  }
0x12: {  	s21 =	sshra.s32 s20, $0x2  }
0x13: {  	s20 =	sadd.s32 $0x40, s20;
	[tilespmem:s21+$0x2710] =	vst v0  }
0x14: {  	s20 =	simm.s32 $0x40;
	s21 =	simm.s32 $0x0  }
.LBB2_4:
0x15: {  	p0 =	sne.s32 s20, $0x13C0;
	[tilespmem:s21+$0x2EE0] =	vst v1;
	s21 =	smov.u32 s20;
	s20 =	sadd.s32 $0x40, s20  }
.Ltmp1:
0x16: {  	(pc) =	sbr.rel @p0 .LBB2_4-.Ltmp1, $2  }
0x17: {  	_ =	sdelay $0x2  }
0x18: {  	s21 =	sshra.s32 s21, $0x2  }
0x19: {  	[tilespmem:s21+$0x2EE0] =	vst v1  }
0x1a: {  	[spmem:s4] =	stream.linear.scatter [tilespmem:s12], [sflag:$0x1], $0x7D0, $0x38;
	[tilespmem:$0x3430] =	vst v63  }
0x1b: {  	_ =	swait.ge [sflag:s13], $0x7D0  }
0x1c: {  	[sflag:s13] =	ssyncset.done $0x0  }
0x1d: {  	[sflag:s13] =	ssyncadd.s32 $0xFFFFF830  }
0x1e: {  	[spmem:s5] =	stream.linear.scatter [tilespmem:s12], [sflag:$0x1], $0x7D0, $0x38;
	[tilespmem:$0x3430] =	vst v63  }
0x1f: {  	_ =	swait.ge [sflag:s13], $0x7D0  }
0x20: {  	[sflag:s13] =	ssyncset.done $0x0  }
0x21: {  	[sflag:s13] =	ssyncadd.s32 $0xFFFFF830  }
0x22: {  	[spmem:s6] =	stream.linear.scatter [tilespmem:s12], [sflag:$0x1], $0x7D0, $0x38;
	[tilespmem:$0x3430] =	vst v63  }
0x23: {  	_ =	swait.ge [sflag:s13], $0x7D0  }
0x24: {  	[sflag:s13] =	ssyncset.done $0x0  }
0x25: {  	[sflag:s13] =	ssyncadd.s32 $0xFFFFF830  }
0x26: {  	[spmem:s7] =	stream.linear.scatter [tilespmem:s12], [sflag:$0x1], $0x7D0, $0x38;
	[tilespmem:$0x3430] =	vst v63  }
0x27: {  	_ =	swait.ge [sflag:s13], $0x7D0  }
0x28: {  	[sflag:s13] =	ssyncset.done $0x0  }
0x29: {  	[sflag:s13] =	ssyncadd.s32 $0xFFFFF830  }
0x2a: {  	[spmem:s8] =	stream.linear.scatter [tilespmem:s12], [sflag:$0x1], $0x7D0, $0x38;
	[tilespmem:$0x3430] =	vst v63  }
0x2b: {  	_ =	swait.ge [sflag:s13], $0x7D0  }
0x2c: {  	[sflag:s13] =	ssyncset.done $0x0  }
0x2d: {  	[sflag:s13] =	ssyncadd.s32 $0xFFFFF830  }
0x2e: {  	s20 =	sadd.s32 $0x0, s11;
	[bflag:$0x0] =	sbarrier.arrive $0xFFFF  }
0x2f: {  	[tilespmem:s14], [sflag:$0x1] =	stream.linear.gather [hbm4b:s20+s3], $0x50, $0x38;
	[tilespmem:$0x3430] =	vst v63  }
0x30: {  	_ =	swait.ge [sflag:s13], $0x50  }
0x31: {  	[sflag:s13] =	ssyncset.done $0x0  }
0x32: {  	[sflag:s13] =	ssyncadd.s32 $0xFFFFFFB0  }
0x33: {  	[spmem:s2] =	stream.indirect.scatter.add.f32 [tilespmem:s16], [sflag:$0x1], $0x10, s14, s15, $0xb8;
	[tilespmem:$0x3430] =	vst v63  }
0x34: {  	_ =	swait.ge [sflag:s13], $0x500  }
0x35: {  	s21 =	simm.s32 $0x14;
	s20 =	simm.s32 $0xA;
	[sflag:s13] =	ssyncset.done $0x0  }
.LBB2_6:
0x36: {  	s22 =	sadd.s32 s20, s11  }
0x37: {  	[sflag:s13] =	ssyncadd.s32 $0xFFFFFB00;
	s20 =	smov.u32 s21;
	s23 =	sadd.s32 $0xA, s21  }
0x38: {  	[tilespmem:s14], [sflag:$0x1] =	stream.linear.gather [hbm4b:s22+s3], $0x50, $0x38;
	[tilespmem:$0x3430] =	vst v63  }
0x39: {  	p0 =	sne.s32 s21, $0x4D8;
	_ =	swait.ge [sflag:s13], $0x50  }
.Ltmp2:
0x3a: {  	[sflag:s13] =	ssyncset.done $0x0;
	(pc) =	sbr.rel @p0 .LBB2_6-.Ltmp2, $4  }
0x3b: {  	[sflag:s13] =	ssyncadd.s32 $0xFFFFFFB0  }
0x3c: {  	[spmem:s2] =	stream.indirect.scatter.add.f32 [tilespmem:s16], [sflag:$0x1], $0x10, s14, s15, $0xb8;
	[tilespmem:$0x3430] =	vst v63  }
0x3d: {  	_ =	swait.ge [sflag:s13], $0x500  }
0x3e: {  	s21 =	smov.u32 s23;
	[sflag:s13] =	ssyncset.done $0x0  }
0x3f: {  	s20 =	sadd.s32 s20, s11;
	[sflag:s13] =	ssyncadd.s32 $0xFFFFFB00  }
0x40: {  	[tilespmem:s14], [sflag:$0x1] =	stream.linear.gather [hbm4b:s20+s3], $0x50, $0x38;
	[tilespmem:$0x3430] =	vst v63  }
0x41: {  	_ =	swait.ge [sflag:s13], $0x50  }
0x42: {  	[sflag:s13] =	ssyncset.done $0x0  }
0x43: {  	[sflag:s13] =	ssyncadd.s32 $0xFFFFFFB0  }
0x44: {  	[spmem:s2] =	stream.indirect.scatter.add.f32 [tilespmem:s16], [sflag:$0x1], $0x10, s14, s15, $0xb8;
	[tilespmem:$0x3430] =	vst v63  }
0x45: {  	_ =	swait.ge [sflag:s13], $0x500  }
0x46: {  	s19 =	sadd.s32 $0x1, s19;
	[sflag:s13] =	ssyncset.done $0x0  }
0x47: {  	p0 =	sne.s32 s19, s10;
	[sflag:s13] =	ssyncadd.s32 $0xFFFFFB00  }
.Ltmp3:
0x48: {  	[bflag:$0x0] =	sbarrier.arrive $0xFFFF;
	(pc) =	sbr.rel @p0 .LBB2_1-.Ltmp3, $4  }
0x49: {  	[hbm:s9], [sflag:s17] =	dma.local [spmem:s18], $0x4E2  }
0x4a: {  	_ =	swait.ge [sflag:s13], $0x4E2  }
0x4b: {  	[sflag:s13] =	ssyncset.done $0x0  }
0x4c: {  	[sflag:s13] =	ssyncadd.s32 $0xFFFFFB1E  }
0x4d: {  	_ =	sfence.sel $0x180000  }
0x4e: {  	[bflag:$0x0] =	sbarrier.arrive $0xFFFF  }
0x4f: {  	p0 =	sne.s32 s1, $0x0;
	_ =	strace $0x90000047  }
0x50: {  	s0 =	sadd.s32 @!p0 $0x100000, s0;
	[bflag:$0x2] =	sbarrier.arrive $0xFFFF  }
0x51: {  	[sflag:s0] =	ssyncadd.tile.s32 @!p0 $0x1;
	_ =	shalt  }
.Lfunc_end2:
_tile_overlayer_lowered:
.L_overlay_start_2:
0x52: {  	(tag) =	ssettag $0x2  }
0x53: {  	s0 =	rddreg [dreg:$0x0];
	s2 =	stileid.u32  }
0x54: {  	s1 =	rddreg [dreg:$0x1];
	p0 =	sne.s32 s2, $0x0  }
0x55: {  	s3 =	rddreg [dreg:$0x2];
	[bflag:$0x3] =	sbarrier.arrive $0xFFFF;
	s2 =	simm.s32 @!p0 $0x1C01  }
0x56: {  	[timem:s3], [sflag:s2] =	dma.local @!p0 [hbm:s0], s1  }
0x57: {  	s0 =	simm.s32 @!p0 $0x1  }
0x58: {  	_ =	swait.ge @!p0 [sflag:s0], s1  }
0x59: {  	s1 =	ssub.s32 @!p0 $0x0, s1;
	[sflag:s0] =	ssyncset.done @!p0 $0x0  }
0x5a: {  	[sflag:s0] =	ssyncadd.s32 @!p0 s1  }
0x5b: {  	[bflag:$0x3] =	sbarrier.arrive $0xFFFF  }
0x5c: {  	_ =	shalt  }

// kernel: kernel.13.cloned.1.call-start
scs
__scs_entry_jumppad:
0x0: {  	(pc) =	sbr.rel $0x88, $3  }
0x1: {  	(tag) =	ssettag $0x0;
	lr =	simm.s32 $0x1  }
0x2: {  	[smem:$0x3F94] =	sst lr;
	_ =	strace $0xD0000000  }
0x3: {  	_ = 	snop  }
0x4: {  	_ = 	snop  }
0x5: {  	_ = 	snop  }
0x6: {  	_ = 	snop  }
0x7: {  	_ = 	snop  }
__scs_overlays_trampoline_lowered:
0x8: {  	[smem:$0x3FA3] =	sst s0  }
0x9: {  	[smem:$0x3FA4] =	sst s1  }
0xa: {  	[smem:$0x3FA5] =	sst s2  }
0xb: {  	[smem:$0x3FA6] =	sst s3  }
0xc: {  	[smem:$0x3FA7] =	sst s4  }
0xd: {  	[smem:$0x3FA8] =	sst s5  }
0xe: {  	[smem:$0x3FA9] =	sst s6  }
0xf: {  	[smem:$0x3FAA] =	sst s7  }
0x10: {  	[smem:$0x3FAB] =	sst s8  }
0x11: {  	[smem:$0x3FAC] =	sst s9;
	s0 =	simm.s32 @!p0 $0x0  }
0x12: {  	s1 =	sld [smem:$0x3F92];
	s0 =	simm.s32 @p0 $0x1  }
0x13: {  	[smem:$0x3FAD] =	sst s0;
	s0 =	simm.s32 @!p1 $0x0  }
0x14: {  	s2 =	sld [smem:$0x3F91];
	s0 =	simm.s32 @p1 $0x1  }
0x15: {  	[smem:$0x3FAE] =	sst s0;
	s0 =	simm.s32 @!p2 $0x0  }
0x16: {  	s3 =	sld [smem:$0x3FDB];
	s0 =	simm.s32 @p2 $0x1  }
0x17: {  	s4 =	simm.s32 $0x1BF5;
	[smem:$0x3FB0] =	sst s0  }
0x18: {  	s0 =	sld [smem:$0x3F93];
	_ =	swait.ge [sflag:s4], $0x0  }
0x19: {  	s7 =	sld [smem:$0x3F94]  }
0x1a: {  	s8 =	sadd.s32 $0xFFFFE003, lr  }
0x1b: {  	s9 =	sadd.s32 $0xFFFFFEF7, lr;
	s5 =	simm.s32 $0xFFFFFFFF;
	p2 =	slt.u32 s8, $0xFFFFF086  }
0x1c: {  	p1 =	slt.u32 s9, $0xF7A;
	s5 =	simm.s32 @!p2 $0x0  }
0x1d: {  	s5 =	simm.s32 @p1 $0x1;
	p0 =	seq.s32 s7, s2  }
0x1e: {  	s7 =	smul.u32 @!p0 $0xF7A, s2;
	p2 =	seq.s32 @!p0 s5, $0x0  }
0x1f: {  	s9 =	smul.u32 $0xF7A, s1;
	s8 =	simm.s32 @!p0 $0x1BF5;
	p2 =	por !p2, p0  }
0x20: {  	[sflag:s8] =	ssyncset.s32 @!p0 $0xFFFFF086;
	s6 =	sadd.s32 @!p0 s3, s7;
	s7 =	simm.s32 @!p0 $0x108  }
0x21: {  	s3 =	sadd.s32 s3, s9;
	s6 =	sadd.s32 @!p0 $0x88, s6;
	s7 =	simm.s32 @p2 $0x1082  }
0x22: {  	[simem:s7], [sflag:s8] =	dma.local @!p0 [hbm:s6], $0xF7A  }
0x23: {  	s9 =	sor.u32 $0xD0000000, s2;
	s6 =	simm.s32 $0x108;
	_ =	swait.ge @!p0 [sflag:s8], $0x0  }
0x24: {  	s3 =	sadd.s32 $0x88, s3;
	s6 =	simm.s32 @!p1 $0x1082;
	[sflag:s4] =	ssyncset.s32 $0xFFFFF086  }
0x25: {  	[simem:s6], [sflag:s4] =	dma.local [hbm:s3], $0xF7A  }
0x26: {  	[smem:$0x3F94] =	sst s1;
	(tag) =	ssettag s2;
	_ =	strace s9  }
0x27: {  	s1 =	sld [smem:$0x3FA4]  }
0x28: {  	s2 =	sld [smem:$0x3FA5]  }
0x29: {  	s4 =	sld [smem:$0x3FA7]  }
0x2a: {  	p0 =	seq.s32 s5, $0x0;
	s5 =	sld [smem:$0x3FA8]  }
0x2b: {  	s6 =	sld [smem:$0x3FA9]  }
0x2c: {  	s7 =	sld [smem:$0x3FAA]  }
0x2d: {  	s3 =	simm.s32 $0x108;
	s8 =	sld [smem:$0x3FAB]  }
0x2e: {  	s3 =	simm.s32 @!p0 $0x1082;
	s9 =	sld [smem:$0x3FAC]  }
0x2f: {  	lr =	sadd.s32 s0, s3;
	s0 =	sld [smem:$0x3FA3]  }
0x30: {  	s3 =	sld [smem:$0x3FA6]  }
0x31: {  	[smem:$0x3FAF] =	sst s10  }
0x32: {  	s10 =	sld [smem:$0x3FAD];
	_ =	sdelay $0x3  }
0x33: {  	p0 =	seq.s32 s10, $0x1;
	s10 =	sld [smem:$0x3FAF];
	_ =	sdelay $0x3  }
0x34: {  	[smem:$0x3FAF] =	sst s10  }
0x35: {  	s10 =	sld [smem:$0x3FAE];
	_ =	sdelay $0x3  }
0x36: {  	p1 =	seq.s32 s10, $0x1;
	s10 =	sld [smem:$0x3FAF];
	_ =	sdelay $0x3  }
0x37: {  	[smem:$0x3FAF] =	sst s10  }
0x38: {  	s10 =	sld [smem:$0x3FB0]  }
0x39: {  	_ = 	snop;
	(pc) =	sbr.ind lr, $3  }
0x3a: {  	_ = 	snop  }
0x3b: {  	_ = 	snop  }
0x3c: {  	p2 =	seq.s32 s10, $0x1;
	s10 =	sld [smem:$0x3FAF]  }
0x3d: {  	_ =	shalt  }
0x3e: {  	_ =	shalt  }
0x3f: {  	_ =	shalt  }
0x40: {  	_ =	shalt  }
0x41: {  	_ =	shalt  }
0x42: {  	_ =	shalt  }
0x43: {  	_ =	shalt  }
0x44: {  	_ =	shalt  }
0x45: {  	_ =	shalt  }
0x46: {  	_ =	shalt  }
0x47: {  	_ =	shalt  }
0x48: {  	_ =	shalt  }
0x49: {  	_ =	shalt  }
0x4a: {  	_ =	shalt  }
0x4b: {  	_ =	shalt  }
0x4c: {  	_ =	shalt  }
0x4d: {  	_ =	shalt  }
0x4e: {  	_ =	shalt  }
0x4f: {  	_ =	shalt  }
0x50: {  	_ =	shalt  }
0x51: {  	_ =	shalt  }
0x52: {  	_ =	shalt  }
0x53: {  	_ =	shalt  }
0x54: {  	_ =	shalt  }
0x55: {  	_ =	shalt  }
0x56: {  	_ =	shalt  }
0x57: {  	_ =	shalt  }
0x58: {  	_ =	shalt  }
0x59: {  	_ =	shalt  }
0x5a: {  	_ =	shalt  }
0x5b: {  	_ =	shalt  }
0x5c: {  	_ =	shalt  }
0x5d: {  	_ =	shalt  }
0x5e: {  	_ =	shalt  }
0x5f: {  	_ =	shalt  }
0x60: {  	_ =	shalt  }
0x61: {  	_ =	shalt  }
0x62: {  	_ =	shalt  }
0x63: {  	_ =	shalt  }
0x64: {  	_ =	shalt  }
0x65: {  	_ =	shalt  }
0x66: {  	_ =	shalt  }
0x67: {  	_ =	shalt  }
0x68: {  	_ =	shalt  }
0x69: {  	_ =	shalt  }
0x6a: {  	_ =	shalt  }
0x6b: {  	_ =	shalt  }
0x6c: {  	_ =	shalt  }
0x6d: {  	_ =	shalt  }
0x6e: {  	_ =	shalt  }
0x6f: {  	_ =	shalt  }
0x70: {  	_ =	shalt  }
0x71: {  	_ =	shalt  }
0x72: {  	_ =	shalt  }
0x73: {  	_ =	shalt  }
0x74: {  	_ =	shalt  }
0x75: {  	_ =	shalt  }
0x76: {  	_ =	shalt  }
0x77: {  	_ =	shalt  }
0x78: {  	_ =	shalt  }
0x79: {  	_ =	shalt  }
0x7a: {  	_ =	shalt  }
0x7b: {  	_ =	shalt  }
0x7c: {  	_ =	shalt  }
0x7d: {  	_ =	shalt  }
0x7e: {  	_ =	shalt  }
0x7f: {  	_ =	shalt  }
0x80: {  	_ =	shalt  }
0x81: {  	_ =	shalt  }
0x82: {  	_ =	shalt  }
0x83: {  	_ =	shalt  }
0x84: {  	_ =	shalt  }
0x85: {  	_ =	shalt  }
0x86: {  	_ =	shalt  }
0x87: {  	_ =	shalt  }
.Lfunc_end0:
.L_simem_size_0:
called_computation.1_lowered:
.L_overlay_start_0:
0x88: {  	s2 =	sld [smem:$0x3FD9]  }
0x89: {  	s3 =	sld [smem:$0x3FFE];
	_ =	sdelay $0x1  }
0x8a: {  	s1 =	srdreg.scid  }
0x8b: {  	s0 =	sand.u32 $0x1, s1  }
0x8c: {  	s16 =	sshll.u32 s0, $0xA;
	s2 =	sadd.s32 s3, s2  }
0x8d: {  	s2 =	sadd.s32 s2, s16  }
0x8e: {  	[smem:$0x3FBB] =	sst s2  }
0x8f: {  	_ = 	snop  }
0x90: {  	(tm) =	ssettm $0x1  }
0x91: {  	s17 =	sld [smem:$0x3FFB];
	_ =	sdelay $0x3  }
0x92: {  	_ =	strace s17  }
0x93: {  	s2 =	sld [smem:$0x3FFC];
	_ =	sdelay $0x3  }
0x94: {  	_ =	strace s2  }
0x95: {  	s2 =	sld [smem:$0x3FFD];
	_ =	sdelay $0x3  }
0x96: {  	_ =	strace s2  }
0x97: {  	_ =	strace $0x8FFFFFFF  }
0x98: {  	s18 =	sld [smem:$0x3FDB];
	_ =	sdelay $0x1  }
0x99: {  	s19 =	simm.s32 $_scs_section_size  }
0x9a: {  	s4 =	simm.s32 $_size__tile_overlayer_lowered;
	s5 =	simm.s32 $_tile_overlayer_lowered  }
0x9b: {  	s22 =	simm.s32 $0x1BFF;
	s21 =	sshll.u32 s5, $0x1;
	s2 =	sadd.s32 s19, s18  }
0x9c: {  	s6 =	simm.s32 $0x0;
	s20 =	sshll.u32 s4, $0x1;
	s4 =	sadd.s32 s21, s2  }
0x9d: {  	[timem:s6], [sflag:s22] =	dma.local [hbm:s4], s20  }
0x9e: {  	_ =	swait.ge [sflag:s22], s20  }
0x9f: {  	s3 =	ssub.s32 $0x0, s20;
	[sflag:s22] =	ssyncset.done $0x0  }
0xa0: {  	[sflag:s22] =	ssyncadd.s32 s3;
	_ =	sdelay $0x1  }
0xa1: {  	s23 =	simm.s32 $0x1B8B  }
0xa2: {  	_ =	swait.ge [sflag:s23], $0x1  }
0xa3: {  	[sflag:s23] =	ssyncset.done $0x0  }
0xa4: {  	s25 =	simm.s32 $0x1B8E;
	s24 =	sld [smem:$0x3FFE];
	[sflag:s23] =	ssyncadd.s32 $0xFFFFFFFF  }
0xa5: {  	s26 =	simm.s32 $execute0_lowered;
	[smem:$0x3FD2] =	sst s25  }
0xa6: {  	s4 =	sshll.u32 s26, $0x1;
	_ =	strace $0x80000049;
	[dreg:$0x1] =	wrdreg $0xFFFFFFFF  }
0xa7: {  	s28 =	simm.s32 $_size_execute0_lowered;
	s2 =	sadd.s32 s2, s4;
	[dreg:$0x0] =	wrdreg $0x0  }
0xa8: {  	s4 =	sshll.u32 s28, $0x1;
	[dreg:$0x2] =	wrdreg s2  }
0xa9: {  	[dreg:$0x3] =	wrdreg s4  }
0xaa: {  	[dreg:$0x4] =	wrdreg $0xC0  }
0xab: {  	_ =	task [dreg:s6], $0x5FFFF  }
0xac: {  	[dreg:$0x1] =	wrdreg $0xFFFFFFFF  }
0xad: {  	[dreg:$0x0] =	wrdreg $0x60  }
0xae: {  	[dreg:$0x2] =	wrdreg s24  }
0xaf: {  	[dreg:$0x3] =	wrdreg $0x0  }
0xb0: {  	[dreg:$0x4] =	wrdreg $0x9  }
0xb1: {  	_ =	task.clear_ibuf [dreg:s6], $0x5FFFF;
	_ =	strace $0x90000049  }
0xb2: {  	s29 =	simm.s32 $0x9;
	_ =	strace $0x8000004B  }
0xb3: {  	_ =	swait.ge [sflag:s29], $0x1  }
0xb4: {  	[sflag:s29] =	ssyncadd.s32 $0xFFFFFFFF  }
0xb5: {  	_ =	strace $0x9000004B  }
0xb6: {  	_ =	sfence  }
0xb7: {  	s30 =	sld [smem:$0x0];
	_ =	sdelay $0x2  }
0xb8: {  	s31 =	sshll.u32 s1, $0xD;
	s1 =	sshrl.u32 s1, $0x2  }
0xb9: {  	s3 =	sand.u32 $0x4000, s31;
	s1 =	sadd.s32 s1, s30  }
0xba: {  	s0 =	sor.u32 s3, s0;
	s1 =	sshll.u32 s1, $0x11  }
0xbb: {  	s0 =	sor.u32 s1, s0  }
0xbc: {  	s0 =	sadd.s32 $0x8F2B, s0  }
0xbd: {  	[sflag:s0] =	ssyncadd.remote.s32 $0x1  }
0xbe: {  	_ =	sfence.sel $0xFFFF  }
0xbf: {  	[dreg:$0x0] =	wrdreg $0xFFFFFFFF;
	(pc) =	sbr.abs _section_cstart, $3  }
0xc0: {  	[dreg:$0x1] =	wrdreg $0xFFFFFFFF  }
0xc1: {  	_ =	task.clear_ibuf [dreg:s6], $0x2FFFF;
	_ =	strace $0x9FFFFFFF  }
0xc2: {  	(tm) =	ssettm $0x7FFFFFFF  }
0xc3: {  	_ =	shalt  }
tec
execute0_lowered:
.L_overlay_start_1:
0x0: {  	(tag) =	ssettag $0x1  }
0x1: {  	s0 =	rddreg [dreg:$0x0];
	s1 =	srdreg.scid  }
0x2: {  	s2 =	rddreg [dreg:$0x1];
	s12 =	stileid.u32;
	s3 =	simm.s32 $0x0  }
0x3: {  	s28 =	simm.s32 $0xBBD0;
	s29 =	simm.s32 $0xBC70;
	s6 =	smul.u32 $0x9C40, s12  }
0x4: {  	s30 =	simm.s32 $0xD0C0;
	s31 =	simm.s32 $0x1;
	s8 =	smul.u32 $0x27100, s12  }
0x5: {  	s1 =	sand.u32 $0x1, s1;
	[smem:$0x7FF] =	sst s3;
	s14 =	smul.u32 $0x2710, s12  }
0x6: {  	s4 =	sadd.s32 $0x16200, s0;
	s5 =	smul.u32 $0x9C400, s1;
	_ =	strace $0x8000004A  }
0x7: {  	s18 =	sshll.u32 s1, $0x4;
	s9 =	ssub.s32 $0x2, s1;
	s1 =	smul.u32 $0x27100, s1  }
0x8: {  	s8 =	sshrl.u32 s8, $0x2;
	s10 =	sshrl.u32 s9, $0x1;
	s6 =	sadd.s32 s6, s5  }
0x9: {  	s5 =	sadd.s32 $0x2600, s0;
	s19 =	ssub.s32 s9, s10;
	s1 =	sadd.s32 s14, s1  }
0xa: {  	s7 =	sshrl.u32 s6, $0x3;
	s6 =	sadd.s32 $0xC400, s0;
	s25 =	sadd.s32 $0xF0, s1  }
0xb: {  	s17 =	smax.u32 s19, $0x1;
	s0 =	sadd.s32 s7, s0;
	s7 =	sor.u32 s12, s18  }
0xc: {  	s26 =	sshrl.u32 s25, $0x3;
	s25 =	simm.s32 $0x50;
	s11 =	smul.u32 $0x2710, s7  }
0xd: {  	s7 =	sadd.s32 s8, s2;
	s16 =	sadd.s32 $0x29C00, s0;
	s18 =	sadd.s32 s26, s6  }
0xe: {  	s19 =	sadd.s32 s26, s5;
	s26 =	simm.s32 $0xBCC0;
	s20 =	sadd.s32 $0x1F40, s7  }
0xf: {  	s0 =	simm.s32 $0x2;
	s21 =	sadd.s32 $0x3E80, s7;
	[dreg:$0x3] =	wrdreg s20  }
0x10: {  	s23 =	sadd.s32 $0x5DC0, s7;
	s24 =	sadd.s32 $0x7D00, s7;
	[dreg:$0x4] =	wrdreg s21  }
.Ltmp0:
0x11: {  	s22 =	sshrl.u32 s11, $0x3;
	[dreg:$0x5] =	wrdreg s23;
	(pc) =	sbr.rel .LBB2_1-.Ltmp0, $4  }
0x12: {  	[dreg:$0x6] =	wrdreg s24;
	s21 =	simm.s32 $0x9C40;
	s23 =	simm.s32 $0xBB80  }
0x13: {  	s24 =	simm.s32 $0xBC20;
	s12 =	sadd.s32 s5, s22;
	s9 =	sadd.s32 $0xA, s22  }
0x14: {  	s13 =	sadd.s32 s6, s22;
	s22 =	simm.s32 $0x3;
	s14 =	sadd.s32 s5, s9  }
0x15: {  	v0 =	vimm.f32 $0.0e+00;
	s15 =	sadd.s32 s6, s9;
	s9 =	sadd.s32 $0xA0, s1;
	s1 =	simm.s32 $0x0  }
.LBB2_6:
0x16: {  	_ =	swait.ge [sflag:s31], $0x1400  }
0x17: {  	[sflag:s31] =	ssyncset.done $0x0  }
0x18: {  	[sflag:s31] =	ssyncadd.s32 $0xFFFFEC00  }
0x19: {  	[spmem:s2] =	stream.indirect.scatter.add.f32 [tilespmem:s26], [sflag:$0x3], $0x40, s24, s25, $0xb8;
	[tilespmem:$0xE4C0] =	vst v63  }
0x1a: {  	s8 =	stileid.u32;
	_ =	swait.ge [sflag:s22], $0x1400  }
0x1b: {  	s10 =	sshrl.u32 s7, $0x3;
	s1 =	sadd.s32 $0x1, s1;
	[sflag:s22] =	ssyncset.done $0x0  }
0x1c: {  	s8 =	sshll.u32 s8, $0x6;
	p0 =	sne.s32 s1, s17;
	[sflag:s22] =	ssyncadd.s32 $0xFFFFEC00  }
.Ltmp1:
0x1d: {  	s8 =	sor.u32 $0x1C03, s8;
	[bflag:$0x0] =	sbarrier.arrive $0xFFFF;
	(pc) =	sbr.rel @!p0 .LBB2_7-.Ltmp1, $4  }
0x1e: {  	[hbm:s16], [sflag:s8] =	dma.local [spmem:s10], $0x1388  }
0x1f: {  	_ =	swait.ge [sflag:s22], $0x1388  }
0x20: {  	[sflag:s22] =	ssyncset.done $0x0  }
0x21: {  	[sflag:s22] =	ssyncadd.s32 $0xFFFFEC78  }
.LBB2_1:
0x22: {  	s20 =	simm.s32 $0x100;
	s8 =	simm.s32 $0x0  }
.LBB2_2:
0x23: {  	p0 =	sne.s32 s20, $0x7C00;
	[tilespmem:s8+$0x9C70] =	vst v0;
	s10 =	smov.u32 s20;
	s20 =	sadd.s32 $0x100, s20  }
.Ltmp2:
0x24: {  	[tilespmem:s8+$0x9C60] =	vst v0;
	(pc) =	sbr.rel @p0 .LBB2_2-.Ltmp2, $3  }
0x25: {  	[tilespmem:s8+$0x9C40] =	vst v0  }
0x26: {  	[tilespmem:s8+$0x9C50] =	vst v0;
	_ =	sdelay $0x1  }
0x27: {  	s8 =	sshra.s32 s10, $0x2  }
0x28: {  	[tilespmem:s8+$0x9C70] =	vst v0  }
0x29: {  	[tilespmem:s8+$0x9C60] =	vst v0  }
0x2a: {  	[tilespmem:s8+$0x9C40] =	vst v0  }
0x2b: {  	[tilespmem:s8+$0x9C50] =	vst v0  }
0x2c: {  	[spmem:s7] =	stream.linear.scatter [tilespmem:s21], [sflag:$0x3], $0x1F40, $0x38;
	[tilespmem:$0xE4C0] =	vst v63  }
0x2d: {  	_ =	swait.ge [sflag:s22], $0x1F40  }
0x2e: {  	[sflag:s22] =	ssyncset.done $0x0  }
0x2f: {  	s20 =	rddreg [dreg:$0x3];
	[sflag:s22] =	ssyncadd.s32 $0xFFFFE0C0  }
0x30: {  	[spmem:s20] =	stream.linear.scatter [tilespmem:s21], [sflag:$0x3], $0x1F40, $0x38;
	[tilespmem:$0xE4C0] =	vst v63  }
0x31: {  	_ =	swait.ge [sflag:s22], $0x1F40  }
0x32: {  	[sflag:s22] =	ssyncset.done $0x0  }
0x33: {  	s10 =	rddreg [dreg:$0x4];
	[sflag:s22] =	ssyncadd.s32 $0xFFFFE0C0  }
0x34: {  	[spmem:s10] =	stream.linear.scatter [tilespmem:s21], [sflag:$0x3], $0x1F40, $0x38;
	[tilespmem:$0xE4C0] =	vst v63  }
0x35: {  	_ =	swait.ge [sflag:s22], $0x1F40  }
0x36: {  	[sflag:s22] =	ssyncset.done $0x0  }
0x37: {  	s11 =	rddreg [dreg:$0x5];
	[sflag:s22] =	ssyncadd.s32 $0xFFFFE0C0  }
0x38: {  	[spmem:s11] =	stream.linear.scatter [tilespmem:s21], [sflag:$0x3], $0x1F40, $0x38;
	[tilespmem:$0xE4C0] =	vst v63  }
0x39: {  	_ =	swait.ge [sflag:s22], $0x1F40  }
0x3a: {  	[sflag:s22] =	ssyncset.done $0x0  }
0x3b: {  	s20 =	rddreg [dreg:$0x6];
	[sflag:s22] =	ssyncadd.s32 $0xFFFFE0C0  }
0x3c: {  	[spmem:s20] =	stream.linear.scatter [tilespmem:s21], [sflag:$0x3], $0x1F40, $0x38;
	[tilespmem:$0xE4C0] =	vst v63  }
0x3d: {  	_ =	swait.ge [sflag:s22], $0x1F40  }
0x3e: {  	[sflag:s22] =	ssyncset.done $0x0  }
0x3f: {  	[sflag:s22] =	ssyncadd.s32 $0xFFFFE0C0  }
0x40: {  	s8 =	simm.s32 $0x0;
	[bflag:$0x0] =	sbarrier.arrive $0xFFFF  }
0x41: {  	[tilespmem:s23], [sflag:$0x3] =	stream.linear.gather [hbm4b:s12+s8], $0x50, $0x38;
	[tilespmem:$0xE4C0] =	vst v63  }
0x42: {  	_ =	swait.ge [sflag:s22], $0x50  }
0x43: {  	[sflag:s22] =	ssyncset.done $0x0  }
0x44: {  	[sflag:s22] =	ssyncadd.s32 $0xFFFFFFB0  }
0x45: {  	[tilespmem:s24], [sflag:$0x3] =	stream.linear.gather [hbm4b:s13+s8], $0x50, $0x38;
	[tilespmem:$0xE4C0] =	vst v63  }
0x46: {  	_ =	swait.ge [sflag:s22], $0x50  }
0x47: {  	[sflag:s22] =	ssyncset.done $0x0  }
0x48: {  	[sflag:s22] =	ssyncadd.s32 $0xFFFFFFB0  }
0x49: {  	[tilespmem:s26], [sflag:$0x1] =	stream.indirect.gather [hbm4b:s4+s25], $0x40, s23, s25, $0xb8;
	[tilespmem:$0xE4C0] =	vst v63  }
0x4a: {  	_ = 	snop  }
0x4b: {  	[tilespmem:s28], [sflag:$0x3] =	stream.linear.gather [hbm4b:s14+s8], $0x50, $0x38;
	[tilespmem:$0xE4C0] =	vst v63  }
0x4c: {  	_ =	swait.ge [sflag:s22], $0x50  }
0x4d: {  	[sflag:s22] =	ssyncset.done $0x0  }
0x4e: {  	[sflag:s22] =	ssyncadd.s32 $0xFFFFFFB0  }
0x4f: {  	[tilespmem:s29], [sflag:$0x3] =	stream.linear.gather [hbm4b:s15+s8], $0x50, $0x38;
	[tilespmem:$0xE4C0] =	vst v63  }
0x50: {  	_ =	swait.ge [sflag:s22], $0x50  }
0x51: {  	[sflag:s22] =	ssyncset.done $0x0  }
0x52: {  	s20 =	smov.u32 s9;
	[sflag:s22] =	ssyncadd.s32 $0xFFFFFFB0  }
0x53: {  	[tilespmem:s30], [sflag:$0x2] =	stream.indirect.gather [hbm4b:s4+s25], $0x40, s28, s25, $0xb8;
	[tilespmem:$0xE4C0] =	vst v63  }
.LBB2_4:
0x54: {  	_ =	swait.ge [sflag:s31], $0x1400  }
0x55: {  	[sflag:s31] =	ssyncset.done $0x0  }
0x56: {  	[sflag:s31] =	ssyncadd.s32 $0xFFFFEC00  }
0x57: {  	[spmem:s2] =	stream.indirect.scatter.add.f32 [tilespmem:s26], [sflag:$0x3], $0x40, s24, s25, $0xb8;
	[tilespmem:$0xE4C0] =	vst v63  }
0x58: {  	_ =	swait.ge [sflag:s22], $0x1400  }
0x59: {  	s10 =	sshrl.u32 s20, $0x3;
	[sflag:s22] =	ssyncset.done $0x0  }
0x5a: {  	s11 =	sadd.s32 s5, s10;
	[sflag:s22] =	ssyncadd.s32 $0xFFFFEC00  }
0x5b: {  	[tilespmem:s23], [sflag:$0x3] =	stream.linear.gather [hbm4b:s11+s3], $0x50, $0x38;
	[tilespmem:$0xE4C0] =	vst v63  }
0x5c: {  	_ =	swait.ge [sflag:s22], $0x50  }
0x5d: {  	[sflag:s22] =	ssyncset.done $0x0  }
0x5e: {  	s10 =	sadd.s32 s6, s10;
	[sflag:s22] =	ssyncadd.s32 $0xFFFFFFB0  }
0x5f: {  	[tilespmem:s24], [sflag:$0x3] =	stream.linear.gather [hbm4b:s10+s3], $0x50, $0x38;
	[tilespmem:$0xE4C0] =	vst v63  }
0x60: {  	_ =	swait.ge [sflag:s22], $0x50  }
0x61: {  	[sflag:s22] =	ssyncset.done $0x0  }
0x62: {  	[sflag:s22] =	ssyncadd.s32 $0xFFFFFFB0  }
0x63: {  	[tilespmem:s26], [sflag:$0x1] =	stream.indirect.gather [hbm4b:s4+s25], $0x40, s23, s25, $0xb8;
	[tilespmem:$0xE4C0] =	vst v63  }
0x64: {  	_ =	swait.ge [sflag:s0], $0x1400  }
0x65: {  	p0 =	seq.s32 s8, $0x4C4;
	[sflag:s0] =	ssyncset.done $0x0  }
.Ltmp3:
0x66: {  	[sflag:s0] =	ssyncadd.s32 $0xFFFFEC00;
	(pc) =	sbr.rel @p0 .LBB2_6-.Ltmp3, $4  }
0x67: {  	[spmem:s2] =	stream.indirect.scatter.add.f32 [tilespmem:s30], [sflag:$0x3], $0x40, s29, s25, $0xb8;
	[tilespmem:$0xE4C0] =	vst v63  }
0x68: {  	_ =	swait.ge [sflag:s22], $0x1400  }
0x69: {  	[sflag:s22] =	ssyncset.done $0x0  }
0x6a: {  	[sflag:s22] =	ssyncadd.s32 $0xFFFFEC00  }
0x6b: {  	s10 =	sadd.s32 s8, s19  }
0x6c: {  	[tilespmem:s28], [sflag:$0x3] =	stream.linear.gather [hbm4b:s10+s3], $0x50, $0x38;
	[tilespmem:$0xE4C0] =	vst v63  }
0x6d: {  	_ =	swait.ge [sflag:s22], $0x50  }
0x6e: {  	[sflag:s22] =	ssyncset.done $0x0  }
0x6f: {  	s11 =	sadd.s32 s8, s18;
	[sflag:s22] =	ssyncadd.s32 $0xFFFFFFB0  }
0x70: {  	[tilespmem:s29], [sflag:$0x3] =	stream.linear.gather [hbm4b:s11+s3], $0x50, $0x38;
	[tilespmem:$0xE4C0] =	vst v63  }
.Ltmp4:
0x71: {  	_ = 	snop;
	(pc) =	sbr.rel .LBB2_4-.Ltmp4, $4  }
0x72: {  	_ =	swait.ge [sflag:s22], $0x50  }
0x73: {  	[sflag:s22] =	ssyncset.done $0x0  }
0x74: {  	s8 =	sadd.s32 $0x14, s8;
	s20 =	sadd.s32 $0xA0, s20;
	[sflag:s22] =	ssyncadd.s32 $0xFFFFFFB0  }
0x75: {  	[tilespmem:s30], [sflag:$0x2] =	stream.indirect.gather [hbm4b:s4+s25], $0x40, s28, s25, $0xb8;
	[tilespmem:$0xE4C0] =	vst v63  }
.LBB2_7:
0x76: {  	_ =	sfence.sel $0x180000  }
0x77: {  	[bflag:$0x0] =	sbarrier.arrive $0xFFFF  }
0x78: {  	_ =	strace $0x9000004A  }
0x79: {  	s0 =	stileid.u32;
	[bflag:$0x2] =	sbarrier.arrive $0xFFFF  }
0x7a: {  	p0 =	sne.s32 s0, $0x0;
	s0 =	rddreg [dreg:$0x2]  }
0x7b: {  	s0 =	sadd.s32 @!p0 $0x100000, s0  }
0x7c: {  	[sflag:s0] =	ssyncadd.tile.s32 @!p0 $0x1;
	_ =	shalt  }
.Lfunc_end2:
_tile_overlayer_lowered:
.L_overlay_start_2:
0x7d: {  	(tag) =	ssettag $0x2  }
0x7e: {  	s0 =	rddreg [dreg:$0x0];
	s2 =	stileid.u32  }
0x7f: {  	s1 =	rddreg [dreg:$0x1];
	p0 =	sne.s32 s2, $0x0  }
0x80: {  	s3 =	rddreg [dreg:$0x2];
	[bflag:$0x3] =	sbarrier.arrive $0xFFFF;
	s2 =	simm.s32 @!p0 $0x1C03  }
0x81: {  	[timem:s3], [sflag:s2] =	dma.local @!p0 [hbm:s0], s1  }
0x82: {  	s0 =	simm.s32 @!p0 $0x3  }
0x83: {  	_ =	swait.ge @!p0 [sflag:s0], s1  }
0x84: {  	s1 =	ssub.s32 @!p0 $0x0, s1;
	[sflag:s0] =	ssyncset.done @!p0 $0x0  }
0x85: {  	[sflag:s0] =	ssyncadd.s32 @!p0 s1  }
0x86: {  	[bflag:$0x3] =	sbarrier.arrive $0xFFFF  }
0x87: {  	_ =	shalt  }

// kernel: kernel.16.cloned.1.call-start
scs
__scs_entry_jumppad:
0x0: {  	(pc) =	sbr.rel $0x88, $3  }
0x1: {  	(tag) =	ssettag $0x0;
	lr =	simm.s32 $0x1  }
0x2: {  	[smem:$0x3F94] =	sst lr;
	_ =	strace $0xD0000000  }
0x3: {  	_ = 	snop  }
0x4: {  	_ = 	snop  }
0x5: {  	_ = 	snop  }
0x6: {  	_ = 	snop  }
0x7: {  	_ = 	snop  }
__scs_overlays_trampoline_lowered:
0x8: {  	[smem:$0x3FA3] =	sst s0  }
0x9: {  	[smem:$0x3FA4] =	sst s1  }
0xa: {  	[smem:$0x3FA5] =	sst s2  }
0xb: {  	[smem:$0x3FA6] =	sst s3  }
0xc: {  	[smem:$0x3FA7] =	sst s4  }
0xd: {  	[smem:$0x3FA8] =	sst s5  }
0xe: {  	[smem:$0x3FA9] =	sst s6  }
0xf: {  	[smem:$0x3FAA] =	sst s7  }
0x10: {  	[smem:$0x3FAB] =	sst s8  }
0x11: {  	[smem:$0x3FAC] =	sst s9;
	s0 =	simm.s32 @!p0 $0x0  }
0x12: {  	s1 =	sld [smem:$0x3F92];
	s0 =	simm.s32 @p0 $0x1  }
0x13: {  	[smem:$0x3FAD] =	sst s0;
	s0 =	simm.s32 @!p1 $0x0  }
0x14: {  	s2 =	sld [smem:$0x3F91];
	s0 =	simm.s32 @p1 $0x1  }
0x15: {  	[smem:$0x3FAE] =	sst s0;
	s0 =	simm.s32 @!p2 $0x0  }
0x16: {  	s3 =	sld [smem:$0x3FDB];
	s0 =	simm.s32 @p2 $0x1  }
0x17: {  	s4 =	simm.s32 $0x1BF5;
	[smem:$0x3FB0] =	sst s0  }
0x18: {  	s0 =	sld [smem:$0x3F93];
	_ =	swait.ge [sflag:s4], $0x0  }
0x19: {  	s7 =	sld [smem:$0x3F94]  }
0x1a: {  	s8 =	sadd.s32 $0xFFFFE003, lr  }
0x1b: {  	s9 =	sadd.s32 $0xFFFFFEF7, lr;
	s5 =	simm.s32 $0xFFFFFFFF;
	p2 =	slt.u32 s8, $0xFFFFF086  }
0x1c: {  	p1 =	slt.u32 s9, $0xF7A;
	s5 =	simm.s32 @!p2 $0x0  }
0x1d: {  	s5 =	simm.s32 @p1 $0x1;
	p0 =	seq.s32 s7, s2  }
0x1e: {  	s7 =	smul.u32 @!p0 $0xF7A, s2;
	p2 =	seq.s32 @!p0 s5, $0x0  }
0x1f: {  	s9 =	smul.u32 $0xF7A, s1;
	s8 =	simm.s32 @!p0 $0x1BF5;
	p2 =	por !p2, p0  }
0x20: {  	[sflag:s8] =	ssyncset.s32 @!p0 $0xFFFFF086;
	s6 =	sadd.s32 @!p0 s3, s7;
	s7 =	simm.s32 @!p0 $0x108  }
0x21: {  	s3 =	sadd.s32 s3, s9;
	s6 =	sadd.s32 @!p0 $0x88, s6;
	s7 =	simm.s32 @p2 $0x1082  }
0x22: {  	[simem:s7], [sflag:s8] =	dma.local @!p0 [hbm:s6], $0xF7A  }
0x23: {  	s9 =	sor.u32 $0xD0000000, s2;
	s6 =	simm.s32 $0x108;
	_ =	swait.ge @!p0 [sflag:s8], $0x0  }
0x24: {  	s3 =	sadd.s32 $0x88, s3;
	s6 =	simm.s32 @!p1 $0x1082;
	[sflag:s4] =	ssyncset.s32 $0xFFFFF086  }
0x25: {  	[simem:s6], [sflag:s4] =	dma.local [hbm:s3], $0xF7A  }
0x26: {  	[smem:$0x3F94] =	sst s1;
	(tag) =	ssettag s2;
	_ =	strace s9  }
0x27: {  	s1 =	sld [smem:$0x3FA4]  }
0x28: {  	s2 =	sld [smem:$0x3FA5]  }
0x29: {  	s4 =	sld [smem:$0x3FA7]  }
0x2a: {  	p0 =	seq.s32 s5, $0x0;
	s5 =	sld [smem:$0x3FA8]  }
0x2b: {  	s6 =	sld [smem:$0x3FA9]  }
0x2c: {  	s7 =	sld [smem:$0x3FAA]  }
0x2d: {  	s3 =	simm.s32 $0x108;
	s8 =	sld [smem:$0x3FAB]  }
0x2e: {  	s3 =	simm.s32 @!p0 $0x1082;
	s9 =	sld [smem:$0x3FAC]  }
0x2f: {  	lr =	sadd.s32 s0, s3;
	s0 =	sld [smem:$0x3FA3]  }
0x30: {  	s3 =	sld [smem:$0x3FA6]  }
0x31: {  	[smem:$0x3FAF] =	sst s10  }
0x32: {  	s10 =	sld [smem:$0x3FAD];
	_ =	sdelay $0x3  }
0x33: {  	p0 =	seq.s32 s10, $0x1;
	s10 =	sld [smem:$0x3FAF];
	_ =	sdelay $0x3  }
0x34: {  	[smem:$0x3FAF] =	sst s10  }
0x35: {  	s10 =	sld [smem:$0x3FAE];
	_ =	sdelay $0x3  }
0x36: {  	p1 =	seq.s32 s10, $0x1;
	s10 =	sld [smem:$0x3FAF];
	_ =	sdelay $0x3  }
0x37: {  	[smem:$0x3FAF] =	sst s10  }
0x38: {  	s10 =	sld [smem:$0x3FB0]  }
0x39: {  	_ = 	snop;
	(pc) =	sbr.ind lr, $3  }
0x3a: {  	_ = 	snop  }
0x3b: {  	_ = 	snop  }
0x3c: {  	p2 =	seq.s32 s10, $0x1;
	s10 =	sld [smem:$0x3FAF]  }
0x3d: {  	_ =	shalt  }
0x3e: {  	_ =	shalt  }
0x3f: {  	_ =	shalt  }
0x40: {  	_ =	shalt  }
0x41: {  	_ =	shalt  }
0x42: {  	_ =	shalt  }
0x43: {  	_ =	shalt  }
0x44: {  	_ =	shalt  }
0x45: {  	_ =	shalt  }
0x46: {  	_ =	shalt  }
0x47: {  	_ =	shalt  }
0x48: {  	_ =	shalt  }
0x49: {  	_ =	shalt  }
0x4a: {  	_ =	shalt  }
0x4b: {  	_ =	shalt  }
0x4c: {  	_ =	shalt  }
0x4d: {  	_ =	shalt  }
0x4e: {  	_ =	shalt  }
0x4f: {  	_ =	shalt  }
0x50: {  	_ =	shalt  }
0x51: {  	_ =	shalt  }
0x52: {  	_ =	shalt  }
0x53: {  	_ =	shalt  }
0x54: {  	_ =	shalt  }
0x55: {  	_ =	shalt  }
0x56: {  	_ =	shalt  }
0x57: {  	_ =	shalt  }
0x58: {  	_ =	shalt  }
0x59: {  	_ =	shalt  }
0x5a: {  	_ =	shalt  }
0x5b: {  	_ =	shalt  }
0x5c: {  	_ =	shalt  }
0x5d: {  	_ =	shalt  }
0x5e: {  	_ =	shalt  }
0x5f: {  	_ =	shalt  }
0x60: {  	_ =	shalt  }
0x61: {  	_ =	shalt  }
0x62: {  	_ =	shalt  }
0x63: {  	_ =	shalt  }
0x64: {  	_ =	shalt  }
0x65: {  	_ =	shalt  }
0x66: {  	_ =	shalt  }
0x67: {  	_ =	shalt  }
0x68: {  	_ =	shalt  }
0x69: {  	_ =	shalt  }
0x6a: {  	_ =	shalt  }
0x6b: {  	_ =	shalt  }
0x6c: {  	_ =	shalt  }
0x6d: {  	_ =	shalt  }
0x6e: {  	_ =	shalt  }
0x6f: {  	_ =	shalt  }
0x70: {  	_ =	shalt  }
0x71: {  	_ =	shalt  }
0x72: {  	_ =	shalt  }
0x73: {  	_ =	shalt  }
0x74: {  	_ =	shalt  }
0x75: {  	_ =	shalt  }
0x76: {  	_ =	shalt  }
0x77: {  	_ =	shalt  }
0x78: {  	_ =	shalt  }
0x79: {  	_ =	shalt  }
0x7a: {  	_ =	shalt  }
0x7b: {  	_ =	shalt  }
0x7c: {  	_ =	shalt  }
0x7d: {  	_ =	shalt  }
0x7e: {  	_ =	shalt  }
0x7f: {  	_ =	shalt  }
0x80: {  	_ =	shalt  }
0x81: {  	_ =	shalt  }
0x82: {  	_ =	shalt  }
0x83: {  	_ =	shalt  }
0x84: {  	_ =	shalt  }
0x85: {  	_ =	shalt  }
0x86: {  	_ =	shalt  }
0x87: {  	_ =	shalt  }
.Lfunc_end0:
.L_simem_size_0:
called_computation.2_lowered:
.L_overlay_start_0:
0x88: {  	s2 =	sld [smem:$0x3FD9]  }
0x89: {  	s3 =	sld [smem:$0x3FFE];
	_ =	sdelay $0x1  }
0x8a: {  	s1 =	srdreg.scid  }
0x8b: {  	s0 =	sand.u32 $0x1, s1  }
0x8c: {  	s16 =	sshll.u32 s0, $0xA;
	s2 =	sadd.s32 s3, s2  }
0x8d: {  	s2 =	sadd.s32 s2, s16  }
0x8e: {  	[smem:$0x3FBB] =	sst s2  }
0x8f: {  	_ = 	snop  }
0x90: {  	(tm) =	ssettm $0x1  }
0x91: {  	s17 =	sld [smem:$0x3FFB];
	_ =	sdelay $0x3  }
0x92: {  	_ =	strace s17  }
0x93: {  	s2 =	sld [smem:$0x3FFC];
	_ =	sdelay $0x3  }
0x94: {  	_ =	strace s2  }
0x95: {  	s2 =	sld [smem:$0x3FFD];
	_ =	sdelay $0x3  }
0x96: {  	_ =	strace s2  }
0x97: {  	_ =	strace $0x8FFFFFFF  }
0x98: {  	s18 =	sld [smem:$0x3FDB];
	_ =	sdelay $0x1  }
0x99: {  	s19 =	simm.s32 $_scs_section_size  }
0x9a: {  	s4 =	simm.s32 $_size__tile_overlayer_lowered;
	s5 =	simm.s32 $_tile_overlayer_lowered  }
0x9b: {  	s22 =	simm.s32 $0x1BFF;
	s21 =	sshll.u32 s5, $0x1;
	s2 =	sadd.s32 s19, s18  }
0x9c: {  	s6 =	simm.s32 $0x0;
	s20 =	sshll.u32 s4, $0x1;
	s4 =	sadd.s32 s21, s2  }
0x9d: {  	[timem:s6], [sflag:s22] =	dma.local [hbm:s4], s20  }
0x9e: {  	_ =	swait.ge [sflag:s22], s20  }
0x9f: {  	s3 =	ssub.s32 $0x0, s20;
	[sflag:s22] =	ssyncset.done $0x0  }
0xa0: {  	[sflag:s22] =	ssyncadd.s32 s3;
	_ =	sdelay $0x1  }
0xa1: {  	s23 =	simm.s32 $0x1B8B  }
0xa2: {  	_ =	swait.ge [sflag:s23], $0x1  }
0xa3: {  	[sflag:s23] =	ssyncset.done $0x0  }
0xa4: {  	s25 =	simm.s32 $0x1B8E;
	s24 =	sld [smem:$0x3FFE];
	[sflag:s23] =	ssyncadd.s32 $0xFFFFFFFF  }
0xa5: {  	s26 =	simm.s32 $execute0_lowered;
	[smem:$0x3FD2] =	sst s25  }
0xa6: {  	s4 =	sshll.u32 s26, $0x1;
	_ =	strace $0x8000004C;
	[dreg:$0x1] =	wrdreg $0xFFFFFFFF  }
0xa7: {  	s28 =	simm.s32 $_size_execute0_lowered;
	s2 =	sadd.s32 s2, s4;
	[dreg:$0x0] =	wrdreg $0x0  }
0xa8: {  	s4 =	sshll.u32 s28, $0x1;
	[dreg:$0x2] =	wrdreg s2  }
0xa9: {  	[dreg:$0x3] =	wrdreg s4  }
0xaa: {  	[dreg:$0x4] =	wrdreg $0xC0  }
0xab: {  	_ =	task [dreg:s6], $0x5FFFF  }
0xac: {  	[dreg:$0x1] =	wrdreg $0xFFFFFFFF  }
0xad: {  	[dreg:$0x0] =	wrdreg $0x60  }
0xae: {  	[dreg:$0x2] =	wrdreg s24  }
0xaf: {  	[dreg:$0x3] =	wrdreg $0x0  }
0xb0: {  	[dreg:$0x4] =	wrdreg $0x9  }
0xb1: {  	_ =	task.clear_ibuf [dreg:s6], $0x5FFFF;
	_ =	strace $0x9000004C  }
0xb2: {  	s29 =	simm.s32 $0x9;
	_ =	strace $0x8000004E  }
0xb3: {  	_ =	swait.ge [sflag:s29], $0x1  }
0xb4: {  	[sflag:s29] =	ssyncadd.s32 $0xFFFFFFFF  }
0xb5: {  	_ =	strace $0x9000004E  }
0xb6: {  	_ =	sfence  }
0xb7: {  	s30 =	sld [smem:$0x0];
	_ =	sdelay $0x2  }
0xb8: {  	s31 =	sshll.u32 s1, $0xD;
	s1 =	sshrl.u32 s1, $0x2  }
0xb9: {  	s3 =	sand.u32 $0x4000, s31;
	s1 =	sadd.s32 s1, s30  }
0xba: {  	s0 =	sor.u32 s3, s0;
	s1 =	sshll.u32 s1, $0x11  }
0xbb: {  	s0 =	sor.u32 s1, s0  }
0xbc: {  	s0 =	sadd.s32 $0x8F2B, s0  }
0xbd: {  	[sflag:s0] =	ssyncadd.remote.s32 $0x1  }
0xbe: {  	_ =	sfence.sel $0xFFFF  }
0xbf: {  	[dreg:$0x0] =	wrdreg $0xFFFFFFFF;
	(pc) =	sbr.abs _section_cstart, $3  }
0xc0: {  	[dreg:$0x1] =	wrdreg $0xFFFFFFFF  }
0xc1: {  	_ =	task.clear_ibuf [dreg:s6], $0x2FFFF;
	_ =	strace $0x9FFFFFFF  }
0xc2: {  	(tm) =	ssettm $0x7FFFFFFF  }
0xc3: {  	_ =	shalt  }
tec
execute0_lowered:
.L_overlay_start_1:
0x0: {  	(tag) =	ssettag $0x1  }
0x1: {  	s0 =	rddreg [dreg:$0x0];
	s1 =	srdreg.scid  }
0x2: {  	s2 =	rddreg [dreg:$0x1];
	s12 =	stileid.u32;
	s3 =	simm.s32 $0x0  }
0x3: {  	s28 =	simm.s32 $0xBBD0;
	s29 =	simm.s32 $0xBC70;
	s6 =	smul.u32 $0x9C40, s12  }
0x4: {  	s30 =	simm.s32 $0xD0C0;
	s31 =	simm.s32 $0x1;
	s8 =	smul.u32 $0x27100, s12  }
0x5: {  	s1 =	sand.u32 $0x1, s1;
	[smem:$0x7FF] =	sst s3;
	s14 =	smul.u32 $0x2710, s12  }
0x6: {  	s4 =	sadd.s32 $0x16200, s0;
	s5 =	smul.u32 $0x9C400, s1;
	_ =	strace $0x8000004D  }
0x7: {  	s18 =	sshll.u32 s1, $0x4;
	s9 =	ssub.s32 $0x2, s1;
	s1 =	smul.u32 $0x27100, s1  }
0x8: {  	s8 =	sshrl.u32 s8, $0x2;
	s10 =	sshrl.u32 s9, $0x1;
	s6 =	sadd.s32 s6, s5  }
0x9: {  	s5 =	sadd.s32 $0x2600, s0;
	s19 =	ssub.s32 s9, s10;
	s1 =	sadd.s32 s14, s1  }
0xa: {  	s7 =	sshrl.u32 s6, $0x3;
	s6 =	sadd.s32 $0xC400, s0;
	s25 =	sadd.s32 $0xF0, s1  }
0xb: {  	s17 =	smax.u32 s19, $0x1;
	s0 =	sadd.s32 s7, s0;
	s7 =	sor.u32 s12, s18  }
0xc: {  	s26 =	sshrl.u32 s25, $0x3;
	s25 =	simm.s32 $0x50;
	s11 =	smul.u32 $0x2710, s7  }
0xd: {  	s7 =	sadd.s32 s8, s2;
	s16 =	sadd.s32 $0x29C00, s0;
	s18 =	sadd.s32 s26, s6  }
0xe: {  	s19 =	sadd.s32 s26, s5;
	s26 =	simm.s32 $0xBCC0;
	s20 =	sadd.s32 $0x1F40, s7  }
0xf: {  	s0 =	simm.s32 $0x2;
	s21 =	sadd.s32 $0x3E80, s7;
	[dreg:$0x3] =	wrdreg s20  }
0x10: {  	s23 =	sadd.s32 $0x5DC0, s7;
	s24 =	sadd.s32 $0x7D00, s7;
	[dreg:$0x4] =	wrdreg s21  }
.Ltmp0:
0x11: {  	s22 =	sshrl.u32 s11, $0x3;
	[dreg:$0x5] =	wrdreg s23;
	(pc) =	sbr.rel .LBB2_1-.Ltmp0, $4  }
0x12: {  	[dreg:$0x6] =	wrdreg s24;
	s21 =	simm.s32 $0x9C40;
	s23 =	simm.s32 $0xBB80  }
0x13: {  	s24 =	simm.s32 $0xBC20;
	s12 =	sadd.s32 s5, s22;
	s9 =	sadd.s32 $0xA, s22  }
0x14: {  	s13 =	sadd.s32 s6, s22;
	s22 =	simm.s32 $0x3;
	s14 =	sadd.s32 s5, s9  }
0x15: {  	v0 =	vimm.f32 $0.0e+00;
	s15 =	sadd.s32 s6, s9;
	s9 =	sadd.s32 $0xA0, s1;
	s1 =	simm.s32 $0x0  }
.LBB2_6:
0x16: {  	_ =	swait.ge [sflag:s31], $0x1400  }
0x17: {  	[sflag:s31] =	ssyncset.done $0x0  }
0x18: {  	[sflag:s31] =	ssyncadd.s32 $0xFFFFEC00  }
0x19: {  	[spmem:s2] =	stream.indirect.scatter.add.f32 [tilespmem:s26], [sflag:$0x3], $0x40, s24, s25, $0xb8;
	[tilespmem:$0xE4C0] =	vst v63  }
0x1a: {  	s8 =	stileid.u32;
	_ =	swait.ge [sflag:s22], $0x1400  }
0x1b: {  	s10 =	sshrl.u32 s7, $0x3;
	s1 =	sadd.s32 $0x1, s1;
	[sflag:s22] =	ssyncset.done $0x0  }
0x1c: {  	s8 =	sshll.u32 s8, $0x6;
	p0 =	sne.s32 s1, s17;
	[sflag:s22] =	ssyncadd.s32 $0xFFFFEC00  }
.Ltmp1:
0x1d: {  	s8 =	sor.u32 $0x1C03, s8;
	[bflag:$0x0] =	sbarrier.arrive $0xFFFF;
	(pc) =	sbr.rel @!p0 .LBB2_7-.Ltmp1, $4  }
0x1e: {  	[hbm:s16], [sflag:s8] =	dma.local [spmem:s10], $0x1388  }
0x1f: {  	_ =	swait.ge [sflag:s22], $0x1388  }
0x20: {  	[sflag:s22] =	ssyncset.done $0x0  }
0x21: {  	[sflag:s22] =	ssyncadd.s32 $0xFFFFEC78  }
.LBB2_1:
0x22: {  	s20 =	simm.s32 $0x100;
	s8 =	simm.s32 $0x0  }
.LBB2_2:
0x23: {  	p0 =	sne.s32 s20, $0x7C00;
	[tilespmem:s8+$0x9C70] =	vst v0;
	s10 =	smov.u32 s20;
	s20 =	sadd.s32 $0x100, s20  }
.Ltmp2:
0x24: {  	[tilespmem:s8+$0x9C60] =	vst v0;
	(pc) =	sbr.rel @p0 .LBB2_2-.Ltmp2, $3  }
0x25: {  	[tilespmem:s8+$0x9C40] =	vst v0  }
0x26: {  	[tilespmem:s8+$0x9C50] =	vst v0;
	_ =	sdelay $0x1  }
0x27: {  	s8 =	sshra.s32 s10, $0x2  }
0x28: {  	[tilespmem:s8+$0x9C70] =	vst v0  }
0x29: {  	[tilespmem:s8+$0x9C60] =	vst v0  }
0x2a: {  	[tilespmem:s8+$0x9C40] =	vst v0  }
0x2b: {  	[tilespmem:s8+$0x9C50] =	vst v0  }
0x2c: {  	[spmem:s7] =	stream.linear.scatter [tilespmem:s21], [sflag:$0x3], $0x1F40, $0x38;
	[tilespmem:$0xE4C0] =	vst v63  }
0x2d: {  	_ =	swait.ge [sflag:s22], $0x1F40  }
0x2e: {  	[sflag:s22] =	ssyncset.done $0x0  }
0x2f: {  	s20 =	rddreg [dreg:$0x3];
	[sflag:s22] =	ssyncadd.s32 $0xFFFFE0C0  }
0x30: {  	[spmem:s20] =	stream.linear.scatter [tilespmem:s21], [sflag:$0x3], $0x1F40, $0x38;
	[tilespmem:$0xE4C0] =	vst v63  }
0x31: {  	_ =	swait.ge [sflag:s22], $0x1F40  }
0x32: {  	[sflag:s22] =	ssyncset.done $0x0  }
0x33: {  	s10 =	rddreg [dreg:$0x4];
	[sflag:s22] =	ssyncadd.s32 $0xFFFFE0C0  }
0x34: {  	[spmem:s10] =	stream.linear.scatter [tilespmem:s21], [sflag:$0x3], $0x1F40, $0x38;
	[tilespmem:$0xE4C0] =	vst v63  }
0x35: {  	_ =	swait.ge [sflag:s22], $0x1F40  }
0x36: {  	[sflag:s22] =	ssyncset.done $0x0  }
0x37: {  	s11 =	rddreg [dreg:$0x5];
	[sflag:s22] =	ssyncadd.s32 $0xFFFFE0C0  }
0x38: {  	[spmem:s11] =	stream.linear.scatter [tilespmem:s21], [sflag:$0x3], $0x1F40, $0x38;
	[tilespmem:$0xE4C0] =	vst v63  }
0x39: {  	_ =	swait.ge [sflag:s22], $0x1F40  }
0x3a: {  	[sflag:s22] =	ssyncset.done $0x0  }
0x3b: {  	s20 =	rddreg [dreg:$0x6];
	[sflag:s22] =	ssyncadd.s32 $0xFFFFE0C0  }
0x3c: {  	[spmem:s20] =	stream.linear.scatter [tilespmem:s21], [sflag:$0x3], $0x1F40, $0x38;
	[tilespmem:$0xE4C0] =	vst v63  }
0x3d: {  	_ =	swait.ge [sflag:s22], $0x1F40  }
0x3e: {  	[sflag:s22] =	ssyncset.done $0x0  }
0x3f: {  	[sflag:s22] =	ssyncadd.s32 $0xFFFFE0C0  }
0x40: {  	s8 =	simm.s32 $0x0;
	[bflag:$0x0] =	sbarrier.arrive $0xFFFF  }
0x41: {  	[tilespmem:s23], [sflag:$0x3] =	stream.linear.gather [hbm4b:s12+s8], $0x50, $0x38;
	[tilespmem:$0xE4C0] =	vst v63  }
0x42: {  	_ =	swait.ge [sflag:s22], $0x50  }
0x43: {  	[sflag:s22] =	ssyncset.done $0x0  }
0x44: {  	[sflag:s22] =	ssyncadd.s32 $0xFFFFFFB0  }
0x45: {  	[tilespmem:s24], [sflag:$0x3] =	stream.linear.gather [hbm4b:s13+s8], $0x50, $0x38;
	[tilespmem:$0xE4C0] =	vst v63  }
0x46: {  	_ =	swait.ge [sflag:s22], $0x50  }
0x47: {  	[sflag:s22] =	ssyncset.done $0x0  }
0x48: {  	[sflag:s22] =	ssyncadd.s32 $0xFFFFFFB0  }
0x49: {  	[tilespmem:s26], [sflag:$0x1] =	stream.indirect.gather [hbm4b:s4+s25], $0x40, s23, s25, $0xb8;
	[tilespmem:$0xE4C0] =	vst v63  }
0x4a: {  	_ = 	snop  }
0x4b: {  	[tilespmem:s28], [sflag:$0x3] =	stream.linear.gather [hbm4b:s14+s8], $0x50, $0x38;
	[tilespmem:$0xE4C0] =	vst v63  }
0x4c: {  	_ =	swait.ge [sflag:s22], $0x50  }
0x4d: {  	[sflag:s22] =	ssyncset.done $0x0  }
0x4e: {  	[sflag:s22] =	ssyncadd.s32 $0xFFFFFFB0  }
0x4f: {  	[tilespmem:s29], [sflag:$0x3] =	stream.linear.gather [hbm4b:s15+s8], $0x50, $0x38;
	[tilespmem:$0xE4C0] =	vst v63  }
0x50: {  	_ =	swait.ge [sflag:s22], $0x50  }
0x51: {  	[sflag:s22] =	ssyncset.done $0x0  }
0x52: {  	s20 =	smov.u32 s9;
	[sflag:s22] =	ssyncadd.s32 $0xFFFFFFB0  }
0x53: {  	[tilespmem:s30], [sflag:$0x2] =	stream.indirect.gather [hbm4b:s4+s25], $0x40, s28, s25, $0xb8;
	[tilespmem:$0xE4C0] =	vst v63  }
.LBB2_4:
0x54: {  	_ =	swait.ge [sflag:s31], $0x1400  }
0x55: {  	[sflag:s31] =	ssyncset.done $0x0  }
0x56: {  	[sflag:s31] =	ssyncadd.s32 $0xFFFFEC00  }
0x57: {  	[spmem:s2] =	stream.indirect.scatter.add.f32 [tilespmem:s26], [sflag:$0x3], $0x40, s24, s25, $0xb8;
	[tilespmem:$0xE4C0] =	vst v63  }
0x58: {  	_ =	swait.ge [sflag:s22], $0x1400  }
0x59: {  	s10 =	sshrl.u32 s20, $0x3;
	[sflag:s22] =	ssyncset.done $0x0  }
0x5a: {  	s11 =	sadd.s32 s5, s10;
	[sflag:s22] =	ssyncadd.s32 $0xFFFFEC00  }
0x5b: {  	[tilespmem:s23], [sflag:$0x3] =	stream.linear.gather [hbm4b:s11+s3], $0x50, $0x38;
	[tilespmem:$0xE4C0] =	vst v63  }
0x5c: {  	_ =	swait.ge [sflag:s22], $0x50  }
0x5d: {  	[sflag:s22] =	ssyncset.done $0x0  }
0x5e: {  	s10 =	sadd.s32 s6, s10;
	[sflag:s22] =	ssyncadd.s32 $0xFFFFFFB0  }
0x5f: {  	[tilespmem:s24], [sflag:$0x3] =	stream.linear.gather [hbm4b:s10+s3], $0x50, $0x38;
	[tilespmem:$0xE4C0] =	vst v63  }
0x60: {  	_ =	swait.ge [sflag:s22], $0x50  }
0x61: {  	[sflag:s22] =	ssyncset.done $0x0  }
0x62: {  	[sflag:s22] =	ssyncadd.s32 $0xFFFFFFB0  }
0x63: {  	[tilespmem:s26], [sflag:$0x1] =	stream.indirect.gather [hbm4b:s4+s25], $0x40, s23, s25, $0xb8;
	[tilespmem:$0xE4C0] =	vst v63  }
0x64: {  	_ =	swait.ge [sflag:s0], $0x1400  }
0x65: {  	p0 =	seq.s32 s8, $0x4C4;
	[sflag:s0] =	ssyncset.done $0x0  }
.Ltmp3:
0x66: {  	[sflag:s0] =	ssyncadd.s32 $0xFFFFEC00;
	(pc) =	sbr.rel @p0 .LBB2_6-.Ltmp3, $4  }
0x67: {  	[spmem:s2] =	stream.indirect.scatter.add.f32 [tilespmem:s30], [sflag:$0x3], $0x40, s29, s25, $0xb8;
	[tilespmem:$0xE4C0] =	vst v63  }
0x68: {  	_ =	swait.ge [sflag:s22], $0x1400  }
0x69: {  	[sflag:s22] =	ssyncset.done $0x0  }
0x6a: {  	[sflag:s22] =	ssyncadd.s32 $0xFFFFEC00  }
0x6b: {  	s10 =	sadd.s32 s8, s19  }
0x6c: {  	[tilespmem:s28], [sflag:$0x3] =	stream.linear.gather [hbm4b:s10+s3], $0x50, $0x38;
	[tilespmem:$0xE4C0] =	vst v63  }
0x6d: {  	_ =	swait.ge [sflag:s22], $0x50  }
0x6e: {  	[sflag:s22] =	ssyncset.done $0x0  }
0x6f: {  	s11 =	sadd.s32 s8, s18;
	[sflag:s22] =	ssyncadd.s32 $0xFFFFFFB0  }
0x70: {  	[tilespmem:s29], [sflag:$0x3] =	stream.linear.gather [hbm4b:s11+s3], $0x50, $0x38;
	[tilespmem:$0xE4C0] =	vst v63  }
.Ltmp4:
0x71: {  	_ = 	snop;
	(pc) =	sbr.rel .LBB2_4-.Ltmp4, $4  }
0x72: {  	_ =	swait.ge [sflag:s22], $0x50  }
0x73: {  	[sflag:s22] =	ssyncset.done $0x0  }
0x74: {  	s8 =	sadd.s32 $0x14, s8;
	s20 =	sadd.s32 $0xA0, s20;
	[sflag:s22] =	ssyncadd.s32 $0xFFFFFFB0  }
0x75: {  	[tilespmem:s30], [sflag:$0x2] =	stream.indirect.gather [hbm4b:s4+s25], $0x40, s28, s25, $0xb8;
	[tilespmem:$0xE4C0] =	vst v63  }
.LBB2_7:
0x76: {  	_ =	sfence.sel $0x180000  }
0x77: {  	[bflag:$0x0] =	sbarrier.arrive $0xFFFF  }
0x78: {  	_ =	strace $0x9000004D  }
0x79: {  	s0 =	stileid.u32;
	[bflag:$0x2] =	sbarrier.arrive $0xFFFF  }
0x7a: {  	p0 =	sne.s32 s0, $0x0;
	s0 =	rddreg [dreg:$0x2]  }
0x7b: {  	s0 =	sadd.s32 @!p0 $0x100000, s0  }
0x7c: {  	[sflag:s0] =	ssyncadd.tile.s32 @!p0 $0x1;
	_ =	shalt  }
.Lfunc_end2:
_tile_overlayer_lowered:
.L_overlay_start_2:
0x7d: {  	(tag) =	ssettag $0x2  }
0x7e: {  	s0 =	rddreg [dreg:$0x0];
	s2 =	stileid.u32  }
0x7f: {  	s1 =	rddreg [dreg:$0x1];
	p0 =	sne.s32 s2, $0x0  }
0x80: {  	s3 =	rddreg [dreg:$0x2];
	[bflag:$0x3] =	sbarrier.arrive $0xFFFF;
	s2 =	simm.s32 @!p0 $0x1C03  }
0x81: {  	[timem:s3], [sflag:s2] =	dma.local @!p0 [hbm:s0], s1  }
0x82: {  	s0 =	simm.s32 @!p0 $0x3  }
0x83: {  	_ =	swait.ge @!p0 [sflag:s0], s1  }
0x84: {  	s1 =	ssub.s32 @!p0 $0x0, s1;
	[sflag:s0] =	ssyncset.done @!p0 $0x0  }
0x85: {  	[sflag:s0] =	ssyncadd.s32 @!p0 s1  }
0x86: {  	[bflag:$0x3] =	sbarrier.arrive $0xFFFF  }
0x87: {  	_ =	shalt  }

// kernel: kernel.19.cloned.1.call-start
scs
__scs_entry_jumppad:
0x0: {  	(pc) =	sbr.rel $0x88, $3  }
0x1: {  	(tag) =	ssettag $0x0;
	lr =	simm.s32 $0x1  }
0x2: {  	[smem:$0x3F94] =	sst lr;
	_ =	strace $0xD0000000  }
0x3: {  	_ = 	snop  }
0x4: {  	_ = 	snop  }
0x5: {  	_ = 	snop  }
0x6: {  	_ = 	snop  }
0x7: {  	_ = 	snop  }
__scs_overlays_trampoline_lowered:
0x8: {  	[smem:$0x3FA3] =	sst s0  }
0x9: {  	[smem:$0x3FA4] =	sst s1  }
0xa: {  	[smem:$0x3FA5] =	sst s2  }
0xb: {  	[smem:$0x3FA6] =	sst s3  }
0xc: {  	[smem:$0x3FA7] =	sst s4  }
0xd: {  	[smem:$0x3FA8] =	sst s5  }
0xe: {  	[smem:$0x3FA9] =	sst s6  }
0xf: {  	[smem:$0x3FAA] =	sst s7  }
0x10: {  	[smem:$0x3FAB] =	sst s8  }
0x11: {  	[smem:$0x3FAC] =	sst s9;
	s0 =	simm.s32 @!p0 $0x0  }
0x12: {  	s1 =	sld [smem:$0x3F92];
	s0 =	simm.s32 @p0 $0x1  }
0x13: {  	[smem:$0x3FAD] =	sst s0;
	s0 =	simm.s32 @!p1 $0x0  }
0x14: {  	s2 =	sld [smem:$0x3F91];
	s0 =	simm.s32 @p1 $0x1  }
0x15: {  	[smem:$0x3FAE] =	sst s0;
	s0 =	simm.s32 @!p2 $0x0  }
0x16: {  	s3 =	sld [smem:$0x3FDB];
	s0 =	simm.s32 @p2 $0x1  }
0x17: {  	s4 =	simm.s32 $0x1BF5;
	[smem:$0x3FB0] =	sst s0  }
0x18: {  	s0 =	sld [smem:$0x3F93];
	_ =	swait.ge [sflag:s4], $0x0  }
0x19: {  	s7 =	sld [smem:$0x3F94]  }
0x1a: {  	s8 =	sadd.s32 $0xFFFFE003, lr  }
0x1b: {  	s9 =	sadd.s32 $0xFFFFFEF7, lr;
	s5 =	simm.s32 $0xFFFFFFFF;
	p2 =	slt.u32 s8, $0xFFFFF086  }
0x1c: {  	p1 =	slt.u32 s9, $0xF7A;
	s5 =	simm.s32 @!p2 $0x0  }
0x1d: {  	s5 =	simm.s32 @p1 $0x1;
	p0 =	seq.s32 s7, s2  }
0x1e: {  	s7 =	smul.u32 @!p0 $0xF7A, s2;
	p2 =	seq.s32 @!p0 s5, $0x0  }
0x1f: {  	s9 =	smul.u32 $0xF7A, s1;
	s8 =	simm.s32 @!p0 $0x1BF5;
	p2 =	por !p2, p0  }
0x20: {  	[sflag:s8] =	ssyncset.s32 @!p0 $0xFFFFF086;
	s6 =	sadd.s32 @!p0 s3, s7;
	s7 =	simm.s32 @!p0 $0x108  }
0x21: {  	s3 =	sadd.s32 s3, s9;
	s6 =	sadd.s32 @!p0 $0x88, s6;
	s7 =	simm.s32 @p2 $0x1082  }
0x22: {  	[simem:s7], [sflag:s8] =	dma.local @!p0 [hbm:s6], $0xF7A  }
0x23: {  	s9 =	sor.u32 $0xD0000000, s2;
	s6 =	simm.s32 $0x108;
	_ =	swait.ge @!p0 [sflag:s8], $0x0  }
0x24: {  	s3 =	sadd.s32 $0x88, s3;
	s6 =	simm.s32 @!p1 $0x1082;
	[sflag:s4] =	ssyncset.s32 $0xFFFFF086  }
0x25: {  	[simem:s6], [sflag:s4] =	dma.local [hbm:s3], $0xF7A  }
0x26: {  	[smem:$0x3F94] =	sst s1;
	(tag) =	ssettag s2;
	_ =	strace s9  }
0x27: {  	s1 =	sld [smem:$0x3FA4]  }
0x28: {  	s2 =	sld [smem:$0x3FA5]  }
0x29: {  	s4 =	sld [smem:$0x3FA7]  }
0x2a: {  	p0 =	seq.s32 s5, $0x0;
	s5 =	sld [smem:$0x3FA8]  }
0x2b: {  	s6 =	sld [smem:$0x3FA9]  }
0x2c: {  	s7 =	sld [smem:$0x3FAA]  }
0x2d: {  	s3 =	simm.s32 $0x108;
	s8 =	sld [smem:$0x3FAB]  }
0x2e: {  	s3 =	simm.s32 @!p0 $0x1082;
	s9 =	sld [smem:$0x3FAC]  }
0x2f: {  	lr =	sadd.s32 s0, s3;
	s0 =	sld [smem:$0x3FA3]  }
0x30: {  	s3 =	sld [smem:$0x3FA6]  }
0x31: {  	[smem:$0x3FAF] =	sst s10  }
0x32: {  	s10 =	sld [smem:$0x3FAD];
	_ =	sdelay $0x3  }
0x33: {  	p0 =	seq.s32 s10, $0x1;
	s10 =	sld [smem:$0x3FAF];
	_ =	sdelay $0x3  }
0x34: {  	[smem:$0x3FAF] =	sst s10  }
0x35: {  	s10 =	sld [smem:$0x3FAE];
	_ =	sdelay $0x3  }
0x36: {  	p1 =	seq.s32 s10, $0x1;
	s10 =	sld [smem:$0x3FAF];
	_ =	sdelay $0x3  }
0x37: {  	[smem:$0x3FAF] =	sst s10  }
0x38: {  	s10 =	sld [smem:$0x3FB0]  }
0x39: {  	_ = 	snop;
	(pc) =	sbr.ind lr, $3  }
0x3a: {  	_ = 	snop  }
0x3b: {  	_ = 	snop  }
0x3c: {  	p2 =	seq.s32 s10, $0x1;
	s10 =	sld [smem:$0x3FAF]  }
0x3d: {  	_ =	shalt  }
0x3e: {  	_ =	shalt  }
0x3f: {  	_ =	shalt  }
0x40: {  	_ =	shalt  }
0x41: {  	_ =	shalt  }
0x42: {  	_ =	shalt  }
0x43: {  	_ =	shalt  }
0x44: {  	_ =	shalt  }
0x45: {  	_ =	shalt  }
0x46: {  	_ =	shalt  }
0x47: {  	_ =	shalt  }
0x48: {  	_ =	shalt  }
0x49: {  	_ =	shalt  }
0x4a: {  	_ =	shalt  }
0x4b: {  	_ =	shalt  }
0x4c: {  	_ =	shalt  }
0x4d: {  	_ =	shalt  }
0x4e: {  	_ =	shalt  }
0x4f: {  	_ =	shalt  }
0x50: {  	_ =	shalt  }
0x51: {  	_ =	shalt  }
0x52: {  	_ =	shalt  }
0x53: {  	_ =	shalt  }
0x54: {  	_ =	shalt  }
0x55: {  	_ =	shalt  }
0x56: {  	_ =	shalt  }
0x57: {  	_ =	shalt  }
0x58: {  	_ =	shalt  }
0x59: {  	_ =	shalt  }
0x5a: {  	_ =	shalt  }
0x5b: {  	_ =	shalt  }
0x5c: {  	_ =	shalt  }
0x5d: {  	_ =	shalt  }
0x5e: {  	_ =	shalt  }
0x5f: {  	_ =	shalt  }
0x60: {  	_ =	shalt  }
0x61: {  	_ =	shalt  }
0x62: {  	_ =	shalt  }
0x63: {  	_ =	shalt  }
0x64: {  	_ =	shalt  }
0x65: {  	_ =	shalt  }
0x66: {  	_ =	shalt  }
0x67: {  	_ =	shalt  }
0x68: {  	_ =	shalt  }
0x69: {  	_ =	shalt  }
0x6a: {  	_ =	shalt  }
0x6b: {  	_ =	shalt  }
0x6c: {  	_ =	shalt  }
0x6d: {  	_ =	shalt  }
0x6e: {  	_ =	shalt  }
0x6f: {  	_ =	shalt  }
0x70: {  	_ =	shalt  }
0x71: {  	_ =	shalt  }
0x72: {  	_ =	shalt  }
0x73: {  	_ =	shalt  }
0x74: {  	_ =	shalt  }
0x75: {  	_ =	shalt  }
0x76: {  	_ =	shalt  }
0x77: {  	_ =	shalt  }
0x78: {  	_ =	shalt  }
0x79: {  	_ =	shalt  }
0x7a: {  	_ =	shalt  }
0x7b: {  	_ =	shalt  }
0x7c: {  	_ =	shalt  }
0x7d: {  	_ =	shalt  }
0x7e: {  	_ =	shalt  }
0x7f: {  	_ =	shalt  }
0x80: {  	_ =	shalt  }
0x81: {  	_ =	shalt  }
0x82: {  	_ =	shalt  }
0x83: {  	_ =	shalt  }
0x84: {  	_ =	shalt  }
0x85: {  	_ =	shalt  }
0x86: {  	_ =	shalt  }
0x87: {  	_ =	shalt  }
.Lfunc_end0:
.L_simem_size_0:
called_computation.3_lowered:
.L_overlay_start_0:
0x88: {  	s2 =	sld [smem:$0x3FD9]  }
0x89: {  	s3 =	sld [smem:$0x3FFE];
	_ =	sdelay $0x1  }
0x8a: {  	s1 =	srdreg.scid  }
0x8b: {  	s0 =	sand.u32 $0x1, s1  }
0x8c: {  	s16 =	sshll.u32 s0, $0xA;
	s2 =	sadd.s32 s3, s2  }
0x8d: {  	s2 =	sadd.s32 s2, s16  }
0x8e: {  	[smem:$0x3FBB] =	sst s2  }
0x8f: {  	_ = 	snop  }
0x90: {  	(tm) =	ssettm $0x1  }
0x91: {  	s17 =	sld [smem:$0x3FFB];
	_ =	sdelay $0x3  }
0x92: {  	_ =	strace s17  }
0x93: {  	s2 =	sld [smem:$0x3FFC];
	_ =	sdelay $0x3  }
0x94: {  	_ =	strace s2  }
0x95: {  	s2 =	sld [smem:$0x3FFD];
	_ =	sdelay $0x3  }
0x96: {  	_ =	strace s2  }
0x97: {  	_ =	strace $0x8FFFFFFF  }
0x98: {  	s18 =	sld [smem:$0x3FDB];
	_ =	sdelay $0x1  }
0x99: {  	s19 =	simm.s32 $_scs_section_size  }
0x9a: {  	s4 =	simm.s32 $_size__tile_overlayer_lowered;
	s5 =	simm.s32 $_tile_overlayer_lowered  }
0x9b: {  	s22 =	simm.s32 $0x1BFF;
	s21 =	sshll.u32 s5, $0x1;
	s2 =	sadd.s32 s19, s18  }
0x9c: {  	s6 =	simm.s32 $0x0;
	s20 =	sshll.u32 s4, $0x1;
	s4 =	sadd.s32 s21, s2  }
0x9d: {  	[timem:s6], [sflag:s22] =	dma.local [hbm:s4], s20  }
0x9e: {  	_ =	swait.ge [sflag:s22], s20  }
0x9f: {  	s3 =	ssub.s32 $0x0, s20;
	[sflag:s22] =	ssyncset.done $0x0  }
0xa0: {  	[sflag:s22] =	ssyncadd.s32 s3;
	_ =	sdelay $0x1  }
0xa1: {  	s23 =	simm.s32 $0x1B8B  }
0xa2: {  	_ =	swait.ge [sflag:s23], $0x1  }
0xa3: {  	[sflag:s23] =	ssyncset.done $0x0  }
0xa4: {  	s25 =	simm.s32 $0x1B8E;
	s24 =	sld [smem:$0x3FFE];
	[sflag:s23] =	ssyncadd.s32 $0xFFFFFFFF  }
0xa5: {  	s26 =	simm.s32 $execute0_lowered;
	[smem:$0x3FD2] =	sst s25  }
0xa6: {  	s4 =	sshll.u32 s26, $0x1;
	_ =	strace $0x8000004F;
	[dreg:$0x1] =	wrdreg $0xFFFFFFFF  }
0xa7: {  	s28 =	simm.s32 $_size_execute0_lowered;
	s2 =	sadd.s32 s2, s4;
	[dreg:$0x0] =	wrdreg $0x0  }
0xa8: {  	s4 =	sshll.u32 s28, $0x1;
	[dreg:$0x2] =	wrdreg s2  }
0xa9: {  	[dreg:$0x3] =	wrdreg s4  }
0xaa: {  	[dreg:$0x4] =	wrdreg $0xC0  }
0xab: {  	_ =	task [dreg:s6], $0x5FFFF  }
0xac: {  	[dreg:$0x1] =	wrdreg $0xFFFFFFFF  }
0xad: {  	[dreg:$0x0] =	wrdreg $0x60  }
0xae: {  	[dreg:$0x2] =	wrdreg s24  }
0xaf: {  	[dreg:$0x3] =	wrdreg $0x0  }
0xb0: {  	[dreg:$0x4] =	wrdreg $0x9  }
0xb1: {  	_ =	task.clear_ibuf [dreg:s6], $0x5FFFF;
	_ =	strace $0x9000004F  }
0xb2: {  	s29 =	simm.s32 $0x9;
	_ =	strace $0x80000051  }
0xb3: {  	_ =	swait.ge [sflag:s29], $0x1  }
0xb4: {  	[sflag:s29] =	ssyncadd.s32 $0xFFFFFFFF  }
0xb5: {  	_ =	strace $0x90000051  }
0xb6: {  	_ =	sfence  }
0xb7: {  	s30 =	sld [smem:$0x0];
	_ =	sdelay $0x2  }
0xb8: {  	s31 =	sshll.u32 s1, $0xD;
	s1 =	sshrl.u32 s1, $0x2  }
0xb9: {  	s3 =	sand.u32 $0x4000, s31;
	s1 =	sadd.s32 s1, s30  }
0xba: {  	s0 =	sor.u32 s3, s0;
	s1 =	sshll.u32 s1, $0x11  }
0xbb: {  	s0 =	sor.u32 s1, s0  }
0xbc: {  	s0 =	sadd.s32 $0x8F2B, s0  }
0xbd: {  	[sflag:s0] =	ssyncadd.remote.s32 $0x1  }
0xbe: {  	_ =	sfence.sel $0xFFFF  }
0xbf: {  	[dreg:$0x0] =	wrdreg $0xFFFFFFFF;
	(pc) =	sbr.abs _section_cstart, $3  }
0xc0: {  	[dreg:$0x1] =	wrdreg $0xFFFFFFFF  }
0xc1: {  	_ =	task.clear_ibuf [dreg:s6], $0x2FFFF;
	_ =	strace $0x9FFFFFFF  }
0xc2: {  	(tm) =	ssettm $0x7FFFFFFF  }
0xc3: {  	_ =	shalt  }
tec
execute0_lowered:
.L_overlay_start_1:
0x0: {  	(tag) =	ssettag $0x1  }
0x1: {  	s0 =	rddreg [dreg:$0x0];
	s1 =	srdreg.scid  }
0x2: {  	s2 =	rddreg [dreg:$0x1];
	s12 =	stileid.u32;
	s3 =	simm.s32 $0x0  }
0x3: {  	s28 =	simm.s32 $0xBBD0;
	s29 =	simm.s32 $0xBC70;
	s6 =	smul.u32 $0x9C40, s12  }
0x4: {  	s30 =	simm.s32 $0xD0C0;
	s31 =	simm.s32 $0x1;
	s8 =	smul.u32 $0x27100, s12  }
0x5: {  	s1 =	sand.u32 $0x1, s1;
	[smem:$0x7FF] =	sst s3;
	s14 =	smul.u32 $0x2710, s12  }
0x6: {  	s4 =	sadd.s32 $0x16200, s0;
	s5 =	smul.u32 $0x9C400, s1;
	_ =	strace $0x80000050  }
0x7: {  	s18 =	sshll.u32 s1, $0x4;
	s9 =	ssub.s32 $0x2, s1;
	s1 =	smul.u32 $0x27100, s1  }
0x8: {  	s8 =	sshrl.u32 s8, $0x2;
	s10 =	sshrl.u32 s9, $0x1;
	s6 =	sadd.s32 s6, s5  }
0x9: {  	s5 =	sadd.s32 $0x2600, s0;
	s19 =	ssub.s32 s9, s10;
	s1 =	sadd.s32 s14, s1  }
0xa: {  	s7 =	sshrl.u32 s6, $0x3;
	s6 =	sadd.s32 $0xC400, s0;
	s25 =	sadd.s32 $0xF0, s1  }
0xb: {  	s17 =	smax.u32 s19, $0x1;
	s0 =	sadd.s32 s7, s0;
	s7 =	sor.u32 s12, s18  }
0xc: {  	s26 =	sshrl.u32 s25, $0x3;
	s25 =	simm.s32 $0x50;
	s11 =	smul.u32 $0x2710, s7  }
0xd: {  	s7 =	sadd.s32 s8, s2;
	s16 =	sadd.s32 $0x29C00, s0;
	s18 =	sadd.s32 s26, s6  }
0xe: {  	s19 =	sadd.s32 s26, s5;
	s26 =	simm.s32 $0xBCC0;
	s20 =	sadd.s32 $0x1F40, s7  }
0xf: {  	s0 =	simm.s32 $0x2;
	s21 =	sadd.s32 $0x3E80, s7;
	[dreg:$0x3] =	wrdreg s20  }
0x10: {  	s23 =	sadd.s32 $0x5DC0, s7;
	s24 =	sadd.s32 $0x7D00, s7;
	[dreg:$0x4] =	wrdreg s21  }
.Ltmp0:
0x11: {  	s22 =	sshrl.u32 s11, $0x3;
	[dreg:$0x5] =	wrdreg s23;
	(pc) =	sbr.rel .LBB2_1-.Ltmp0, $4  }
0x12: {  	[dreg:$0x6] =	wrdreg s24;
	s21 =	simm.s32 $0x9C40;
	s23 =	simm.s32 $0xBB80  }
0x13: {  	s24 =	simm.s32 $0xBC20;
	s12 =	sadd.s32 s5, s22;
	s9 =	sadd.s32 $0xA, s22  }
0x14: {  	s13 =	sadd.s32 s6, s22;
	s22 =	simm.s32 $0x3;
	s14 =	sadd.s32 s5, s9  }
0x15: {  	v0 =	vimm.f32 $0.0e+00;
	s15 =	sadd.s32 s6, s9;
	s9 =	sadd.s32 $0xA0, s1;
	s1 =	simm.s32 $0x0  }
.LBB2_6:
0x16: {  	_ =	swait.ge [sflag:s31], $0x1400  }
0x17: {  	[sflag:s31] =	ssyncset.done $0x0  }
0x18: {  	[sflag:s31] =	ssyncadd.s32 $0xFFFFEC00  }
0x19: {  	[spmem:s2] =	stream.indirect.scatter.add.f32 [tilespmem:s26], [sflag:$0x3], $0x40, s24, s25, $0xb8;
	[tilespmem:$0xE4C0] =	vst v63  }
0x1a: {  	s8 =	stileid.u32;
	_ =	swait.ge [sflag:s22], $0x1400  }
0x1b: {  	s10 =	sshrl.u32 s7, $0x3;
	s1 =	sadd.s32 $0x1, s1;
	[sflag:s22] =	ssyncset.done $0x0  }
0x1c: {  	s8 =	sshll.u32 s8, $0x6;
	p0 =	sne.s32 s1, s17;
	[sflag:s22] =	ssyncadd.s32 $0xFFFFEC00  }
.Ltmp1:
0x1d: {  	s8 =	sor.u32 $0x1C03, s8;
	[bflag:$0x0] =	sbarrier.arrive $0xFFFF;
	(pc) =	sbr.rel @!p0 .LBB2_7-.Ltmp1, $4  }
0x1e: {  	[hbm:s16], [sflag:s8] =	dma.local [spmem:s10], $0x1388  }
0x1f: {  	_ =	swait.ge [sflag:s22], $0x1388  }
0x20: {  	[sflag:s22] =	ssyncset.done $0x0  }
0x21: {  	[sflag:s22] =	ssyncadd.s32 $0xFFFFEC78  }
.LBB2_1:
0x22: {  	s20 =	simm.s32 $0x100;
	s8 =	simm.s32 $0x0  }
.LBB2_2:
0x23: {  	p0 =	sne.s32 s20, $0x7C00;
	[tilespmem:s8+$0x9C70] =	vst v0;
	s10 =	smov.u32 s20;
	s20 =	sadd.s32 $0x100, s20  }
.Ltmp2:
0x24: {  	[tilespmem:s8+$0x9C60] =	vst v0;
	(pc) =	sbr.rel @p0 .LBB2_2-.Ltmp2, $3  }
0x25: {  	[tilespmem:s8+$0x9C40] =	vst v0  }
0x26: {  	[tilespmem:s8+$0x9C50] =	vst v0;
	_ =	sdelay $0x1  }
0x27: {  	s8 =	sshra.s32 s10, $0x2  }
0x28: {  	[tilespmem:s8+$0x9C70] =	vst v0  }
0x29: {  	[tilespmem:s8+$0x9C60] =	vst v0  }
0x2a: {  	[tilespmem:s8+$0x9C40] =	vst v0  }
0x2b: {  	[tilespmem:s8+$0x9C50] =	vst v0  }
0x2c: {  	[spmem:s7] =	stream.linear.scatter [tilespmem:s21], [sflag:$0x3], $0x1F40, $0x38;
	[tilespmem:$0xE4C0] =	vst v63  }
0x2d: {  	_ =	swait.ge [sflag:s22], $0x1F40  }
0x2e: {  	[sflag:s22] =	ssyncset.done $0x0  }
0x2f: {  	s20 =	rddreg [dreg:$0x3];
	[sflag:s22] =	ssyncadd.s32 $0xFFFFE0C0  }
0x30: {  	[spmem:s20] =	stream.linear.scatter [tilespmem:s21], [sflag:$0x3], $0x1F40, $0x38;
	[tilespmem:$0xE4C0] =	vst v63  }
0x31: {  	_ =	swait.ge [sflag:s22], $0x1F40  }
0x32: {  	[sflag:s22] =	ssyncset.done $0x0  }
0x33: {  	s10 =	rddreg [dreg:$0x4];
	[sflag:s22] =	ssyncadd.s32 $0xFFFFE0C0  }
0x34: {  	[spmem:s10] =	stream.linear.scatter [tilespmem:s21], [sflag:$0x3], $0x1F40, $0x38;
	[tilespmem:$0xE4C0] =	vst v63  }
0x35: {  	_ =	swait.ge [sflag:s22], $0x1F40  }
0x36: {  	[sflag:s22] =	ssyncset.done $0x0  }
0x37: {  	s11 =	rddreg [dreg:$0x5];
	[sflag:s22] =	ssyncadd.s32 $0xFFFFE0C0  }
0x38: {  	[spmem:s11] =	stream.linear.scatter [tilespmem:s21], [sflag:$0x3], $0x1F40, $0x38;
	[tilespmem:$0xE4C0] =	vst v63  }
0x39: {  	_ =	swait.ge [sflag:s22], $0x1F40  }
0x3a: {  	[sflag:s22] =	ssyncset.done $0x0  }
0x3b: {  	s20 =	rddreg [dreg:$0x6];
	[sflag:s22] =	ssyncadd.s32 $0xFFFFE0C0  }
0x3c: {  	[spmem:s20] =	stream.linear.scatter [tilespmem:s21], [sflag:$0x3], $0x1F40, $0x38;
	[tilespmem:$0xE4C0] =	vst v63  }
0x3d: {  	_ =	swait.ge [sflag:s22], $0x1F40  }
0x3e: {  	[sflag:s22] =	ssyncset.done $0x0  }
0x3f: {  	[sflag:s22] =	ssyncadd.s32 $0xFFFFE0C0  }
0x40: {  	s8 =	simm.s32 $0x0;
	[bflag:$0x0] =	sbarrier.arrive $0xFFFF  }
0x41: {  	[tilespmem:s23], [sflag:$0x3] =	stream.linear.gather [hbm4b:s12+s8], $0x50, $0x38;
	[tilespmem:$0xE4C0] =	vst v63  }
0x42: {  	_ =	swait.ge [sflag:s22], $0x50  }
0x43: {  	[sflag:s22] =	ssyncset.done $0x0  }
0x44: {  	[sflag:s22] =	ssyncadd.s32 $0xFFFFFFB0  }
0x45: {  	[tilespmem:s24], [sflag:$0x3] =	stream.linear.gather [hbm4b:s13+s8], $0x50, $0x38;
	[tilespmem:$0xE4C0] =	vst v63  }
0x46: {  	_ =	swait.ge [sflag:s22], $0x50  }
0x47: {  	[sflag:s22] =	ssyncset.done $0x0  }
0x48: {  	[sflag:s22] =	ssyncadd.s32 $0xFFFFFFB0  }
0x49: {  	[tilespmem:s26], [sflag:$0x1] =	stream.indirect.gather [hbm4b:s4+s25], $0x40, s23, s25, $0xb8;
	[tilespmem:$0xE4C0] =	vst v63  }
0x4a: {  	_ = 	snop  }
0x4b: {  	[tilespmem:s28], [sflag:$0x3] =	stream.linear.gather [hbm4b:s14+s8], $0x50, $0x38;
	[tilespmem:$0xE4C0] =	vst v63  }
0x4c: {  	_ =	swait.ge [sflag:s22], $0x50  }
0x4d: {  	[sflag:s22] =	ssyncset.done $0x0  }
0x4e: {  	[sflag:s22] =	ssyncadd.s32 $0xFFFFFFB0  }
0x4f: {  	[tilespmem:s29], [sflag:$0x3] =	stream.linear.gather [hbm4b:s15+s8], $0x50, $0x38;
	[tilespmem:$0xE4C0] =	vst v63  }
0x50: {  	_ =	swait.ge [sflag:s22], $0x50  }
0x51: {  	[sflag:s22] =	ssyncset.done $0x0  }
0x52: {  	s20 =	smov.u32 s9;
	[sflag:s22] =	ssyncadd.s32 $0xFFFFFFB0  }
0x53: {  	[tilespmem:s30], [sflag:$0x2] =	stream.indirect.gather [hbm4b:s4+s25], $0x40, s28, s25, $0xb8;
	[tilespmem:$0xE4C0] =	vst v63  }
.LBB2_4:
0x54: {  	_ =	swait.ge [sflag:s31], $0x1400  }
0x55: {  	[sflag:s31] =	ssyncset.done $0x0  }
0x56: {  	[sflag:s31] =	ssyncadd.s32 $0xFFFFEC00  }
0x57: {  	[spmem:s2] =	stream.indirect.scatter.add.f32 [tilespmem:s26], [sflag:$0x3], $0x40, s24, s25, $0xb8;
	[tilespmem:$0xE4C0] =	vst v63  }
0x58: {  	_ =	swait.ge [sflag:s22], $0x1400  }
0x59: {  	s10 =	sshrl.u32 s20, $0x3;
	[sflag:s22] =	ssyncset.done $0x0  }
0x5a: {  	s11 =	sadd.s32 s5, s10;
	[sflag:s22] =	ssyncadd.s32 $0xFFFFEC00  }
0x5b: {  	[tilespmem:s23], [sflag:$0x3] =	stream.linear.gather [hbm4b:s11+s3], $0x50, $0x38;
	[tilespmem:$0xE4C0] =	vst v63  }
0x5c: {  	_ =	swait.ge [sflag:s22], $0x50  }
0x5d: {  	[sflag:s22] =	ssyncset.done $0x0  }
0x5e: {  	s10 =	sadd.s32 s6, s10;
	[sflag:s22] =	ssyncadd.s32 $0xFFFFFFB0  }
0x5f: {  	[tilespmem:s24], [sflag:$0x3] =	stream.linear.gather [hbm4b:s10+s3], $0x50, $0x38;
	[tilespmem:$0xE4C0] =	vst v63  }
0x60: {  	_ =	swait.ge [sflag:s22], $0x50  }
0x61: {  	[sflag:s22] =	ssyncset.done $0x0  }
0x62: {  	[sflag:s22] =	ssyncadd.s32 $0xFFFFFFB0  }
0x63: {  	[tilespmem:s26], [sflag:$0x1] =	stream.indirect.gather [hbm4b:s4+s25], $0x40, s23, s25, $0xb8;
	[tilespmem:$0xE4C0] =	vst v63  }
0x64: {  	_ =	swait.ge [sflag:s0], $0x1400  }
0x65: {  	p0 =	seq.s32 s8, $0x4C4;
	[sflag:s0] =	ssyncset.done $0x0  }
.Ltmp3:
0x66: {  	[sflag:s0] =	ssyncadd.s32 $0xFFFFEC00;
	(pc) =	sbr.rel @p0 .LBB2_6-.Ltmp3, $4  }
0x67: {  	[spmem:s2] =	stream.indirect.scatter.add.f32 [tilespmem:s30], [sflag:$0x3], $0x40, s29, s25, $0xb8;
	[tilespmem:$0xE4C0] =	vst v63  }
0x68: {  	_ =	swait.ge [sflag:s22], $0x1400  }
0x69: {  	[sflag:s22] =	ssyncset.done $0x0  }
0x6a: {  	[sflag:s22] =	ssyncadd.s32 $0xFFFFEC00  }
0x6b: {  	s10 =	sadd.s32 s8, s19  }
0x6c: {  	[tilespmem:s28], [sflag:$0x3] =	stream.linear.gather [hbm4b:s10+s3], $0x50, $0x38;
	[tilespmem:$0xE4C0] =	vst v63  }
0x6d: {  	_ =	swait.ge [sflag:s22], $0x50  }
0x6e: {  	[sflag:s22] =	ssyncset.done $0x0  }
0x6f: {  	s11 =	sadd.s32 s8, s18;
	[sflag:s22] =	ssyncadd.s32 $0xFFFFFFB0  }
0x70: {  	[tilespmem:s29], [sflag:$0x3] =	stream.linear.gather [hbm4b:s11+s3], $0x50, $0x38;
	[tilespmem:$0xE4C0] =	vst v63  }
.Ltmp4:
0x71: {  	_ = 	snop;
	(pc) =	sbr.rel .LBB2_4-.Ltmp4, $4  }
0x72: {  	_ =	swait.ge [sflag:s22], $0x50  }
0x73: {  	[sflag:s22] =	ssyncset.done $0x0  }
0x74: {  	s8 =	sadd.s32 $0x14, s8;
	s20 =	sadd.s32 $0xA0, s20;
	[sflag:s22] =	ssyncadd.s32 $0xFFFFFFB0  }
0x75: {  	[tilespmem:s30], [sflag:$0x2] =	stream.indirect.gather [hbm4b:s4+s25], $0x40, s28, s25, $0xb8;
	[tilespmem:$0xE4C0] =	vst v63  }
.LBB2_7:
0x76: {  	_ =	sfence.sel $0x180000  }
0x77: {  	[bflag:$0x0] =	sbarrier.arrive $0xFFFF  }
0x78: {  	_ =	strace $0x90000050  }
0x79: {  	s0 =	stileid.u32;
	[bflag:$0x2] =	sbarrier.arrive $0xFFFF  }
0x7a: {  	p0 =	sne.s32 s0, $0x0;
	s0 =	rddreg [dreg:$0x2]  }
0x7b: {  	s0 =	sadd.s32 @!p0 $0x100000, s0  }
0x7c: {  	[sflag:s0] =	ssyncadd.tile.s32 @!p0 $0x1;
	_ =	shalt  }
.Lfunc_end2:
_tile_overlayer_lowered:
.L_overlay_start_2:
0x7d: {  	(tag) =	ssettag $0x2  }
0x7e: {  	s0 =	rddreg [dreg:$0x0];
	s2 =	stileid.u32  }
0x7f: {  	s1 =	rddreg [dreg:$0x1];
	p0 =	sne.s32 s2, $0x0  }
0x80: {  	s3 =	rddreg [dreg:$0x2];
	[bflag:$0x3] =	sbarrier.arrive $0xFFFF;
	s2 =	simm.s32 @!p0 $0x1C03  }
0x81: {  	[timem:s3], [sflag:s2] =	dma.local @!p0 [hbm:s0], s1  }
0x82: {  	s0 =	simm.s32 @!p0 $0x3  }
0x83: {  	_ =	swait.ge @!p0 [sflag:s0], s1  }
0x84: {  	s1 =	ssub.s32 @!p0 $0x0, s1;
	[sflag:s0] =	ssyncset.done @!p0 $0x0  }
0x85: {  	[sflag:s0] =	ssyncadd.s32 @!p0 s1  }
0x86: {  	[bflag:$0x3] =	sbarrier.arrive $0xFFFF  }
0x87: {  	_ =	shalt  }

</sc_bundles>
